<compile_context>
chip_gen: v7x
topology: tpu7x:2x2x1
jax: 0.10.2.dev20260603
libtpu: 0.0.44.dev20260713+nightly
codegen_flags: <defaults>
</compile_context>

<pallas_src>
import functools

import jax
import jax.numpy as jnp
from jax import lax
from jax.experimental import pallas as pl
from jax.experimental.pallas import tpu as pltpu
from jax.experimental.pallas import tpu_sc as plsc

N = 10000
E = 320000
D = 128
NC = 2
NS = 16
NW = NC * NS
CH = 125
ROWS_W = E // (NW * CH)
NBUF = 4
HALF = ROWS_W // 2
NP = 10240
STRIPE = NP // NS

_mesh = plsc.VectorSubcoreMesh(
    core_axis_name="c", subcore_axis_name="s", num_cores=NC, num_subcores=NS
)



@functools.partial(
    pl.kernel,
    out_type=jax.ShapeDtypeStruct((NC, N), jnp.float32),
    mesh=_mesh,
    scratch_types=[
        pltpu.VMEM((ROWS_W, CH), jnp.int32),
        pltpu.VMEM((128,), jnp.float32),
        pltpu.VMEM((2048,), jnp.float32),
        pltpu.VMEM_SHARED((N,), jnp.float32),
    ],
)
def _sc_counts(dst_hbm, out_hbm, dst_v, ones_v, z_v, cnt_sp):
    cid = lax.axis_index("c")
    sid = lax.axis_index("s")
    wid = sid * NC + cid

    for i in range(8):
        ones_v[pl.ds(i * 16, 16)] = jnp.ones((16,), jnp.float32)

    @pl.when(sid == 0)
    def _zero():
        def zfill(r, carry):
            z_v[pl.ds(r * 16, 16)] = jnp.zeros((16,), jnp.float32)
            return carry
        lax.fori_loop(0, 128, zfill, 0)

        def zcopy(k, carry):
            pltpu.sync_copy(z_v.at[pl.ds(0, 2000)],
                            cnt_sp.at[pl.ds(k * 2000, 2000)])
            return carry
        lax.fori_loop(0, 5, zcopy, 0)

    pltpu.sync_copy(dst_hbm.at[wid], dst_v)
    plsc.subcore_barrier()

    def body(j, carry):
        pltpu.sync_copy(ones_v.at[pl.ds(0, CH)], cnt_sp.at[dst_v.at[j]],
                        add=True)
        return carry
    lax.fori_loop(0, ROWS_W, body, 0)

    plsc.subcore_barrier()

    @pl.when(sid == 0)
    def _out():
        pltpu.sync_copy(cnt_sp, out_hbm.at[cid])


@functools.partial(
    pl.kernel,
    out_type=jax.ShapeDtypeStruct((NC, 2, NP, D), jnp.bfloat16),
    mesh=_mesh,
    scratch_types=[
        pltpu.VMEM((HALF, CH), jnp.int32),
        pltpu.VMEM((HALF, CH), jnp.int32),
        [pltpu.VMEM((128, D), jnp.bfloat16)] * NBUF,
        [pltpu.VMEM_SHARED((NP, D), jnp.bfloat16)] * 2,
        [pltpu.SemaphoreType.DMA] * NBUF,
    ],
    compiler_params=pltpu.CompilerParams(use_tc_tiling_on_sc=False),
)
def _sc_scatter(g_hbm, src3_hbm, dst3_hbm, out_hbm,
                src_v, dst_v, bufs, accs, sems):
    cid = lax.axis_index("c")
    sid = lax.axis_index("s")
    wid = sid * NC + cid
    bs = [b.at[pl.ds(0, CH), :] for b in bufs]

    def zfill(r, carry):
        for c in range(D // 32):
            bufs[0][r, pl.ds(c * 32, 32)] = jnp.zeros((32,), jnp.bfloat16)
        return carry
    lax.fori_loop(0, 128, zfill, 0)

    def zcopy(k, carry):
        for acc_sp in accs:
            pltpu.sync_copy(bufs[0],
                            acc_sp.at[pl.ds(sid * STRIPE + k * 128, 128), :])
        return carry
    lax.fori_loop(0, 5, zcopy, 0)
    plsc.subcore_barrier()

    for h in range(2):
        acc_sp = accs[h]
        pltpu.sync_copy(src3_hbm.at[wid, pl.ds(h * HALF, HALF), :], src_v)
        pltpu.sync_copy(dst3_hbm.at[wid, pl.ds(h * HALF, HALF), :], dst_v)

        for k in range(NBUF - 1):
            pltpu.async_copy(g_hbm.at[src_v.at[k]], bs[k], sems[k])

        def body(p, carry):
            for k in range(NBUF):
                j = NBUF * p + k
                pltpu.make_async_copy(g_hbm.at[src_v.at[j]], bs[k],
                                      sems[k]).wait()
                pltpu.sync_copy(bs[k], acc_sp.at[dst_v.at[j]], add=True)
                kn = (k + NBUF - 1) % NBUF

                @pl.when(j + NBUF - 1 < HALF)
                def _():
                    pltpu.async_copy(g_hbm.at[src_v.at[j + NBUF - 1]],
                                     bs[kn], sems[kn])
            return carry
        lax.fori_loop(0, HALF // NBUF, body, 0)

    plsc.subcore_barrier()
    for h in range(2):
        pltpu.sync_copy(accs[h].at[pl.ds(sid * STRIPE, STRIPE), :],
                        out_hbm.at[cid, h, pl.ds(sid * STRIPE, STRIPE), :])



BR = 1000


def _dinv_block(cnt_ref):
    c = cnt_ref[...]
    deg = c[:, 0] + c[:, 1] + 1.0
    return lax.rsqrt(deg)[:, None]


def _tc_scale_matmul_body(cnt_ref, x_ref, w_ref, g_ref):
    h = jnp.dot(x_ref[...], w_ref[...], preferred_element_type=jnp.float32)
    g_ref[...] = (_dinv_block(cnt_ref) * h).astype(jnp.bfloat16)


def _relu_z(cnt_ref, acc_ref, g_ref, b_ref):
    dinv = _dinv_block(cnt_ref)
    a = (acc_ref[0, 0].astype(jnp.float32) + acc_ref[0, 1].astype(jnp.float32)
         + acc_ref[1, 0].astype(jnp.float32) + acc_ref[1, 1].astype(jnp.float32)
         + g_ref[...].astype(jnp.float32))
    return jnp.maximum(dinv * a + b_ref[...], 0.0)


def _tc_mid_body(cnt_ref, acc_ref, g_ref, b_ref, w_ref, g2_ref):
    z = _relu_z(cnt_ref, acc_ref, g_ref, b_ref)
    h2 = jnp.dot(z, w_ref[...], preferred_element_type=jnp.float32)
    g2_ref[...] = (_dinv_block(cnt_ref) * h2).astype(jnp.bfloat16)


def _tc_final_body(cnt_ref, acc_ref, g_ref, b_ref, wfc_ref, bfc_ref, o_ref):
    z = _relu_z(cnt_ref, acc_ref, g_ref, b_ref)
    o_ref[...] = jnp.dot(z, wfc_ref[...],
                         preferred_element_type=jnp.float32) + bfc_ref[...]


_cnt_spec = pl.BlockSpec((BR, 2), lambda i: (i, 0))
_row_spec = pl.BlockSpec((BR, D), lambda i: (i, 0))
_acc_spec = pl.BlockSpec((2, 2, BR, D), lambda i: (0, 0, i, 0))
_w_spec = pl.BlockSpec((D, D), lambda i: (0, 0))
_b_spec = pl.BlockSpec((1, D), lambda i: (0, 0))

_tc_params = pltpu.CompilerParams()

_tc_scale_matmul = pl.pallas_call(
    _tc_scale_matmul_body,
    grid=(N // BR,),
    in_specs=[_cnt_spec, _row_spec, _w_spec],
    out_specs=_row_spec,
    out_shape=jax.ShapeDtypeStruct((N, D), jnp.bfloat16),
    compiler_params=_tc_params,
)

_tc_mid = pl.pallas_call(
    _tc_mid_body,
    grid=(N // BR,),
    in_specs=[_cnt_spec, _acc_spec, _row_spec, _b_spec, _w_spec],
    out_specs=_row_spec,
    out_shape=jax.ShapeDtypeStruct((N, D), jnp.bfloat16),
    compiler_params=_tc_params,
)

_tc_final = pl.pallas_call(
    _tc_final_body,
    grid=(N // BR,),
    in_specs=[_cnt_spec, _acc_spec, _row_spec, _b_spec,
              pl.BlockSpec((D, 4), lambda i: (0, 0)),
              pl.BlockSpec((1, 4), lambda i: (0, 0))],
    out_specs=pl.BlockSpec((BR, 4), lambda i: (i, 0)),
    out_shape=jax.ShapeDtypeStruct((N, 4), jnp.float32),
    compiler_params=_tc_params,
)


def kernel(x, edge_index, W1, b1, W2, b2, Wfc, bfc):
    src3 = edge_index[0].reshape(NW, ROWS_W, CH)
    dst3 = edge_index[1].reshape(NW, ROWS_W, CH)

    cnt = _sc_counts(dst3).T

    g1 = _tc_scale_matmul(cnt, x, W1)
    acc1 = _sc_scatter(g1, src3, dst3)
    g2 = _tc_mid(cnt, acc1, g1, b1.reshape(1, D), W2)
    acc2 = _sc_scatter(g2, src3, dst3)
    return _tc_final(cnt, acc2, g2, b2.reshape(1, D), Wfc,
                     bfc.reshape(1, 4))

# --- scband reference (transcript-rebuilt; emitter-appended) ---
"""Pipeline reference for scband-mutation-gnn-87574383165811 (READ-ONLY COPY).

The authoritative reference and input builder live on the scoring server;
editing this copy changes nothing except your own understanding.
"""

import jax, jax.numpy as jnp
import numpy as np

N = 10000
E = 320000
D = 128
H = 128
C = 4


def gcn_conv(x, edge_index, W, b):
    n = x.shape[0]
    loops = jnp.arange(n, dtype=edge_index.dtype)
    ei = jnp.concatenate([edge_index, jnp.stack([loops, loops])], axis=1)
    src, dst = ei[0], ei[1]
    deg = jax.ops.segment_sum(jnp.ones(ei.shape[1], x.dtype), dst, num_segments=n)
    dinv = jnp.where(deg > 0, jax.lax.rsqrt(deg), 0.0)
    norm = dinv[src] * dinv[dst]
    h = x @ W
    msg = norm[:, None] * jnp.take(h, src, axis=0)
    out = jax.ops.segment_sum(msg, dst, num_segments=n)
    return out + b


def setup_inputs(seed: int = 0) -> dict:
    key = jax.random.key(seed)
    ks = jax.random.split(key, 8)
    x = jax.random.normal(ks[0], (N, D), dtype=jnp.float32)
    edge_index = jax.random.randint(ks[1], (2, E), 0, N, dtype=jnp.int32)
    W1 = jax.random.normal(ks[2], (D, H), dtype=jnp.float32) * (1.0 / np.sqrt(D))
    b1 = jnp.zeros((H,), dtype=jnp.float32)
    W2 = jax.random.normal(ks[3], (H, H), dtype=jnp.float32) * (1.0 / np.sqrt(H))
    b2 = jnp.zeros((H,), dtype=jnp.float32)
    Wfc = jax.random.normal(ks[4], (H, C), dtype=jnp.float32) * (1.0 / np.sqrt(H))
    bfc = jnp.zeros((C,), dtype=jnp.float32)
    return {"x": x, "edge_index": edge_index, "W1": W1, "b1": b1, "W2": W2, "b2": b2, "Wfc": Wfc, "bfc": bfc}


def reference(x, edge_index, W1, b1, W2, b2, Wfc, bfc):
    h = jax.nn.relu(gcn_conv(x, edge_index, W1, b1))
    h = jax.nn.relu(gcn_conv(h, edge_index, W2, b2))
    out = h @ Wfc + bfc
    return out

if __name__ == "__main__":
    import jax
    _d = setup_inputs()
    print(jax.jit(kernel)(*tuple(_d.values())))

</pallas_src>

<mosaic_0001>
#map = affine_map<(d0, d1) -> (0, 0, 0)>
#map1 = affine_map<(d0, d1) -> (0, 0)>
module attributes {stable_mosaic.version = 14 : i64} {
  func.func @_sc_counts(%arg0: i32, %arg1: i32, %arg2: memref<32x80x125xi32, #tpu.memory_space<hbm>>, %arg3: memref<2x10000xf32, #tpu.memory_space<hbm>>, %arg4: memref<80x125xi32, #tpu.memory_space<vmem>>, %arg5: memref<128xf32, #tpu.memory_space<vmem>>, %arg6: memref<2048xf32, #tpu.memory_space<vmem>>, %arg7: memref<10000xf32, #tpu.memory_space<vmem_shared>>) attributes {dimension_semantics = [#tpu.dimension_semantics<core_parallel>, #tpu.dimension_semantics<subcore_parallel>], iteration_bounds = array<i64: 2, 16>, scalar_prefetch = 0 : i64, scratch_operands = 4 : i64, tpu.core_type = #tpu.core_type<sc_vector_subcore>, window_params = [{transform_indices = #map}, {transform_indices = #map1}]} {
    %mul3A = arith.constant 2 : i32
    %mul3A_0 = arith.muli %arg1, %mul3A : i32
    %add3A = arith.addi %mul3A_0, %arg0 : i32
    %broadcast_in_dim3A = arith.constant 1.000000e+00 : f32
    %broadcast_in_dim3A_1 = vector.broadcast %broadcast_in_dim3A : f32 to vector<16xf32>
    %swap3A = arith.constant 0 : index
    %swap3A_2 = tpu.vector_load %arg5[%swap3A] {strides = array<i32>} : memref<128xf32, #tpu.memory_space<vmem>>, vector<16xf32>,
    %swap3A_3 = vector.shape_cast %swap3A_2 : vector<16xf32> to vector<16xf32>
    %swap3A_4 = vector.shape_cast %broadcast_in_dim3A_1 : vector<16xf32> to vector<16xf32>
    tpu.vector_store %arg5[%swap3A], %swap3A_4 {strides = array<i32>} : memref<128xf32, #tpu.memory_space<vmem>>, vector<16xf32>,
    %broadcast_in_dim3A_5 = arith.constant 1.000000e+00 : f32
    %broadcast_in_dim3A_6 = vector.broadcast %broadcast_in_dim3A_5 : f32 to vector<16xf32>
    %swap3A_7 = arith.constant 16 : index
    %swap3A_8 = tpu.vector_load %arg5[%swap3A_7] {strides = array<i32>} : memref<128xf32, #tpu.memory_space<vmem>>, vector<16xf32>,
    %swap3A_9 = vector.shape_cast %swap3A_8 : vector<16xf32> to vector<16xf32>
    %swap3A_10 = vector.shape_cast %broadcast_in_dim3A_6 : vector<16xf32> to vector<16xf32>
    tpu.vector_store %arg5[%swap3A_7], %swap3A_10 {strides = array<i32>} : memref<128xf32, #tpu.memory_space<vmem>>, vector<16xf32>,
    %broadcast_in_dim3A_11 = arith.constant 1.000000e+00 : f32
    %broadcast_in_dim3A_12 = vector.broadcast %broadcast_in_dim3A_11 : f32 to vector<16xf32>
    %swap3A_13 = arith.constant 32 : index
    %swap3A_14 = tpu.vector_load %arg5[%swap3A_13] {strides = array<i32>} : memref<128xf32, #tpu.memory_space<vmem>>, vector<16xf32>,
    %swap3A_15 = vector.shape_cast %swap3A_14 : vector<16xf32> to vector<16xf32>
    %swap3A_16 = vector.shape_cast %broadcast_in_dim3A_12 : vector<16xf32> to vector<16xf32>
    tpu.vector_store %arg5[%swap3A_13], %swap3A_16 {strides = array<i32>} : memref<128xf32, #tpu.memory_space<vmem>>, vector<16xf32>,
    %broadcast_in_dim3A_17 = arith.constant 1.000000e+00 : f32
    %broadcast_in_dim3A_18 = vector.broadcast %broadcast_in_dim3A_17 : f32 to vector<16xf32>
    %swap3A_19 = arith.constant 48 : index
    %swap3A_20 = tpu.vector_load %arg5[%swap3A_19] {strides = array<i32>} : memref<128xf32, #tpu.memory_space<vmem>>, vector<16xf32>,
    %swap3A_21 = vector.shape_cast %swap3A_20 : vector<16xf32> to vector<16xf32>
    %swap3A_22 = vector.shape_cast %broadcast_in_dim3A_18 : vector<16xf32> to vector<16xf32>
    tpu.vector_store %arg5[%swap3A_19], %swap3A_22 {strides = array<i32>} : memref<128xf32, #tpu.memory_space<vmem>>, vector<16xf32>,
    %broadcast_in_dim3A_23 = arith.constant 1.000000e+00 : f32
    %broadcast_in_dim3A_24 = vector.broadcast %broadcast_in_dim3A_23 : f32 to vector<16xf32>
    %swap3A_25 = arith.constant 64 : index
    %swap3A_26 = tpu.vector_load %arg5[%swap3A_25] {strides = array<i32>} : memref<128xf32, #tpu.memory_space<vmem>>, vector<16xf32>,
    %swap3A_27 = vector.shape_cast %swap3A_26 : vector<16xf32> to vector<16xf32>
    %swap3A_28 = vector.shape_cast %broadcast_in_dim3A_24 : vector<16xf32> to vector<16xf32>
    tpu.vector_store %arg5[%swap3A_25], %swap3A_28 {strides = array<i32>} : memref<128xf32, #tpu.memory_space<vmem>>, vector<16xf32>,
    %broadcast_in_dim3A_29 = arith.constant 1.000000e+00 : f32
    %broadcast_in_dim3A_30 = vector.broadcast %broadcast_in_dim3A_29 : f32 to vector<16xf32>
    %swap3A_31 = arith.constant 80 : index
    %swap3A_32 = tpu.vector_load %arg5[%swap3A_31] {strides = array<i32>} : memref<128xf32, #tpu.memory_space<vmem>>, vector<16xf32>,
    %swap3A_33 = vector.shape_cast %swap3A_32 : vector<16xf32> to vector<16xf32>
    %swap3A_34 = vector.shape_cast %broadcast_in_dim3A_30 : vector<16xf32> to vector<16xf32>
    tpu.vector_store %arg5[%swap3A_31], %swap3A_34 {strides = array<i32>} : memref<128xf32, #tpu.memory_space<vmem>>, vector<16xf32>,
    %broadcast_in_dim3A_35 = arith.constant 1.000000e+00 : f32
    %broadcast_in_dim3A_36 = vector.broadcast %broadcast_in_dim3A_35 : f32 to vector<16xf32>
    %swap3A_37 = arith.constant 96 : index
    %swap3A_38 = tpu.vector_load %arg5[%swap3A_37] {strides = array<i32>} : memref<128xf32, #tpu.memory_space<vmem>>, vector<16xf32>,
    %swap3A_39 = vector.shape_cast %swap3A_38 : vector<16xf32> to vector<16xf32>
    %swap3A_40 = vector.shape_cast %broadcast_in_dim3A_36 : vector<16xf32> to vector<16xf32>
    tpu.vector_store %arg5[%swap3A_37], %swap3A_40 {strides = array<i32>} : memref<128xf32, #tpu.memory_space<vmem>>, vector<16xf32>,
    %broadcast_in_dim3A_41 = arith.constant 1.000000e+00 : f32
    %broadcast_in_dim3A_42 = vector.broadcast %broadcast_in_dim3A_41 : f32 to vector<16xf32>
    %swap3A_43 = arith.constant 112 : index
    %swap3A_44 = tpu.vector_load %arg5[%swap3A_43] {strides = array<i32>} : memref<128xf32, #tpu.memory_space<vmem>>, vector<16xf32>,
    %swap3A_45 = vector.shape_cast %swap3A_44 : vector<16xf32> to vector<16xf32>
    %swap3A_46 = vector.shape_cast %broadcast_in_dim3A_42 : vector<16xf32> to vector<16xf32>
    tpu.vector_store %arg5[%swap3A_43], %swap3A_46 {strides = array<i32>} : memref<128xf32, #tpu.memory_space<vmem>>, vector<16xf32>,
    %eq3A = arith.constant 0 : i32
    %eq3A_47 = arith.cmpi eq, %arg1, %eq3A : i32
    %convert_element_type3A = arith.extui %eq3A_47 : i1 to i32
    %cond3A = arith.constant 0 : i32
    %cond3A_48 = arith.cmpi ne, %convert_element_type3A, %cond3A : i32
    scf.if %cond3A_48 {
      %scan3A_60 = arith.constant 0 : i32
      %scan3A_61 = arith.constant 0 : i32
      %scan3A_62 = arith.constant 128 : i32
      %scan3A_63 = arith.addi %scan3A_61, %scan3A_62 : i32
      %scan3A_64 = arith.constant 1 : i32
      scf.for %scan3A_72 = %scan3A_61 to %scan3A_63 step %scan3A_64  : i32 {
        %broadcast_in_dim3A_73 = arith.constant 0.000000e+00 : f32
        %broadcast_in_dim3A_74 = vector.broadcast %broadcast_in_dim3A_73 : f32 to vector<16xf32>
        %mul3A_75 = arith.constant 16 : i32
        %mul3A_76 = arith.muli %scan3A_72, %mul3A_75 : i32
        %swap3A_77 = arith.index_cast %mul3A_76 : i32 to index
        %swap3A_78 = tpu.vector_load %arg6[%swap3A_77] {strides = array<i32>} : memref<2048xf32, #tpu.memory_space<vmem>>, vector<16xf32>,
        %swap3A_79 = vector.shape_cast %swap3A_78 : vector<16xf32> to vector<16xf32>
        %swap3A_80 = vector.shape_cast %broadcast_in_dim3A_74 : vector<16xf32> to vector<16xf32>
        tpu.vector_store %arg6[%swap3A_77], %swap3A_80 {strides = array<i32>} : memref<2048xf32, #tpu.memory_space<vmem>>, vector<16xf32>,
      }
      %scan3A_65 = arith.constant 128 : i32
      %scan3A_66 = arith.constant 0 : i32
      %scan3A_67 = arith.constant 0 : i32
      %scan3A_68 = arith.constant 5 : i32
      %scan3A_69 = arith.addi %scan3A_67, %scan3A_68 : i32
      %scan3A_70 = arith.constant 1 : i32
      scf.for %scan3A_72 = %scan3A_67 to %scan3A_69 step %scan3A_70  : i32 {
        %mul3A_73 = arith.constant 2000 : i32
        %mul3A_74 = arith.muli %scan3A_72, %mul3A_73 : i32
        "tpu.region"() ({
          %run_scoped3A = tpu.sem_alloc : memref<!tpu.dma_semaphore, #tpu.memory_space<semaphore_mem>>
          %dma_start3A = arith.constant 0 : i32
          %dma_start3A_75 = tpu.memref_slice %arg6[%dma_start3A] : memref<2048xf32, #tpu.memory_space<vmem>> -> memref<2000xf32, #tpu.memory_space<vmem>>
          %dma_start3A_76 = tpu.memref_slice %arg7[%mul3A_74] : memref<10000xf32, #tpu.memory_space<vmem_shared>> -> memref<2000xf32, #tpu.memory_space<vmem_shared>>
          %dma_start3A_77 = tpu.memref_slice %arg7[%mul3A_74] : memref<10000xf32, #tpu.memory_space<vmem_shared>> -> memref<2000xf32, #tpu.memory_space<vmem_shared>>
          %dma_start3A_78 = arith.constant 0 : i32
          %dma_start3A_79 = tpu.memref_slice %arg6[%dma_start3A_78] : memref<2048xf32, #tpu.memory_space<vmem>> -> memref<2000xf32, #tpu.memory_space<vmem>>
          tpu.enqueue_dma source(%dma_start3A_79 : memref<2000xf32, #tpu.memory_space<vmem>>) target(%dma_start3A_77 : memref<2000xf32, #tpu.memory_space<vmem_shared>>) target_semaphore(%run_scoped3A : memref<!tpu.dma_semaphore, #tpu.memory_space<semaphore_mem>>)
          %dma_wait3A = arith.constant 0 : i32
          %dma_wait3A_80 = tpu.memref_slice %arg6[%dma_wait3A] : memref<2048xf32, #tpu.memory_space<vmem>> -> memref<2000xf32, #tpu.memory_space<vmem>>
          %dma_wait3A_81 = tpu.memref_slice %arg7[%mul3A_74] : memref<10000xf32, #tpu.memory_space<vmem_shared>> -> memref<2000xf32, #tpu.memory_space<vmem_shared>>
          %dma_wait3A_82 = tpu.memref_slice %arg7[%mul3A_74] : memref<10000xf32, #tpu.memory_space<vmem_shared>> -> memref<2000xf32, #tpu.memory_space<vmem_shared>>
          %dma_wait3A_83 = arith.constant 0 : i32
          %dma_wait3A_84 = tpu.memref_slice %arg6[%dma_wait3A_83] : memref<2048xf32, #tpu.memory_space<vmem>> -> memref<2000xf32, #tpu.memory_space<vmem>>
          tpu.wait_dma2 semaphore(%run_scoped3A : memref<!tpu.dma_semaphore, #tpu.memory_space<semaphore_mem>>) src(%dma_wait3A_84 : memref<2000xf32, #tpu.memory_space<vmem>>) dst(%dma_wait3A_82 : memref<2000xf32, #tpu.memory_space<vmem_shared>>)
          tpu.yield
        }) : () -> ()
      }
      %scan3A_71 = arith.constant 5 : i32
    } else {
    }
    "tpu.region"() ({
      %run_scoped3A = tpu.sem_alloc : memref<!tpu.dma_semaphore, #tpu.memory_space<semaphore_mem>>
      %dma_start3A = arith.constant 0 : i32
      %dma_start3A_60 = arith.constant 0 : i32
      %dma_start3A_61 = tpu.memref_slice %arg2[%add3A, %dma_start3A, %dma_start3A_60] : memref<32x80x125xi32, #tpu.memory_space<hbm>> -> memref<1x80x125xi32, #tpu.memory_space<hbm>>
      %dma_start3A_62 = tpu.memref_squeeze %dma_start3A_61 : memref<1x80x125xi32, #tpu.memory_space<hbm>> -> memref<80x125xi32, #tpu.memory_space<hbm>>
      %dma_start3A_63 = arith.constant 0 : i32
      %dma_start3A_64 = arith.constant 0 : i32
      %dma_start3A_65 = tpu.memref_slice %arg2[%add3A, %dma_start3A_63, %dma_start3A_64] : memref<32x80x125xi32, #tpu.memory_space<hbm>> -> memref<1x80x125xi32, #tpu.memory_space<hbm>>
      %dma_start3A_66 = tpu.memref_squeeze %dma_start3A_65 : memref<1x80x125xi32, #tpu.memory_space<hbm>> -> memref<80x125xi32, #tpu.memory_space<hbm>>
      tpu.enqueue_dma source(%dma_start3A_66 : memref<80x125xi32, #tpu.memory_space<hbm>>) target(%arg4 : memref<80x125xi32, #tpu.memory_space<vmem>>) target_semaphore(%run_scoped3A : memref<!tpu.dma_semaphore, #tpu.memory_space<semaphore_mem>>)
      %dma_wait3A = arith.constant 0 : i32
      %dma_wait3A_67 = arith.constant 0 : i32
      %dma_wait3A_68 = tpu.memref_slice %arg2[%add3A, %dma_wait3A, %dma_wait3A_67] : memref<32x80x125xi32, #tpu.memory_space<hbm>> -> memref<1x80x125xi32, #tpu.memory_space<hbm>>
      %dma_wait3A_69 = tpu.memref_squeeze %dma_wait3A_68 : memref<1x80x125xi32, #tpu.memory_space<hbm>> -> memref<80x125xi32, #tpu.memory_space<hbm>>
      %dma_wait3A_70 = arith.constant 0 : i32
      %dma_wait3A_71 = arith.constant 0 : i32
      %dma_wait3A_72 = tpu.memref_slice %arg2[%add3A, %dma_wait3A_70, %dma_wait3A_71] : memref<32x80x125xi32, #tpu.memory_space<hbm>> -> memref<1x80x125xi32, #tpu.memory_space<hbm>>
      %dma_wait3A_73 = tpu.memref_squeeze %dma_wait3A_72 : memref<1x80x125xi32, #tpu.memory_space<hbm>> -> memref<80x125xi32, #tpu.memory_space<hbm>>
      tpu.wait_dma2 semaphore(%run_scoped3A : memref<!tpu.dma_semaphore, #tpu.memory_space<semaphore_mem>>) src(%dma_wait3A_73 : memref<80x125xi32, #tpu.memory_space<hbm>>) dst(%arg4 : memref<80x125xi32, #tpu.memory_space<vmem>>)
      tpu.yield
    }) : () -> ()
    %barrier3A = arith.constant 0 : index
    tpu.barrier barrier_id(%barrier3A)
    %scan3A = arith.constant 0 : i32
    %scan3A_49 = arith.constant 0 : i32
    %scan3A_50 = arith.constant 80 : i32
    %scan3A_51 = arith.addi %scan3A_49, %scan3A_50 : i32
    %scan3A_52 = arith.constant 1 : i32
    scf.for %scan3A_60 = %scan3A_49 to %scan3A_51 step %scan3A_52  : i32 {
      "tpu.region"() ({
        %run_scoped3A = tpu.sem_alloc : memref<!tpu.dma_semaphore, #tpu.memory_space<semaphore_mem>>
        %dma_start3A = arith.constant 0 : i32
        %dma_start3A_61 = tpu.memref_slice %arg5[%dma_start3A] : memref<128xf32, #tpu.memory_space<vmem>> -> memref<125xf32, #tpu.memory_space<vmem>>
        %dma_start3A_62 = arith.constant 0 : i32
        %dma_start3A_63 = tpu.memref_slice %arg4[%scan3A_60, %dma_start3A_62] : memref<80x125xi32, #tpu.memory_space<vmem>> -> memref<1x125xi32, #tpu.memory_space<vmem>>
        %dma_start3A_64 = tpu.memref_squeeze %dma_start3A_63 : memref<1x125xi32, #tpu.memory_space<vmem>> -> memref<125xi32, #tpu.memory_space<vmem>>
        %dma_start3A_65 = arith.constant 0 : i32
        %dma_start3A_66 = tpu.memref_slice %arg7[%dma_start3A_65] : memref<10000xf32, #tpu.memory_space<vmem_shared>> -> memref<10000xf32, #tpu.memory_space<vmem_shared>>
        tpu.enqueue_indirect_dma source(%dma_start3A_61 : memref<125xf32, #tpu.memory_space<vmem>>) target(%dma_start3A_66 : memref<10000xf32, #tpu.memory_space<vmem_shared>>) offsets(%dma_start3A_64 : memref<125xi32, #tpu.memory_space<vmem>>) semaphore(%run_scoped3A : memref<!tpu.dma_semaphore, #tpu.memory_space<semaphore_mem>>) {add = true}
        %dma_wait3A = arith.constant 0 : i32
        %dma_wait3A_67 = tpu.memref_slice %arg5[%dma_wait3A] : memref<128xf32, #tpu.memory_space<vmem>> -> memref<125xf32, #tpu.memory_space<vmem>>
        %dma_wait3A_68 = arith.constant 0 : i32
        %dma_wait3A_69 = tpu.memref_slice %arg4[%scan3A_60, %dma_wait3A_68] : memref<80x125xi32, #tpu.memory_space<vmem>> -> memref<1x125xi32, #tpu.memory_space<vmem>>
        %dma_wait3A_70 = tpu.memref_squeeze %dma_wait3A_69 : memref<1x125xi32, #tpu.memory_space<vmem>> -> memref<125xi32, #tpu.memory_space<vmem>>
        %dma_wait3A_71 = arith.constant 0 : i32
        %dma_wait3A_72 = tpu.memref_slice %arg7[%dma_wait3A_71] : memref<10000xf32, #tpu.memory_space<vmem_shared>> -> memref<10000xf32, #tpu.memory_space<vmem_shared>>
        tpu.wait_indirect_dma semaphore(%run_scoped3A : memref<!tpu.dma_semaphore, #tpu.memory_space<semaphore_mem>>) src(%dma_wait3A_67 : memref<125xf32, #tpu.memory_space<vmem>>) dst(%dma_wait3A_72 : memref<10000xf32, #tpu.memory_space<vmem_shared>>)
        tpu.yield
      }) : () -> ()
    }
    %scan3A_53 = arith.constant 80 : i32
    %barrier3A_54 = arith.constant 0 : index
    tpu.barrier barrier_id(%barrier3A_54)
    %eq3A_55 = arith.constant 0 : i32
    %eq3A_56 = arith.cmpi eq, %arg1, %eq3A_55 : i32
    %convert_element_type3A_57 = arith.extui %eq3A_56 : i1 to i32
    %cond3A_58 = arith.constant 0 : i32
    %cond3A_59 = arith.cmpi ne, %convert_element_type3A_57, %cond3A_58 : i32
    scf.if %cond3A_59 {
      "tpu.region"() ({
        %run_scoped3A = tpu.sem_alloc : memref<!tpu.dma_semaphore, #tpu.memory_space<semaphore_mem>>
        %dma_start3A = arith.constant 0 : i32
        %dma_start3A_60 = tpu.memref_slice %arg3[%arg0, %dma_start3A] : memref<2x10000xf32, #tpu.memory_space<hbm>> -> memref<1x10000xf32, #tpu.memory_space<hbm>>
        %dma_start3A_61 = tpu.memref_squeeze %dma_start3A_60 : memref<1x10000xf32, #tpu.memory_space<hbm>> -> memref<10000xf32, #tpu.memory_space<hbm>>
        tpu.enqueue_dma source(%arg7 : memref<10000xf32, #tpu.memory_space<vmem_shared>>) target(%dma_start3A_61 : memref<10000xf32, #tpu.memory_space<hbm>>) target_semaphore(%run_scoped3A : memref<!tpu.dma_semaphore, #tpu.memory_space<semaphore_mem>>)
        %dma_wait3A = arith.constant 0 : i32
        %dma_wait3A_62 = tpu.memref_slice %arg3[%arg0, %dma_wait3A] : memref<2x10000xf32, #tpu.memory_space<hbm>> -> memref<1x10000xf32, #tpu.memory_space<hbm>>
        %dma_wait3A_63 = tpu.memref_squeeze %dma_wait3A_62 : memref<1x10000xf32, #tpu.memory_space<hbm>> -> memref<10000xf32, #tpu.memory_space<hbm>>
        tpu.wait_dma2 semaphore(%run_scoped3A : memref<!tpu.dma_semaphore, #tpu.memory_space<semaphore_mem>>) src(%arg7 : memref<10000xf32, #tpu.memory_space<vmem_shared>>) dst(%dma_wait3A_63 : memref<10000xf32, #tpu.memory_space<hbm>>)
        tpu.yield
      }) : () -> ()
    } else {
    }
    return
  }
}

#map = affine_map<(d0, d1) -> (0, 0)>
#map1 = affine_map<(d0, d1) -> (0, 0, 0)>
#map2 = affine_map<(d0, d1) -> (0, 0, 0, 0)>
module attributes {stable_mosaic.version = 14 : i64} {
  func.func @_sc_scatter(%arg0: i32, %arg1: i32, %arg2: memref<10000x128xbf16, #tpu.memory_space<hbm>>, %arg3: memref<32x80x125xi32, #tpu.memory_space<hbm>>, %arg4: memref<32x80x125xi32, #tpu.memory_space<hbm>>, %arg5: memref<2x2x10240x128xbf16, #tpu.memory_space<hbm>>, %arg6: memref<40x125xi32, #tpu.memory_space<vmem>>, %arg7: memref<40x125xi32, #tpu.memory_space<vmem>>, %arg8: memref<128x128xbf16, #tpu.memory_space<vmem>>, %arg9: memref<128x128xbf16, #tpu.memory_space<vmem>>, %arg10: memref<128x128xbf16, #tpu.memory_space<vmem>>, %arg11: memref<128x128xbf16, #tpu.memory_space<vmem>>, %arg12: memref<10240x128xbf16, #tpu.memory_space<vmem_shared>>, %arg13: memref<10240x128xbf16, #tpu.memory_space<vmem_shared>>, %arg14: memref<!tpu.dma_semaphore, #tpu.memory_space<semaphore_mem>>, %arg15: memref<!tpu.dma_semaphore, #tpu.memory_space<semaphore_mem>>, %arg16: memref<!tpu.dma_semaphore, #tpu.memory_space<semaphore_mem>>, %arg17: memref<!tpu.dma_semaphore, #tpu.memory_space<semaphore_mem>>) attributes {dimension_semantics = [#tpu.dimension_semantics<core_parallel>, #tpu.dimension_semantics<subcore_parallel>], iteration_bounds = array<i64: 2, 16>, scalar_prefetch = 0 : i64, scratch_operands = 12 : i64, tpu.core_type = #tpu.core_type<sc_vector_subcore>, window_params = [{transform_indices = #map}, {transform_indices = #map1}, {transform_indices = #map1}, {transform_indices = #map2}]} {
    %mul3A = arith.constant 2 : i32
    %mul3A_0 = arith.muli %arg1, %mul3A : i32
    %add3A = arith.addi %mul3A_0, %arg0 : i32
    %scan3A = arith.constant 0 : i32
    %scan3A_1 = arith.constant 0 : i32
    %scan3A_2 = arith.constant 128 : i32
    %scan3A_3 = arith.addi %scan3A_1, %scan3A_2 : i32
    %scan3A_4 = arith.constant 1 : i32
    scf.for %scan3A_93 = %scan3A_1 to %scan3A_3 step %scan3A_4  : i32 {
      %broadcast_in_dim3A = arith.constant 0.000000e+00 : bf16
      %broadcast_in_dim3A_94 = vector.broadcast %broadcast_in_dim3A : bf16 to vector<32xbf16>
      %swap3A = arith.index_cast %scan3A_93 : i32 to index
      %swap3A_95 = arith.constant 0 : index
      %swap3A_96 = tpu.vector_load %arg8[%swap3A, %swap3A_95] {strides = array<i32>} : memref<128x128xbf16, #tpu.memory_space<vmem>>, vector<1x32xbf16>,
      %swap3A_97 = vector.shape_cast %swap3A_96 : vector<1x32xbf16> to vector<32xbf16>
      %swap3A_98 = vector.shape_cast %broadcast_in_dim3A_94 : vector<32xbf16> to vector<1x32xbf16>
      tpu.vector_store %arg8[%swap3A, %swap3A_95], %swap3A_98 {strides = array<i32>} : memref<128x128xbf16, #tpu.memory_space<vmem>>, vector<1x32xbf16>,
      %broadcast_in_dim3A_99 = arith.constant 0.000000e+00 : bf16
      %broadcast_in_dim3A_100 = vector.broadcast %broadcast_in_dim3A_99 : bf16 to vector<32xbf16>
      %swap3A_101 = arith.index_cast %scan3A_93 : i32 to index
      %swap3A_102 = arith.constant 32 : index
      %swap3A_103 = tpu.vector_load %arg8[%swap3A_101, %swap3A_102] {strides = array<i32>} : memref<128x128xbf16, #tpu.memory_space<vmem>>, vector<1x32xbf16>,
      %swap3A_104 = vector.shape_cast %swap3A_103 : vector<1x32xbf16> to vector<32xbf16>
      %swap3A_105 = vector.shape_cast %broadcast_in_dim3A_100 : vector<32xbf16> to vector<1x32xbf16>
      tpu.vector_store %arg8[%swap3A_101, %swap3A_102], %swap3A_105 {strides = array<i32>} : memref<128x128xbf16, #tpu.memory_space<vmem>>, vector<1x32xbf16>,
      %broadcast_in_dim3A_106 = arith.constant 0.000000e+00 : bf16
      %broadcast_in_dim3A_107 = vector.broadcast %broadcast_in_dim3A_106 : bf16 to vector<32xbf16>
      %swap3A_108 = arith.index_cast %scan3A_93 : i32 to index
      %swap3A_109 = arith.constant 64 : index
      %swap3A_110 = tpu.vector_load %arg8[%swap3A_108, %swap3A_109] {strides = array<i32>} : memref<128x128xbf16, #tpu.memory_space<vmem>>, vector<1x32xbf16>,
      %swap3A_111 = vector.shape_cast %swap3A_110 : vector<1x32xbf16> to vector<32xbf16>
      %swap3A_112 = vector.shape_cast %broadcast_in_dim3A_107 : vector<32xbf16> to vector<1x32xbf16>
      tpu.vector_store %arg8[%swap3A_108, %swap3A_109], %swap3A_112 {strides = array<i32>} : memref<128x128xbf16, #tpu.memory_space<vmem>>, vector<1x32xbf16>,
      %broadcast_in_dim3A_113 = arith.constant 0.000000e+00 : bf16
      %broadcast_in_dim3A_114 = vector.broadcast %broadcast_in_dim3A_113 : bf16 to vector<32xbf16>
      %swap3A_115 = arith.index_cast %scan3A_93 : i32 to index
      %swap3A_116 = arith.constant 96 : index
      %swap3A_117 = tpu.vector_load %arg8[%swap3A_115, %swap3A_116] {strides = array<i32>} : memref<128x128xbf16, #tpu.memory_space<vmem>>, vector<1x32xbf16>,
      %swap3A_118 = vector.shape_cast %swap3A_117 : vector<1x32xbf16> to vector<32xbf16>
      %swap3A_119 = vector.shape_cast %broadcast_in_dim3A_114 : vector<32xbf16> to vector<1x32xbf16>
      tpu.vector_store %arg8[%swap3A_115, %swap3A_116], %swap3A_119 {strides = array<i32>} : memref<128x128xbf16, #tpu.memory_space<vmem>>, vector<1x32xbf16>,
    }
    %scan3A_5 = arith.constant 128 : i32
    %scan3A_6 = arith.constant 0 : i32
    %scan3A_7 = arith.constant 0 : i32
    %scan3A_8 = arith.constant 5 : i32
    %scan3A_9 = arith.addi %scan3A_7, %scan3A_8 : i32
    %scan3A_10 = arith.constant 1 : i32
    scf.for %scan3A_93 = %scan3A_7 to %scan3A_9 step %scan3A_10  : i32 {
      %mul3A_94 = arith.constant 640 : i32
      %mul3A_95 = arith.muli %arg1, %mul3A_94 : i32
      %mul3A_96 = arith.constant 128 : i32
      %mul3A_97 = arith.muli %scan3A_93, %mul3A_96 : i32
      %add3A_98 = arith.addi %mul3A_95, %mul3A_97 : i32
      "tpu.region"() ({
        %run_scoped3A_104 = tpu.sem_alloc : memref<!tpu.dma_semaphore, #tpu.memory_space<semaphore_mem>>
        %dma_start3A_105 = arith.constant 0 : i32
        %dma_start3A_106 = tpu.memref_slice %arg12[%add3A_98, %dma_start3A_105] : memref<10240x128xbf16, #tpu.memory_space<vmem_shared>> -> memref<128x128xbf16, #tpu.memory_space<vmem_shared>>
        %dma_start3A_107 = arith.constant 0 : i32
        %dma_start3A_108 = tpu.memref_slice %arg12[%add3A_98, %dma_start3A_107] : memref<10240x128xbf16, #tpu.memory_space<vmem_shared>> -> memref<128x128xbf16, #tpu.memory_space<vmem_shared>>
        tpu.enqueue_dma source(%arg8 : memref<128x128xbf16, #tpu.memory_space<vmem>>) target(%dma_start3A_108 : memref<128x128xbf16, #tpu.memory_space<vmem_shared>>) target_semaphore(%run_scoped3A_104 : memref<!tpu.dma_semaphore, #tpu.memory_space<semaphore_mem>>)
        %dma_wait3A = arith.constant 0 : i32
        %dma_wait3A_109 = tpu.memref_slice %arg12[%add3A_98, %dma_wait3A] : memref<10240x128xbf16, #tpu.memory_space<vmem_shared>> -> memref<128x128xbf16, #tpu.memory_space<vmem_shared>>
        %dma_wait3A_110 = arith.constant 0 : i32
        %dma_wait3A_111 = tpu.memref_slice %arg12[%add3A_98, %dma_wait3A_110] : memref<10240x128xbf16, #tpu.memory_space<vmem_shared>> -> memref<128x128xbf16, #tpu.memory_space<vmem_shared>>
        tpu.wait_dma2 semaphore(%run_scoped3A_104 : memref<!tpu.dma_semaphore, #tpu.memory_space<semaphore_mem>>) src(%arg8 : memref<128x128xbf16, #tpu.memory_space<vmem>>) dst(%dma_wait3A_111 : memref<128x128xbf16, #tpu.memory_space<vmem_shared>>)
        tpu.yield
      }) : () -> ()
      %mul3A_99 = arith.constant 640 : i32
      %mul3A_100 = arith.muli %arg1, %mul3A_99 : i32
      %mul3A_101 = arith.constant 128 : i32
      %mul3A_102 = arith.muli %scan3A_93, %mul3A_101 : i32
      %add3A_103 = arith.addi %mul3A_100, %mul3A_102 : i32
      "tpu.region"() ({
        %run_scoped3A_104 = tpu.sem_alloc : memref<!tpu.dma_semaphore, #tpu.memory_space<semaphore_mem>>
        %dma_start3A_105 = arith.constant 0 : i32
        %dma_start3A_106 = tpu.memref_slice %arg13[%add3A_103, %dma_start3A_105] : memref<10240x128xbf16, #tpu.memory_space<vmem_shared>> -> memref<128x128xbf16, #tpu.memory_space<vmem_shared>>
        %dma_start3A_107 = arith.constant 0 : i32
        %dma_start3A_108 = tpu.memref_slice %arg13[%add3A_103, %dma_start3A_107] : memref<10240x128xbf16, #tpu.memory_space<vmem_shared>> -> memref<128x128xbf16, #tpu.memory_space<vmem_shared>>
        tpu.enqueue_dma source(%arg8 : memref<128x128xbf16, #tpu.memory_space<vmem>>) target(%dma_start3A_108 : memref<128x128xbf16, #tpu.memory_space<vmem_shared>>) target_semaphore(%run_scoped3A_104 : memref<!tpu.dma_semaphore, #tpu.memory_space<semaphore_mem>>)
        %dma_wait3A = arith.constant 0 : i32
        %dma_wait3A_109 = tpu.memref_slice %arg13[%add3A_103, %dma_wait3A] : memref<10240x128xbf16, #tpu.memory_space<vmem_shared>> -> memref<128x128xbf16, #tpu.memory_space<vmem_shared>>
        %dma_wait3A_110 = arith.constant 0 : i32
        %dma_wait3A_111 = tpu.memref_slice %arg13[%add3A_103, %dma_wait3A_110] : memref<10240x128xbf16, #tpu.memory_space<vmem_shared>> -> memref<128x128xbf16, #tpu.memory_space<vmem_shared>>
        tpu.wait_dma2 semaphore(%run_scoped3A_104 : memref<!tpu.dma_semaphore, #tpu.memory_space<semaphore_mem>>) src(%arg8 : memref<128x128xbf16, #tpu.memory_space<vmem>>) dst(%dma_wait3A_111 : memref<128x128xbf16, #tpu.memory_space<vmem_shared>>)
        tpu.yield
      }) : () -> ()
    }
    %scan3A_11 = arith.constant 5 : i32
    %barrier3A = arith.constant 0 : index
    tpu.barrier barrier_id(%barrier3A)
    "tpu.region"() ({
      %run_scoped3A_93 = tpu.sem_alloc : memref<!tpu.dma_semaphore, #tpu.memory_space<semaphore_mem>>
      %dma_start3A_94 = arith.constant 0 : i32
      %dma_start3A_95 = arith.constant 0 : i32
      %dma_start3A_96 = tpu.memref_slice %arg3[%add3A, %dma_start3A_94, %dma_start3A_95] : memref<32x80x125xi32, #tpu.memory_space<hbm>> -> memref<1x40x125xi32, #tpu.memory_space<hbm>>
      %dma_start3A_97 = tpu.memref_squeeze %dma_start3A_96 : memref<1x40x125xi32, #tpu.memory_space<hbm>> -> memref<40x125xi32, #tpu.memory_space<hbm>>
      %dma_start3A_98 = arith.constant 0 : i32
      %dma_start3A_99 = arith.constant 0 : i32
      %dma_start3A_100 = tpu.memref_slice %arg3[%add3A, %dma_start3A_98, %dma_start3A_99] : memref<32x80x125xi32, #tpu.memory_space<hbm>> -> memref<1x40x125xi32, #tpu.memory_space<hbm>>
      %dma_start3A_101 = tpu.memref_squeeze %dma_start3A_100 : memref<1x40x125xi32, #tpu.memory_space<hbm>> -> memref<40x125xi32, #tpu.memory_space<hbm>>
      tpu.enqueue_dma source(%dma_start3A_101 : memref<40x125xi32, #tpu.memory_space<hbm>>) target(%arg6 : memref<40x125xi32, #tpu.memory_space<vmem>>) target_semaphore(%run_scoped3A_93 : memref<!tpu.dma_semaphore, #tpu.memory_space<semaphore_mem>>)
      %dma_wait3A = arith.constant 0 : i32
      %dma_wait3A_102 = arith.constant 0 : i32
      %dma_wait3A_103 = tpu.memref_slice %arg3[%add3A, %dma_wait3A, %dma_wait3A_102] : memref<32x80x125xi32, #tpu.memory_space<hbm>> -> memref<1x40x125xi32, #tpu.memory_space<hbm>>
      %dma_wait3A_104 = tpu.memref_squeeze %dma_wait3A_103 : memref<1x40x125xi32, #tpu.memory_space<hbm>> -> memref<40x125xi32, #tpu.memory_space<hbm>>
      %dma_wait3A_105 = arith.constant 0 : i32
      %dma_wait3A_106 = arith.constant 0 : i32
      %dma_wait3A_107 = tpu.memref_slice %arg3[%add3A, %dma_wait3A_105, %dma_wait3A_106] : memref<32x80x125xi32, #tpu.memory_space<hbm>> -> memref<1x40x125xi32, #tpu.memory_space<hbm>>
      %dma_wait3A_108 = tpu.memref_squeeze %dma_wait3A_107 : memref<1x40x125xi32, #tpu.memory_space<hbm>> -> memref<40x125xi32, #tpu.memory_space<hbm>>
      tpu.wait_dma2 semaphore(%run_scoped3A_93 : memref<!tpu.dma_semaphore, #tpu.memory_space<semaphore_mem>>) src(%dma_wait3A_108 : memref<40x125xi32, #tpu.memory_space<hbm>>) dst(%arg6 : memref<40x125xi32, #tpu.memory_space<vmem>>)
      tpu.yield
    }) : () -> ()
    "tpu.region"() ({
      %run_scoped3A_93 = tpu.sem_alloc : memref<!tpu.dma_semaphore, #tpu.memory_space<semaphore_mem>>
      %dma_start3A_94 = arith.constant 0 : i32
      %dma_start3A_95 = arith.constant 0 : i32
      %dma_start3A_96 = tpu.memref_slice %arg4[%add3A, %dma_start3A_94, %dma_start3A_95] : memref<32x80x125xi32, #tpu.memory_space<hbm>> -> memref<1x40x125xi32, #tpu.memory_space<hbm>>
      %dma_start3A_97 = tpu.memref_squeeze %dma_start3A_96 : memref<1x40x125xi32, #tpu.memory_space<hbm>> -> memref<40x125xi32, #tpu.memory_space<hbm>>
      %dma_start3A_98 = arith.constant 0 : i32
      %dma_start3A_99 = arith.constant 0 : i32
      %dma_start3A_100 = tpu.memref_slice %arg4[%add3A, %dma_start3A_98, %dma_start3A_99] : memref<32x80x125xi32, #tpu.memory_space<hbm>> -> memref<1x40x125xi32, #tpu.memory_space<hbm>>
      %dma_start3A_101 = tpu.memref_squeeze %dma_start3A_100 : memref<1x40x125xi32, #tpu.memory_space<hbm>> -> memref<40x125xi32, #tpu.memory_space<hbm>>
      tpu.enqueue_dma source(%dma_start3A_101 : memref<40x125xi32, #tpu.memory_space<hbm>>) target(%arg7 : memref<40x125xi32, #tpu.memory_space<vmem>>) target_semaphore(%run_scoped3A_93 : memref<!tpu.dma_semaphore, #tpu.memory_space<semaphore_mem>>)
      %dma_wait3A = arith.constant 0 : i32
      %dma_wait3A_102 = arith.constant 0 : i32
      %dma_wait3A_103 = tpu.memref_slice %arg4[%add3A, %dma_wait3A, %dma_wait3A_102] : memref<32x80x125xi32, #tpu.memory_space<hbm>> -> memref<1x40x125xi32, #tpu.memory_space<hbm>>
      %dma_wait3A_104 = tpu.memref_squeeze %dma_wait3A_103 : memref<1x40x125xi32, #tpu.memory_space<hbm>> -> memref<40x125xi32, #tpu.memory_space<hbm>>
      %dma_wait3A_105 = arith.constant 0 : i32
      %dma_wait3A_106 = arith.constant 0 : i32
      %dma_wait3A_107 = tpu.memref_slice %arg4[%add3A, %dma_wait3A_105, %dma_wait3A_106] : memref<32x80x125xi32, #tpu.memory_space<hbm>> -> memref<1x40x125xi32, #tpu.memory_space<hbm>>
      %dma_wait3A_108 = tpu.memref_squeeze %dma_wait3A_107 : memref<1x40x125xi32, #tpu.memory_space<hbm>> -> memref<40x125xi32, #tpu.memory_space<hbm>>
      tpu.wait_dma2 semaphore(%run_scoped3A_93 : memref<!tpu.dma_semaphore, #tpu.memory_space<semaphore_mem>>) src(%dma_wait3A_108 : memref<40x125xi32, #tpu.memory_space<hbm>>) dst(%arg7 : memref<40x125xi32, #tpu.memory_space<vmem>>)
      tpu.yield
    }) : () -> ()
    %dma_start3A = arith.constant 0 : i32
    %dma_start3A_12 = arith.constant 0 : i32
    %dma_start3A_13 = arith.constant 0 : i32
    %dma_start3A_14 = tpu.memref_slice %arg8[%dma_start3A_12, %dma_start3A_13] : memref<128x128xbf16, #tpu.memory_space<vmem>> -> memref<125x128xbf16, #tpu.memory_space<vmem>>
    %dma_start3A_15 = arith.constant 0 : i32
    %dma_start3A_16 = tpu.memref_slice %arg6[%dma_start3A, %dma_start3A_15] : memref<40x125xi32, #tpu.memory_space<vmem>> -> memref<1x125xi32, #tpu.memory_space<vmem>>
    %dma_start3A_17 = tpu.memref_squeeze %dma_start3A_16 : memref<1x125xi32, #tpu.memory_space<vmem>> -> memref<125xi32, #tpu.memory_space<vmem>>
    %dma_start3A_18 = arith.constant 0 : i32
    %dma_start3A_19 = arith.constant 0 : i32
    %dma_start3A_20 = tpu.memref_slice %arg2[%dma_start3A_18, %dma_start3A_19] : memref<10000x128xbf16, #tpu.memory_space<hbm>> -> memref<10000x128xbf16, #tpu.memory_space<hbm>>
    tpu.enqueue_indirect_dma source(%dma_start3A_20 : memref<10000x128xbf16, #tpu.memory_space<hbm>>) target(%dma_start3A_14 : memref<125x128xbf16, #tpu.memory_space<vmem>>) offsets(%dma_start3A_17 : memref<125xi32, #tpu.memory_space<vmem>>) semaphore(%arg14 : memref<!tpu.dma_semaphore, #tpu.memory_space<semaphore_mem>>)
    %dma_start3A_21 = arith.constant 1 : i32
    %dma_start3A_22 = arith.constant 0 : i32
    %dma_start3A_23 = arith.constant 0 : i32
    %dma_start3A_24 = tpu.memref_slice %arg9[%dma_start3A_22, %dma_start3A_23] : memref<128x128xbf16, #tpu.memory_space<vmem>> -> memref<125x128xbf16, #tpu.memory_space<vmem>>
    %dma_start3A_25 = arith.constant 0 : i32
    %dma_start3A_26 = tpu.memref_slice %arg6[%dma_start3A_21, %dma_start3A_25] : memref<40x125xi32, #tpu.memory_space<vmem>> -> memref<1x125xi32, #tpu.memory_space<vmem>>
    %dma_start3A_27 = tpu.memref_squeeze %dma_start3A_26 : memref<1x125xi32, #tpu.memory_space<vmem>> -> memref<125xi32, #tpu.memory_space<vmem>>
    %dma_start3A_28 = arith.constant 0 : i32
    %dma_start3A_29 = arith.constant 0 : i32
    %dma_start3A_30 = tpu.memref_slice %arg2[%dma_start3A_28, %dma_start3A_29] : memref<10000x128xbf16, #tpu.memory_space<hbm>> -> memref<10000x128xbf16, #tpu.memory_space<hbm>>
    tpu.enqueue_indirect_dma source(%dma_start3A_30 : memref<10000x128xbf16, #tpu.memory_space<hbm>>) target(%dma_start3A_24 : memref<125x128xbf16, #tpu.memory_space<vmem>>) offsets(%dma_start3A_27 : memref<125xi32, #tpu.memory_space<vmem>>) semaphore(%arg15 : memref<!tpu.dma_semaphore, #tpu.memory_space<semaphore_mem>>)
    %dma_start3A_31 = arith.constant 2 : i32
    %dma_start3A_32 = arith.constant 0 : i32
    %dma_start3A_33 = arith.constant 0 : i32
    %dma_start3A_34 = tpu.memref_slice %arg10[%dma_start3A_32, %dma_start3A_33] : memref<128x128xbf16, #tpu.memory_space<vmem>> -> memref<125x128xbf16, #tpu.memory_space<vmem>>
    %dma_start3A_35 = arith.constant 0 : i32
    %dma_start3A_36 = tpu.memref_slice %arg6[%dma_start3A_31, %dma_start3A_35] : memref<40x125xi32, #tpu.memory_space<vmem>> -> memref<1x125xi32, #tpu.memory_space<vmem>>
    %dma_start3A_37 = tpu.memref_squeeze %dma_start3A_36 : memref<1x125xi32, #tpu.memory_space<vmem>> -> memref<125xi32, #tpu.memory_space<vmem>>
    %dma_start3A_38 = arith.constant 0 : i32
    %dma_start3A_39 = arith.constant 0 : i32
    %dma_start3A_40 = tpu.memref_slice %arg2[%dma_start3A_38, %dma_start3A_39] : memref<10000x128xbf16, #tpu.memory_space<hbm>> -> memref<10000x128xbf16, #tpu.memory_space<hbm>>
    tpu.enqueue_indirect_dma source(%dma_start3A_40 : memref<10000x128xbf16, #tpu.memory_space<hbm>>) target(%dma_start3A_34 : memref<125x128xbf16, #tpu.memory_space<vmem>>) offsets(%dma_start3A_37 : memref<125xi32, #tpu.memory_space<vmem>>) semaphore(%arg16 : memref<!tpu.dma_semaphore, #tpu.memory_space<semaphore_mem>>)
    %scan3A_41 = arith.constant 0 : i32
    %scan3A_42 = arith.constant 0 : i32
    %scan3A_43 = arith.constant 10 : i32
    %scan3A_44 = arith.addi %scan3A_42, %scan3A_43 : i32
    %scan3A_45 = arith.constant 1 : i32
    scf.for %scan3A_93 = %scan3A_42 to %scan3A_44 step %scan3A_45  : i32 {
      %mul3A_94 = arith.constant 4 : i32
      %mul3A_95 = arith.muli %mul3A_94, %scan3A_93 : i32
      %add3A_96 = arith.constant 0 : i32
      %add3A_97 = arith.addi %mul3A_95, %add3A_96 : i32
      %dma_wait3A = arith.constant 0 : i32
      %dma_wait3A_98 = arith.constant 0 : i32
      %dma_wait3A_99 = tpu.memref_slice %arg8[%dma_wait3A, %dma_wait3A_98] : memref<128x128xbf16, #tpu.memory_space<vmem>> -> memref<125x128xbf16, #tpu.memory_space<vmem>>
      %dma_wait3A_100 = arith.constant 0 : i32
      %dma_wait3A_101 = tpu.memref_slice %arg6[%add3A_97, %dma_wait3A_100] : memref<40x125xi32, #tpu.memory_space<vmem>> -> memref<1x125xi32, #tpu.memory_space<vmem>>
      %dma_wait3A_102 = tpu.memref_squeeze %dma_wait3A_101 : memref<1x125xi32, #tpu.memory_space<vmem>> -> memref<125xi32, #tpu.memory_space<vmem>>
      %dma_wait3A_103 = arith.constant 0 : i32
      %dma_wait3A_104 = arith.constant 0 : i32
      %dma_wait3A_105 = tpu.memref_slice %arg2[%dma_wait3A_103, %dma_wait3A_104] : memref<10000x128xbf16, #tpu.memory_space<hbm>> -> memref<10000x128xbf16, #tpu.memory_space<hbm>>
      tpu.wait_indirect_dma semaphore(%arg14 : memref<!tpu.dma_semaphore, #tpu.memory_space<semaphore_mem>>) src(%dma_wait3A_105 : memref<10000x128xbf16, #tpu.memory_space<hbm>>) dst(%dma_wait3A_99 : memref<125x128xbf16, #tpu.memory_space<vmem>>)
      "tpu.region"() ({
        %run_scoped3A_177 = tpu.sem_alloc : memref<!tpu.dma_semaphore, #tpu.memory_space<semaphore_mem>>
        %dma_start3A_178 = arith.constant 0 : i32
        %dma_start3A_179 = arith.constant 0 : i32
        %dma_start3A_180 = tpu.memref_slice %arg8[%dma_start3A_178, %dma_start3A_179] : memref<128x128xbf16, #tpu.memory_space<vmem>> -> memref<125x128xbf16, #tpu.memory_space<vmem>>
        %dma_start3A_181 = arith.constant 0 : i32
        %dma_start3A_182 = tpu.memref_slice %arg7[%add3A_97, %dma_start3A_181] : memref<40x125xi32, #tpu.memory_space<vmem>> -> memref<1x125xi32, #tpu.memory_space<vmem>>
        %dma_start3A_183 = tpu.memref_squeeze %dma_start3A_182 : memref<1x125xi32, #tpu.memory_space<vmem>> -> memref<125xi32, #tpu.memory_space<vmem>>
        %dma_start3A_184 = arith.constant 0 : i32
        %dma_start3A_185 = arith.constant 0 : i32
        %dma_start3A_186 = tpu.memref_slice %arg12[%dma_start3A_184, %dma_start3A_185] : memref<10240x128xbf16, #tpu.memory_space<vmem_shared>> -> memref<10240x128xbf16, #tpu.memory_space<vmem_shared>>
        tpu.enqueue_indirect_dma source(%dma_start3A_180 : memref<125x128xbf16, #tpu.memory_space<vmem>>) target(%dma_start3A_186 : memref<10240x128xbf16, #tpu.memory_space<vmem_shared>>) offsets(%dma_start3A_183 : memref<125xi32, #tpu.memory_space<vmem>>) semaphore(%run_scoped3A_177 : memref<!tpu.dma_semaphore, #tpu.memory_space<semaphore_mem>>) {add = true}
        %dma_wait3A_187 = arith.constant 0 : i32
        %dma_wait3A_188 = arith.constant 0 : i32
        %dma_wait3A_189 = tpu.memref_slice %arg8[%dma_wait3A_187, %dma_wait3A_188] : memref<128x128xbf16, #tpu.memory_space<vmem>> -> memref<125x128xbf16, #tpu.memory_space<vmem>>
        %dma_wait3A_190 = arith.constant 0 : i32
        %dma_wait3A_191 = tpu.memref_slice %arg7[%add3A_97, %dma_wait3A_190] : memref<40x125xi32, #tpu.memory_space<vmem>> -> memref<1x125xi32, #tpu.memory_space<vmem>>
        %dma_wait3A_192 = tpu.memref_squeeze %dma_wait3A_191 : memref<1x125xi32, #tpu.memory_space<vmem>> -> memref<125xi32, #tpu.memory_space<vmem>>
        %dma_wait3A_193 = arith.constant 0 : i32
        %dma_wait3A_194 = arith.constant 0 : i32
        %dma_wait3A_195 = tpu.memref_slice %arg12[%dma_wait3A_193, %dma_wait3A_194] : memref<10240x128xbf16, #tpu.memory_space<vmem_shared>> -> memref<10240x128xbf16, #tpu.memory_space<vmem_shared>>
        tpu.wait_indirect_dma semaphore(%run_scoped3A_177 : memref<!tpu.dma_semaphore, #tpu.memory_space<semaphore_mem>>) src(%dma_wait3A_189 : memref<125x128xbf16, #tpu.memory_space<vmem>>) dst(%dma_wait3A_195 : memref<10240x128xbf16, #tpu.memory_space<vmem_shared>>)
        tpu.yield
      }) : () -> ()
      %add3A_106 = arith.constant 4 : i32
      %add3A_107 = arith.addi %add3A_97, %add3A_106 : i32
      %sub3A = arith.constant 1 : i32
      %sub3A_108 = arith.subi %add3A_107, %sub3A : i32
      %lt3A = arith.constant 40 : i32
      %lt3A_109 = arith.cmpi slt, %sub3A_108, %lt3A : i32
      %convert_element_type3A = arith.extui %lt3A_109 : i1 to i32
      %cond3A = arith.constant 0 : i32
      %cond3A_110 = arith.cmpi ne, %convert_element_type3A, %cond3A : i32
      scf.if %cond3A_110 {
        %add3A_177 = arith.constant 4 : i32
        %add3A_178 = arith.addi %add3A_97, %add3A_177 : i32
        %sub3A_179 = arith.constant 1 : i32
        %sub3A_180 = arith.subi %add3A_178, %sub3A_179 : i32
        %dma_start3A_181 = arith.constant 0 : i32
        %dma_start3A_182 = arith.constant 0 : i32
        %dma_start3A_183 = tpu.memref_slice %arg11[%dma_start3A_181, %dma_start3A_182] : memref<128x128xbf16, #tpu.memory_space<vmem>> -> memref<125x128xbf16, #tpu.memory_space<vmem>>
        %dma_start3A_184 = arith.constant 0 : i32
        %dma_start3A_185 = tpu.memref_slice %arg6[%sub3A_180, %dma_start3A_184] : memref<40x125xi32, #tpu.memory_space<vmem>> -> memref<1x125xi32, #tpu.memory_space<vmem>>
        %dma_start3A_186 = tpu.memref_squeeze %dma_start3A_185 : memref<1x125xi32, #tpu.memory_space<vmem>> -> memref<125xi32, #tpu.memory_space<vmem>>
        %dma_start3A_187 = arith.constant 0 : i32
        %dma_start3A_188 = arith.constant 0 : i32
        %dma_start3A_189 = tpu.memref_slice %arg2[%dma_start3A_187, %dma_start3A_188] : memref<10000x128xbf16, #tpu.memory_space<hbm>> -> memref<10000x128xbf16, #tpu.memory_space<hbm>>
        tpu.enqueue_indirect_dma source(%dma_start3A_189 : memref<10000x128xbf16, #tpu.memory_space<hbm>>) target(%dma_start3A_183 : memref<125x128xbf16, #tpu.memory_space<vmem>>) offsets(%dma_start3A_186 : memref<125xi32, #tpu.memory_space<vmem>>) semaphore(%arg17 : memref<!tpu.dma_semaphore, #tpu.memory_space<semaphore_mem>>)
      } else {
      }
      %mul3A_111 = arith.constant 4 : i32
      %mul3A_112 = arith.muli %mul3A_111, %scan3A_93 : i32
      %add3A_113 = arith.constant 1 : i32
      %add3A_114 = arith.addi %mul3A_112, %add3A_113 : i32
      %dma_wait3A_115 = arith.constant 0 : i32
      %dma_wait3A_116 = arith.constant 0 : i32
      %dma_wait3A_117 = tpu.memref_slice %arg9[%dma_wait3A_115, %dma_wait3A_116] : memref<128x128xbf16, #tpu.memory_space<vmem>> -> memref<125x128xbf16, #tpu.memory_space<vmem>>
      %dma_wait3A_118 = arith.constant 0 : i32
      %dma_wait3A_119 = tpu.memref_slice %arg6[%add3A_114, %dma_wait3A_118] : memref<40x125xi32, #tpu.memory_space<vmem>> -> memref<1x125xi32, #tpu.memory_space<vmem>>
      %dma_wait3A_120 = tpu.memref_squeeze %dma_wait3A_119 : memref<1x125xi32, #tpu.memory_space<vmem>> -> memref<125xi32, #tpu.memory_space<vmem>>
      %dma_wait3A_121 = arith.constant 0 : i32
      %dma_wait3A_122 = arith.constant 0 : i32
      %dma_wait3A_123 = tpu.memref_slice %arg2[%dma_wait3A_121, %dma_wait3A_122] : memref<10000x128xbf16, #tpu.memory_space<hbm>> -> memref<10000x128xbf16, #tpu.memory_space<hbm>>
      tpu.wait_indirect_dma semaphore(%arg15 : memref<!tpu.dma_semaphore, #tpu.memory_space<semaphore_mem>>) src(%dma_wait3A_123 : memref<10000x128xbf16, #tpu.memory_space<hbm>>) dst(%dma_wait3A_117 : memref<125x128xbf16, #tpu.memory_space<vmem>>)
      "tpu.region"() ({
        %run_scoped3A_177 = tpu.sem_alloc : memref<!tpu.dma_semaphore, #tpu.memory_space<semaphore_mem>>
        %dma_start3A_178 = arith.constant 0 : i32
        %dma_start3A_179 = arith.constant 0 : i32
        %dma_start3A_180 = tpu.memref_slice %arg9[%dma_start3A_178, %dma_start3A_179] : memref<128x128xbf16, #tpu.memory_space<vmem>> -> memref<125x128xbf16, #tpu.memory_space<vmem>>
        %dma_start3A_181 = arith.constant 0 : i32
        %dma_start3A_182 = tpu.memref_slice %arg7[%add3A_114, %dma_start3A_181] : memref<40x125xi32, #tpu.memory_space<vmem>> -> memref<1x125xi32, #tpu.memory_space<vmem>>
        %dma_start3A_183 = tpu.memref_squeeze %dma_start3A_182 : memref<1x125xi32, #tpu.memory_space<vmem>> -> memref<125xi32, #tpu.memory_space<vmem>>
        %dma_start3A_184 = arith.constant 0 : i32
        %dma_start3A_185 = arith.constant 0 : i32
        %dma_start3A_186 = tpu.memref_slice %arg12[%dma_start3A_184, %dma_start3A_185] : memref<10240x128xbf16, #tpu.memory_space<vmem_shared>> -> memref<10240x128xbf16, #tpu.memory_space<vmem_shared>>
        tpu.enqueue_indirect_dma source(%dma_start3A_180 : memref<125x128xbf16, #tpu.memory_space<vmem>>) target(%dma_start3A_186 : memref<10240x128xbf16, #tpu.memory_space<vmem_shared>>) offsets(%dma_start3A_183 : memref<125xi32, #tpu.memory_space<vmem>>) semaphore(%run_scoped3A_177 : memref<!tpu.dma_semaphore, #tpu.memory_space<semaphore_mem>>) {add = true}
        %dma_wait3A_187 = arith.constant 0 : i32
        %dma_wait3A_188 = arith.constant 0 : i32
        %dma_wait3A_189 = tpu.memref_slice %arg9[%dma_wait3A_187, %dma_wait3A_188] : memref<128x128xbf16, #tpu.memory_space<vmem>> -> memref<125x128xbf16, #tpu.memory_space<vmem>>
        %dma_wait3A_190 = arith.constant 0 : i32
        %dma_wait3A_191 = tpu.memref_slice %arg7[%add3A_114, %dma_wait3A_190] : memref<40x125xi32, #tpu.memory_space<vmem>> -> memref<1x125xi32, #tpu.memory_space<vmem>>
        %dma_wait3A_192 = tpu.memref_squeeze %dma_wait3A_191 : memref<1x125xi32, #tpu.memory_space<vmem>> -> memref<125xi32, #tpu.memory_space<vmem>>
        %dma_wait3A_193 = arith.constant 0 : i32
        %dma_wait3A_194 = arith.constant 0 : i32
        %dma_wait3A_195 = tpu.memref_slice %arg12[%dma_wait3A_193, %dma_wait3A_194] : memref<10240x128xbf16, #tpu.memory_space<vmem_shared>> -> memref<10240x128xbf16, #tpu.memory_space<vmem_shared>>
        tpu.wait_indirect_dma semaphore(%run_scoped3A_177 : memref<!tpu.dma_semaphore, #tpu.memory_space<semaphore_mem>>) src(%dma_wait3A_189 : memref<125x128xbf16, #tpu.memory_space<vmem>>) dst(%dma_wait3A_195 : memref<10240x128xbf16, #tpu.memory_space<vmem_shared>>)
        tpu.yield
      }) : () -> ()
      %add3A_124 = arith.constant 4 : i32
      %add3A_125 = arith.addi %add3A_114, %add3A_124 : i32
      %sub3A_126 = arith.constant 1 : i32
      %sub3A_127 = arith.subi %add3A_125, %sub3A_126 : i32
      %lt3A_128 = arith.constant 40 : i32
      %lt3A_129 = arith.cmpi slt, %sub3A_127, %lt3A_128 : i32
      %convert_element_type3A_130 = arith.extui %lt3A_129 : i1 to i32
      %cond3A_131 = arith.constant 0 : i32
      %cond3A_132 = arith.cmpi ne, %convert_element_type3A_130, %cond3A_131 : i32
      scf.if %cond3A_132 {
        %add3A_177 = arith.constant 4 : i32
        %add3A_178 = arith.addi %add3A_114, %add3A_177 : i32
        %sub3A_179 = arith.constant 1 : i32
        %sub3A_180 = arith.subi %add3A_178, %sub3A_179 : i32
        %dma_start3A_181 = arith.constant 0 : i32
        %dma_start3A_182 = arith.constant 0 : i32
        %dma_start3A_183 = tpu.memref_slice %arg8[%dma_start3A_181, %dma_start3A_182] : memref<128x128xbf16, #tpu.memory_space<vmem>> -> memref<125x128xbf16, #tpu.memory_space<vmem>>
        %dma_start3A_184 = arith.constant 0 : i32
        %dma_start3A_185 = tpu.memref_slice %arg6[%sub3A_180, %dma_start3A_184] : memref<40x125xi32, #tpu.memory_space<vmem>> -> memref<1x125xi32, #tpu.memory_space<vmem>>
        %dma_start3A_186 = tpu.memref_squeeze %dma_start3A_185 : memref<1x125xi32, #tpu.memory_space<vmem>> -> memref<125xi32, #tpu.memory_space<vmem>>
        %dma_start3A_187 = arith.constant 0 : i32
        %dma_start3A_188 = arith.constant 0 : i32
        %dma_start3A_189 = tpu.memref_slice %arg2[%dma_start3A_187, %dma_start3A_188] : memref<10000x128xbf16, #tpu.memory_space<hbm>> -> memref<10000x128xbf16, #tpu.memory_space<hbm>>
        tpu.enqueue_indirect_dma source(%dma_start3A_189 : memref<10000x128xbf16, #tpu.memory_space<hbm>>) target(%dma_start3A_183 : memref<125x128xbf16, #tpu.memory_space<vmem>>) offsets(%dma_start3A_186 : memref<125xi32, #tpu.memory_space<vmem>>) semaphore(%arg14 : memref<!tpu.dma_semaphore, #tpu.memory_space<semaphore_mem>>)
      } else {
      }
      %mul3A_133 = arith.constant 4 : i32
      %mul3A_134 = arith.muli %mul3A_133, %scan3A_93 : i32
      %add3A_135 = arith.constant 2 : i32
      %add3A_136 = arith.addi %mul3A_134, %add3A_135 : i32
      %dma_wait3A_137 = arith.constant 0 : i32
      %dma_wait3A_138 = arith.constant 0 : i32
      %dma_wait3A_139 = tpu.memref_slice %arg10[%dma_wait3A_137, %dma_wait3A_138] : memref<128x128xbf16, #tpu.memory_space<vmem>> -> memref<125x128xbf16, #tpu.memory_space<vmem>>
      %dma_wait3A_140 = arith.constant 0 : i32
      %dma_wait3A_141 = tpu.memref_slice %arg6[%add3A_136, %dma_wait3A_140] : memref<40x125xi32, #tpu.memory_space<vmem>> -> memref<1x125xi32, #tpu.memory_space<vmem>>
      %dma_wait3A_142 = tpu.memref_squeeze %dma_wait3A_141 : memref<1x125xi32, #tpu.memory_space<vmem>> -> memref<125xi32, #tpu.memory_space<vmem>>
      %dma_wait3A_143 = arith.constant 0 : i32
      %dma_wait3A_144 = arith.constant 0 : i32
      %dma_wait3A_145 = tpu.memref_slice %arg2[%dma_wait3A_143, %dma_wait3A_144] : memref<10000x128xbf16, #tpu.memory_space<hbm>> -> memref<10000x128xbf16, #tpu.memory_space<hbm>>
      tpu.wait_indirect_dma semaphore(%arg16 : memref<!tpu.dma_semaphore, #tpu.memory_space<semaphore_mem>>) src(%dma_wait3A_145 : memref<10000x128xbf16, #tpu.memory_space<hbm>>) dst(%dma_wait3A_139 : memref<125x128xbf16, #tpu.memory_space<vmem>>)
      "tpu.region"() ({
        %run_scoped3A_177 = tpu.sem_alloc : memref<!tpu.dma_semaphore, #tpu.memory_space<semaphore_mem>>
        %dma_start3A_178 = arith.constant 0 : i32
        %dma_start3A_179 = arith.constant 0 : i32
        %dma_start3A_180 = tpu.memref_slice %arg10[%dma_start3A_178, %dma_start3A_179] : memref<128x128xbf16, #tpu.memory_space<vmem>> -> memref<125x128xbf16, #tpu.memory_space<vmem>>
        %dma_start3A_181 = arith.constant 0 : i32
        %dma_start3A_182 = tpu.memref_slice %arg7[%add3A_136, %dma_start3A_181] : memref<40x125xi32, #tpu.memory_space<vmem>> -> memref<1x125xi32, #tpu.memory_space<vmem>>
        %dma_start3A_183 = tpu.memref_squeeze %dma_start3A_182 : memref<1x125xi32, #tpu.memory_space<vmem>> -> memref<125xi32, #tpu.memory_space<vmem>>
        %dma_start3A_184 = arith.constant 0 : i32
        %dma_start3A_185 = arith.constant 0 : i32
        %dma_start3A_186 = tpu.memref_slice %arg12[%dma_start3A_184, %dma_start3A_185] : memref<10240x128xbf16, #tpu.memory_space<vmem_shared>> -> memref<10240x128xbf16, #tpu.memory_space<vmem_shared>>
        tpu.enqueue_indirect_dma source(%dma_start3A_180 : memref<125x128xbf16, #tpu.memory_space<vmem>>) target(%dma_start3A_186 : memref<10240x128xbf16, #tpu.memory_space<vmem_shared>>) offsets(%dma_start3A_183 : memref<125xi32, #tpu.memory_space<vmem>>) semaphore(%run_scoped3A_177 : memref<!tpu.dma_semaphore, #tpu.memory_space<semaphore_mem>>) {add = true}
        %dma_wait3A_187 = arith.constant 0 : i32
        %dma_wait3A_188 = arith.constant 0 : i32
        %dma_wait3A_189 = tpu.memref_slice %arg10[%dma_wait3A_187, %dma_wait3A_188] : memref<128x128xbf16, #tpu.memory_space<vmem>> -> memref<125x128xbf16, #tpu.memory_space<vmem>>
        %dma_wait3A_190 = arith.constant 0 : i32
        %dma_wait3A_191 = tpu.memref_slice %arg7[%add3A_136, %dma_wait3A_190] : memref<40x125xi32, #tpu.memory_space<vmem>> -> memref<1x125xi32, #tpu.memory_space<vmem>>
        %dma_wait3A_192 = tpu.memref_squeeze %dma_wait3A_191 : memref<1x125xi32, #tpu.memory_space<vmem>> -> memref<125xi32, #tpu.memory_space<vmem>>
        %dma_wait3A_193 = arith.constant 0 : i32
        %dma_wait3A_194 = arith.constant 0 : i32
        %dma_wait3A_195 = tpu.memref_slice %arg12[%dma_wait3A_193, %dma_wait3A_194] : memref<10240x128xbf16, #tpu.memory_space<vmem_shared>> -> memref<10240x128xbf16, #tpu.memory_space<vmem_shared>>
        tpu.wait_indirect_dma semaphore(%run_scoped3A_177 : memref<!tpu.dma_semaphore, #tpu.memory_space<semaphore_mem>>) src(%dma_wait3A_189 : memref<125x128xbf16, #tpu.memory_space<vmem>>) dst(%dma_wait3A_195 : memref<10240x128xbf16, #tpu.memory_space<vmem_shared>>)
        tpu.yield
      }) : () -> ()
      %add3A_146 = arith.constant 4 : i32
      %add3A_147 = arith.addi %add3A_136, %add3A_146 : i32
      %sub3A_148 = arith.constant 1 : i32
      %sub3A_149 = arith.subi %add3A_147, %sub3A_148 : i32
      %lt3A_150 = arith.constant 40 : i32
      %lt3A_151 = arith.cmpi slt, %sub3A_149, %lt3A_150 : i32
      %convert_element_type3A_152 = arith.extui %lt3A_151 : i1 to i32
      %cond3A_153 = arith.constant 0 : i32
      %cond3A_154 = arith.cmpi ne, %convert_element_type3A_152, %cond3A_153 : i32
      scf.if %cond3A_154 {
        %add3A_177 = arith.constant 4 : i32
        %add3A_178 = arith.addi %add3A_136, %add3A_177 : i32
        %sub3A_179 = arith.constant 1 : i32
        %sub3A_180 = arith.subi %add3A_178, %sub3A_179 : i32
        %dma_start3A_181 = arith.constant 0 : i32
        %dma_start3A_182 = arith.constant 0 : i32
        %dma_start3A_183 = tpu.memref_slice %arg9[%dma_start3A_181, %dma_start3A_182] : memref<128x128xbf16, #tpu.memory_space<vmem>> -> memref<125x128xbf16, #tpu.memory_space<vmem>>
        %dma_start3A_184 = arith.constant 0 : i32
        %dma_start3A_185 = tpu.memref_slice %arg6[%sub3A_180, %dma_start3A_184] : memref<40x125xi32, #tpu.memory_space<vmem>> -> memref<1x125xi32, #tpu.memory_space<vmem>>
        %dma_start3A_186 = tpu.memref_squeeze %dma_start3A_185 : memref<1x125xi32, #tpu.memory_space<vmem>> -> memref<125xi32, #tpu.memory_space<vmem>>
        %dma_start3A_187 = arith.constant 0 : i32
        %dma_start3A_188 = arith.constant 0 : i32
        %dma_start3A_189 = tpu.memref_slice %arg2[%dma_start3A_187, %dma_start3A_188] : memref<10000x128xbf16, #tpu.memory_space<hbm>> -> memref<10000x128xbf16, #tpu.memory_space<hbm>>
        tpu.enqueue_indirect_dma source(%dma_start3A_189 : memref<10000x128xbf16, #tpu.memory_space<hbm>>) target(%dma_start3A_183 : memref<125x128xbf16, #tpu.memory_space<vmem>>) offsets(%dma_start3A_186 : memref<125xi32, #tpu.memory_space<vmem>>) semaphore(%arg15 : memref<!tpu.dma_semaphore, #tpu.memory_space<semaphore_mem>>)
      } else {
      }
      %mul3A_155 = arith.constant 4 : i32
      %mul3A_156 = arith.muli %mul3A_155, %scan3A_93 : i32
      %add3A_157 = arith.constant 3 : i32
      %add3A_158 = arith.addi %mul3A_156, %add3A_157 : i32
      %dma_wait3A_159 = arith.constant 0 : i32
      %dma_wait3A_160 = arith.constant 0 : i32
      %dma_wait3A_161 = tpu.memref_slice %arg11[%dma_wait3A_159, %dma_wait3A_160] : memref<128x128xbf16, #tpu.memory_space<vmem>> -> memref<125x128xbf16, #tpu.memory_space<vmem>>
      %dma_wait3A_162 = arith.constant 0 : i32
      %dma_wait3A_163 = tpu.memref_slice %arg6[%add3A_158, %dma_wait3A_162] : memref<40x125xi32, #tpu.memory_space<vmem>> -> memref<1x125xi32, #tpu.memory_space<vmem>>
      %dma_wait3A_164 = tpu.memref_squeeze %dma_wait3A_163 : memref<1x125xi32, #tpu.memory_space<vmem>> -> memref<125xi32, #tpu.memory_space<vmem>>
      %dma_wait3A_165 = arith.constant 0 : i32
      %dma_wait3A_166 = arith.constant 0 : i32
      %dma_wait3A_167 = tpu.memref_slice %arg2[%dma_wait3A_165, %dma_wait3A_166] : memref<10000x128xbf16, #tpu.memory_space<hbm>> -> memref<10000x128xbf16, #tpu.memory_space<hbm>>
      tpu.wait_indirect_dma semaphore(%arg17 : memref<!tpu.dma_semaphore, #tpu.memory_space<semaphore_mem>>) src(%dma_wait3A_167 : memref<10000x128xbf16, #tpu.memory_space<hbm>>) dst(%dma_wait3A_161 : memref<125x128xbf16, #tpu.memory_space<vmem>>)
      "tpu.region"() ({
        %run_scoped3A_177 = tpu.sem_alloc : memref<!tpu.dma_semaphore, #tpu.memory_space<semaphore_mem>>
        %dma_start3A_178 = arith.constant 0 : i32
        %dma_start3A_179 = arith.constant 0 : i32
        %dma_start3A_180 = tpu.memref_slice %arg11[%dma_start3A_178, %dma_start3A_179] : memref<128x128xbf16, #tpu.memory_space<vmem>> -> memref<125x128xbf16, #tpu.memory_space<vmem>>
        %dma_start3A_181 = arith.constant 0 : i32
        %dma_start3A_182 = tpu.memref_slice %arg7[%add3A_158, %dma_start3A_181] : memref<40x125xi32, #tpu.memory_space<vmem>> -> memref<1x125xi32, #tpu.memory_space<vmem>>
        %dma_start3A_183 = tpu.memref_squeeze %dma_start3A_182 : memref<1x125xi32, #tpu.memory_space<vmem>> -> memref<125xi32, #tpu.memory_space<vmem>>
        %dma_start3A_184 = arith.constant 0 : i32
        %dma_start3A_185 = arith.constant 0 : i32
        %dma_start3A_186 = tpu.memref_slice %arg12[%dma_start3A_184, %dma_start3A_185] : memref<10240x128xbf16, #tpu.memory_space<vmem_shared>> -> memref<10240x128xbf16, #tpu.memory_space<vmem_shared>>
        tpu.enqueue_indirect_dma source(%dma_start3A_180 : memref<125x128xbf16, #tpu.memory_space<vmem>>) target(%dma_start3A_186 : memref<10240x128xbf16, #tpu.memory_space<vmem_shared>>) offsets(%dma_start3A_183 : memref<125xi32, #tpu.memory_space<vmem>>) semaphore(%run_scoped3A_177 : memref<!tpu.dma_semaphore, #tpu.memory_space<semaphore_mem>>) {add = true}
        %dma_wait3A_187 = arith.constant 0 : i32
        %dma_wait3A_188 = arith.constant 0 : i32
        %dma_wait3A_189 = tpu.memref_slice %arg11[%dma_wait3A_187, %dma_wait3A_188] : memref<128x128xbf16, #tpu.memory_space<vmem>> -> memref<125x128xbf16, #tpu.memory_space<vmem>>
        %dma_wait3A_190 = arith.constant 0 : i32
        %dma_wait3A_191 = tpu.memref_slice %arg7[%add3A_158, %dma_wait3A_190] : memref<40x125xi32, #tpu.memory_space<vmem>> -> memref<1x125xi32, #tpu.memory_space<vmem>>
        %dma_wait3A_192 = tpu.memref_squeeze %dma_wait3A_191 : memref<1x125xi32, #tpu.memory_space<vmem>> -> memref<125xi32, #tpu.memory_space<vmem>>
        %dma_wait3A_193 = arith.constant 0 : i32
        %dma_wait3A_194 = arith.constant 0 : i32
        %dma_wait3A_195 = tpu.memref_slice %arg12[%dma_wait3A_193, %dma_wait3A_194] : memref<10240x128xbf16, #tpu.memory_space<vmem_shared>> -> memref<10240x128xbf16, #tpu.memory_space<vmem_shared>>
        tpu.wait_indirect_dma semaphore(%run_scoped3A_177 : memref<!tpu.dma_semaphore, #tpu.memory_space<semaphore_mem>>) src(%dma_wait3A_189 : memref<125x128xbf16, #tpu.memory_space<vmem>>) dst(%dma_wait3A_195 : memref<10240x128xbf16, #tpu.memory_space<vmem_shared>>)
        tpu.yield
      }) : () -> ()
      %add3A_168 = arith.constant 4 : i32
      %add3A_169 = arith.addi %add3A_158, %add3A_168 : i32
      %sub3A_170 = arith.constant 1 : i32
      %sub3A_171 = arith.subi %add3A_169, %sub3A_170 : i32
      %lt3A_172 = arith.constant 40 : i32
      %lt3A_173 = arith.cmpi slt, %sub3A_171, %lt3A_172 : i32
      %convert_element_type3A_174 = arith.extui %lt3A_173 : i1 to i32
      %cond3A_175 = arith.constant 0 : i32
      %cond3A_176 = arith.cmpi ne, %convert_element_type3A_174, %cond3A_175 : i32
      scf.if %cond3A_176 {
        %add3A_177 = arith.constant 4 : i32
        %add3A_178 = arith.addi %add3A_158, %add3A_177 : i32
        %sub3A_179 = arith.constant 1 : i32
        %sub3A_180 = arith.subi %add3A_178, %sub3A_179 : i32
        %dma_start3A_181 = arith.constant 0 : i32
        %dma_start3A_182 = arith.constant 0 : i32
        %dma_start3A_183 = tpu.memref_slice %arg10[%dma_start3A_181, %dma_start3A_182] : memref<128x128xbf16, #tpu.memory_space<vmem>> -> memref<125x128xbf16, #tpu.memory_space<vmem>>
        %dma_start3A_184 = arith.constant 0 : i32
        %dma_start3A_185 = tpu.memref_slice %arg6[%sub3A_180, %dma_start3A_184] : memref<40x125xi32, #tpu.memory_space<vmem>> -> memref<1x125xi32, #tpu.memory_space<vmem>>
        %dma_start3A_186 = tpu.memref_squeeze %dma_start3A_185 : memref<1x125xi32, #tpu.memory_space<vmem>> -> memref<125xi32, #tpu.memory_space<vmem>>
        %dma_start3A_187 = arith.constant 0 : i32
        %dma_start3A_188 = arith.constant 0 : i32
        %dma_start3A_189 = tpu.memref_slice %arg2[%dma_start3A_187, %dma_start3A_188] : memref<10000x128xbf16, #tpu.memory_space<hbm>> -> memref<10000x128xbf16, #tpu.memory_space<hbm>>
        tpu.enqueue_indirect_dma source(%dma_start3A_189 : memref<10000x128xbf16, #tpu.memory_space<hbm>>) target(%dma_start3A_183 : memref<125x128xbf16, #tpu.memory_space<vmem>>) offsets(%dma_start3A_186 : memref<125xi32, #tpu.memory_space<vmem>>) semaphore(%arg16 : memref<!tpu.dma_semaphore, #tpu.memory_space<semaphore_mem>>)
      } else {
      }
    }
    %scan3A_46 = arith.constant 10 : i32
    "tpu.region"() ({
      %run_scoped3A_93 = tpu.sem_alloc : memref<!tpu.dma_semaphore, #tpu.memory_space<semaphore_mem>>
      %dma_start3A_94 = arith.constant 40 : i32
      %dma_start3A_95 = arith.constant 0 : i32
      %dma_start3A_96 = tpu.memref_slice %arg3[%add3A, %dma_start3A_94, %dma_start3A_95] : memref<32x80x125xi32, #tpu.memory_space<hbm>> -> memref<1x40x125xi32, #tpu.memory_space<hbm>>
      %dma_start3A_97 = tpu.memref_squeeze %dma_start3A_96 : memref<1x40x125xi32, #tpu.memory_space<hbm>> -> memref<40x125xi32, #tpu.memory_space<hbm>>
      %dma_start3A_98 = arith.constant 40 : i32
      %dma_start3A_99 = arith.constant 0 : i32
      %dma_start3A_100 = tpu.memref_slice %arg3[%add3A, %dma_start3A_98, %dma_start3A_99] : memref<32x80x125xi32, #tpu.memory_space<hbm>> -> memref<1x40x125xi32, #tpu.memory_space<hbm>>
      %dma_start3A_101 = tpu.memref_squeeze %dma_start3A_100 : memref<1x40x125xi32, #tpu.memory_space<hbm>> -> memref<40x125xi32, #tpu.memory_space<hbm>>
      tpu.enqueue_dma source(%dma_start3A_101 : memref<40x125xi32, #tpu.memory_space<hbm>>) target(%arg6 : memref<40x125xi32, #tpu.memory_space<vmem>>) target_semaphore(%run_scoped3A_93 : memref<!tpu.dma_semaphore, #tpu.memory_space<semaphore_mem>>)
      %dma_wait3A = arith.constant 40 : i32
      %dma_wait3A_102 = arith.constant 0 : i32
      %dma_wait3A_103 = tpu.memref_slice %arg3[%add3A, %dma_wait3A, %dma_wait3A_102] : memref<32x80x125xi32, #tpu.memory_space<hbm>> -> memref<1x40x125xi32, #tpu.memory_space<hbm>>
      %dma_wait3A_104 = tpu.memref_squeeze %dma_wait3A_103 : memref<1x40x125xi32, #tpu.memory_space<hbm>> -> memref<40x125xi32, #tpu.memory_space<hbm>>
      %dma_wait3A_105 = arith.constant 40 : i32
      %dma_wait3A_106 = arith.constant 0 : i32
      %dma_wait3A_107 = tpu.memref_slice %arg3[%add3A, %dma_wait3A_105, %dma_wait3A_106] : memref<32x80x125xi32, #tpu.memory_space<hbm>> -> memref<1x40x125xi32, #tpu.memory_space<hbm>>
      %dma_wait3A_108 = tpu.memref_squeeze %dma_wait3A_107 : memref<1x40x125xi32, #tpu.memory_space<hbm>> -> memref<40x125xi32, #tpu.memory_space<hbm>>
      tpu.wait_dma2 semaphore(%run_scoped3A_93 : memref<!tpu.dma_semaphore, #tpu.memory_space<semaphore_mem>>) src(%dma_wait3A_108 : memref<40x125xi32, #tpu.memory_space<hbm>>) dst(%arg6 : memref<40x125xi32, #tpu.memory_space<vmem>>)
      tpu.yield
    }) : () -> ()
    "tpu.region"() ({
      %run_scoped3A_93 = tpu.sem_alloc : memref<!tpu.dma_semaphore, #tpu.memory_space<semaphore_mem>>
      %dma_start3A_94 = arith.constant 40 : i32
      %dma_start3A_95 = arith.constant 0 : i32
      %dma_start3A_96 = tpu.memref_slice %arg4[%add3A, %dma_start3A_94, %dma_start3A_95] : memref<32x80x125xi32, #tpu.memory_space<hbm>> -> memref<1x40x125xi32, #tpu.memory_space<hbm>>
      %dma_start3A_97 = tpu.memref_squeeze %dma_start3A_96 : memref<1x40x125xi32, #tpu.memory_space<hbm>> -> memref<40x125xi32, #tpu.memory_space<hbm>>
      %dma_start3A_98 = arith.constant 40 : i32
      %dma_start3A_99 = arith.constant 0 : i32
      %dma_start3A_100 = tpu.memref_slice %arg4[%add3A, %dma_start3A_98, %dma_start3A_99] : memref<32x80x125xi32, #tpu.memory_space<hbm>> -> memref<1x40x125xi32, #tpu.memory_space<hbm>>
      %dma_start3A_101 = tpu.memref_squeeze %dma_start3A_100 : memref<1x40x125xi32, #tpu.memory_space<hbm>> -> memref<40x125xi32, #tpu.memory_space<hbm>>
      tpu.enqueue_dma source(%dma_start3A_101 : memref<40x125xi32, #tpu.memory_space<hbm>>) target(%arg7 : memref<40x125xi32, #tpu.memory_space<vmem>>) target_semaphore(%run_scoped3A_93 : memref<!tpu.dma_semaphore, #tpu.memory_space<semaphore_mem>>)
      %dma_wait3A = arith.constant 40 : i32
      %dma_wait3A_102 = arith.constant 0 : i32
      %dma_wait3A_103 = tpu.memref_slice %arg4[%add3A, %dma_wait3A, %dma_wait3A_102] : memref<32x80x125xi32, #tpu.memory_space<hbm>> -> memref<1x40x125xi32, #tpu.memory_space<hbm>>
      %dma_wait3A_104 = tpu.memref_squeeze %dma_wait3A_103 : memref<1x40x125xi32, #tpu.memory_space<hbm>> -> memref<40x125xi32, #tpu.memory_space<hbm>>
      %dma_wait3A_105 = arith.constant 40 : i32
      %dma_wait3A_106 = arith.constant 0 : i32
      %dma_wait3A_107 = tpu.memref_slice %arg4[%add3A, %dma_wait3A_105, %dma_wait3A_106] : memref<32x80x125xi32, #tpu.memory_space<hbm>> -> memref<1x40x125xi32, #tpu.memory_space<hbm>>
      %dma_wait3A_108 = tpu.memref_squeeze %dma_wait3A_107 : memref<1x40x125xi32, #tpu.memory_space<hbm>> -> memref<40x125xi32, #tpu.memory_space<hbm>>
      tpu.wait_dma2 semaphore(%run_scoped3A_93 : memref<!tpu.dma_semaphore, #tpu.memory_space<semaphore_mem>>) src(%dma_wait3A_108 : memref<40x125xi32, #tpu.memory_space<hbm>>) dst(%arg7 : memref<40x125xi32, #tpu.memory_space<vmem>>)
      tpu.yield
    }) : () -> ()
    %dma_start3A_47 = arith.constant 0 : i32
    %dma_start3A_48 = arith.constant 0 : i32
    %dma_start3A_49 = arith.constant 0 : i32
    %dma_start3A_50 = tpu.memref_slice %arg8[%dma_start3A_48, %dma_start3A_49] : memref<128x128xbf16, #tpu.memory_space<vmem>> -> memref<125x128xbf16, #tpu.memory_space<vmem>>
    %dma_start3A_51 = arith.constant 0 : i32
    %dma_start3A_52 = tpu.memref_slice %arg6[%dma_start3A_47, %dma_start3A_51] : memref<40x125xi32, #tpu.memory_space<vmem>> -> memref<1x125xi32, #tpu.memory_space<vmem>>
    %dma_start3A_53 = tpu.memref_squeeze %dma_start3A_52 : memref<1x125xi32, #tpu.memory_space<vmem>> -> memref<125xi32, #tpu.memory_space<vmem>>
    %dma_start3A_54 = arith.constant 0 : i32
    %dma_start3A_55 = arith.constant 0 : i32
    %dma_start3A_56 = tpu.memref_slice %arg2[%dma_start3A_54, %dma_start3A_55] : memref<10000x128xbf16, #tpu.memory_space<hbm>> -> memref<10000x128xbf16, #tpu.memory_space<hbm>>
    tpu.enqueue_indirect_dma source(%dma_start3A_56 : memref<10000x128xbf16, #tpu.memory_space<hbm>>) target(%dma_start3A_50 : memref<125x128xbf16, #tpu.memory_space<vmem>>) offsets(%dma_start3A_53 : memref<125xi32, #tpu.memory_space<vmem>>) semaphore(%arg14 : memref<!tpu.dma_semaphore, #tpu.memory_space<semaphore_mem>>)
    %dma_start3A_57 = arith.constant 1 : i32
    %dma_start3A_58 = arith.constant 0 : i32
    %dma_start3A_59 = arith.constant 0 : i32
    %dma_start3A_60 = tpu.memref_slice %arg9[%dma_start3A_58, %dma_start3A_59] : memref<128x128xbf16, #tpu.memory_space<vmem>> -> memref<125x128xbf16, #tpu.memory_space<vmem>>
    %dma_start3A_61 = arith.constant 0 : i32
    %dma_start3A_62 = tpu.memref_slice %arg6[%dma_start3A_57, %dma_start3A_61] : memref<40x125xi32, #tpu.memory_space<vmem>> -> memref<1x125xi32, #tpu.memory_space<vmem>>
    %dma_start3A_63 = tpu.memref_squeeze %dma_start3A_62 : memref<1x125xi32, #tpu.memory_space<vmem>> -> memref<125xi32, #tpu.memory_space<vmem>>
    %dma_start3A_64 = arith.constant 0 : i32
    %dma_start3A_65 = arith.constant 0 : i32
    %dma_start3A_66 = tpu.memref_slice %arg2[%dma_start3A_64, %dma_start3A_65] : memref<10000x128xbf16, #tpu.memory_space<hbm>> -> memref<10000x128xbf16, #tpu.memory_space<hbm>>
    tpu.enqueue_indirect_dma source(%dma_start3A_66 : memref<10000x128xbf16, #tpu.memory_space<hbm>>) target(%dma_start3A_60 : memref<125x128xbf16, #tpu.memory_space<vmem>>) offsets(%dma_start3A_63 : memref<125xi32, #tpu.memory_space<vmem>>) semaphore(%arg15 : memref<!tpu.dma_semaphore, #tpu.memory_space<semaphore_mem>>)
    %dma_start3A_67 = arith.constant 2 : i32
    %dma_start3A_68 = arith.constant 0 : i32
    %dma_start3A_69 = arith.constant 0 : i32
    %dma_start3A_70 = tpu.memref_slice %arg10[%dma_start3A_68, %dma_start3A_69] : memref<128x128xbf16, #tpu.memory_space<vmem>> -> memref<125x128xbf16, #tpu.memory_space<vmem>>
    %dma_start3A_71 = arith.constant 0 : i32
    %dma_start3A_72 = tpu.memref_slice %arg6[%dma_start3A_67, %dma_start3A_71] : memref<40x125xi32, #tpu.memory_space<vmem>> -> memref<1x125xi32, #tpu.memory_space<vmem>>
    %dma_start3A_73 = tpu.memref_squeeze %dma_start3A_72 : memref<1x125xi32, #tpu.memory_space<vmem>> -> memref<125xi32, #tpu.memory_space<vmem>>
    %dma_start3A_74 = arith.constant 0 : i32
    %dma_start3A_75 = arith.constant 0 : i32
    %dma_start3A_76 = tpu.memref_slice %arg2[%dma_start3A_74, %dma_start3A_75] : memref<10000x128xbf16, #tpu.memory_space<hbm>> -> memref<10000x128xbf16, #tpu.memory_space<hbm>>
    tpu.enqueue_indirect_dma source(%dma_start3A_76 : memref<10000x128xbf16, #tpu.memory_space<hbm>>) target(%dma_start3A_70 : memref<125x128xbf16, #tpu.memory_space<vmem>>) offsets(%dma_start3A_73 : memref<125xi32, #tpu.memory_space<vmem>>) semaphore(%arg16 : memref<!tpu.dma_semaphore, #tpu.memory_space<semaphore_mem>>)
    %scan3A_77 = arith.constant 0 : i32
    %scan3A_78 = arith.constant 0 : i32
    %scan3A_79 = arith.constant 10 : i32
    %scan3A_80 = arith.addi %scan3A_78, %scan3A_79 : i32
    %scan3A_81 = arith.constant 1 : i32
    scf.for %scan3A_93 = %scan3A_78 to %scan3A_80 step %scan3A_81  : i32 {
      %mul3A_94 = arith.constant 4 : i32
      %mul3A_95 = arith.muli %mul3A_94, %scan3A_93 : i32
      %add3A_96 = arith.constant 0 : i32
      %add3A_97 = arith.addi %mul3A_95, %add3A_96 : i32
      %dma_wait3A = arith.constant 0 : i32
      %dma_wait3A_98 = arith.constant 0 : i32
      %dma_wait3A_99 = tpu.memref_slice %arg8[%dma_wait3A, %dma_wait3A_98] : memref<128x128xbf16, #tpu.memory_space<vmem>> -> memref<125x128xbf16, #tpu.memory_space<vmem>>
      %dma_wait3A_100 = arith.constant 0 : i32
      %dma_wait3A_101 = tpu.memref_slice %arg6[%add3A_97, %dma_wait3A_100] : memref<40x125xi32, #tpu.memory_space<vmem>> -> memref<1x125xi32, #tpu.memory_space<vmem>>
      %dma_wait3A_102 = tpu.memref_squeeze %dma_wait3A_101 : memref<1x125xi32, #tpu.memory_space<vmem>> -> memref<125xi32, #tpu.memory_space<vmem>>
      %dma_wait3A_103 = arith.constant 0 : i32
      %dma_wait3A_104 = arith.constant 0 : i32
      %dma_wait3A_105 = tpu.memref_slice %arg2[%dma_wait3A_103, %dma_wait3A_104] : memref<10000x128xbf16, #tpu.memory_space<hbm>> -> memref<10000x128xbf16, #tpu.memory_space<hbm>>
      tpu.wait_indirect_dma semaphore(%arg14 : memref<!tpu.dma_semaphore, #tpu.memory_space<semaphore_mem>>) src(%dma_wait3A_105 : memref<10000x128xbf16, #tpu.memory_space<hbm>>) dst(%dma_wait3A_99 : memref<125x128xbf16, #tpu.memory_space<vmem>>)
      "tpu.region"() ({
        %run_scoped3A_177 = tpu.sem_alloc : memref<!tpu.dma_semaphore, #tpu.memory_space<semaphore_mem>>
        %dma_start3A_178 = arith.constant 0 : i32
        %dma_start3A_179 = arith.constant 0 : i32
        %dma_start3A_180 = tpu.memref_slice %arg8[%dma_start3A_178, %dma_start3A_179] : memref<128x128xbf16, #tpu.memory_space<vmem>> -> memref<125x128xbf16, #tpu.memory_space<vmem>>
        %dma_start3A_181 = arith.constant 0 : i32
        %dma_start3A_182 = tpu.memref_slice %arg7[%add3A_97, %dma_start3A_181] : memref<40x125xi32, #tpu.memory_space<vmem>> -> memref<1x125xi32, #tpu.memory_space<vmem>>
        %dma_start3A_183 = tpu.memref_squeeze %dma_start3A_182 : memref<1x125xi32, #tpu.memory_space<vmem>> -> memref<125xi32, #tpu.memory_space<vmem>>
        %dma_start3A_184 = arith.constant 0 : i32
        %dma_start3A_185 = arith.constant 0 : i32
        %dma_start3A_186 = tpu.memref_slice %arg13[%dma_start3A_184, %dma_start3A_185] : memref<10240x128xbf16, #tpu.memory_space<vmem_shared>> -> memref<10240x128xbf16, #tpu.memory_space<vmem_shared>>
        tpu.enqueue_indirect_dma source(%dma_start3A_180 : memref<125x128xbf16, #tpu.memory_space<vmem>>) target(%dma_start3A_186 : memref<10240x128xbf16, #tpu.memory_space<vmem_shared>>) offsets(%dma_start3A_183 : memref<125xi32, #tpu.memory_space<vmem>>) semaphore(%run_scoped3A_177 : memref<!tpu.dma_semaphore, #tpu.memory_space<semaphore_mem>>) {add = true}
        %dma_wait3A_187 = arith.constant 0 : i32
        %dma_wait3A_188 = arith.constant 0 : i32
        %dma_wait3A_189 = tpu.memref_slice %arg8[%dma_wait3A_187, %dma_wait3A_188] : memref<128x128xbf16, #tpu.memory_space<vmem>> -> memref<125x128xbf16, #tpu.memory_space<vmem>>
        %dma_wait3A_190 = arith.constant 0 : i32
        %dma_wait3A_191 = tpu.memref_slice %arg7[%add3A_97, %dma_wait3A_190] : memref<40x125xi32, #tpu.memory_space<vmem>> -> memref<1x125xi32, #tpu.memory_space<vmem>>
        %dma_wait3A_192 = tpu.memref_squeeze %dma_wait3A_191 : memref<1x125xi32, #tpu.memory_space<vmem>> -> memref<125xi32, #tpu.memory_space<vmem>>
        %dma_wait3A_193 = arith.constant 0 : i32
        %dma_wait3A_194 = arith.constant 0 : i32
        %dma_wait3A_195 = tpu.memref_slice %arg13[%dma_wait3A_193, %dma_wait3A_194] : memref<10240x128xbf16, #tpu.memory_space<vmem_shared>> -> memref<10240x128xbf16, #tpu.memory_space<vmem_shared>>
        tpu.wait_indirect_dma semaphore(%run_scoped3A_177 : memref<!tpu.dma_semaphore, #tpu.memory_space<semaphore_mem>>) src(%dma_wait3A_189 : memref<125x128xbf16, #tpu.memory_space<vmem>>) dst(%dma_wait3A_195 : memref<10240x128xbf16, #tpu.memory_space<vmem_shared>>)
        tpu.yield
      }) : () -> ()
      %add3A_106 = arith.constant 4 : i32
      %add3A_107 = arith.addi %add3A_97, %add3A_106 : i32
      %sub3A = arith.constant 1 : i32
      %sub3A_108 = arith.subi %add3A_107, %sub3A : i32
      %lt3A = arith.constant 40 : i32
      %lt3A_109 = arith.cmpi slt, %sub3A_108, %lt3A : i32
      %convert_element_type3A = arith.extui %lt3A_109 : i1 to i32
      %cond3A = arith.constant 0 : i32
      %cond3A_110 = arith.cmpi ne, %convert_element_type3A, %cond3A : i32
      scf.if %cond3A_110 {
        %add3A_177 = arith.constant 4 : i32
        %add3A_178 = arith.addi %add3A_97, %add3A_177 : i32
        %sub3A_179 = arith.constant 1 : i32
        %sub3A_180 = arith.subi %add3A_178, %sub3A_179 : i32
        %dma_start3A_181 = arith.constant 0 : i32
        %dma_start3A_182 = arith.constant 0 : i32
        %dma_start3A_183 = tpu.memref_slice %arg11[%dma_start3A_181, %dma_start3A_182] : memref<128x128xbf16, #tpu.memory_space<vmem>> -> memref<125x128xbf16, #tpu.memory_space<vmem>>
        %dma_start3A_184 = arith.constant 0 : i32
        %dma_start3A_185 = tpu.memref_slice %arg6[%sub3A_180, %dma_start3A_184] : memref<40x125xi32, #tpu.memory_space<vmem>> -> memref<1x125xi32, #tpu.memory_space<vmem>>
        %dma_start3A_186 = tpu.memref_squeeze %dma_start3A_185 : memref<1x125xi32, #tpu.memory_space<vmem>> -> memref<125xi32, #tpu.memory_space<vmem>>
        %dma_start3A_187 = arith.constant 0 : i32
        %dma_start3A_188 = arith.constant 0 : i32
        %dma_start3A_189 = tpu.memref_slice %arg2[%dma_start3A_187, %dma_start3A_188] : memref<10000x128xbf16, #tpu.memory_space<hbm>> -> memref<10000x128xbf16, #tpu.memory_space<hbm>>
        tpu.enqueue_indirect_dma source(%dma_start3A_189 : memref<10000x128xbf16, #tpu.memory_space<hbm>>) target(%dma_start3A_183 : memref<125x128xbf16, #tpu.memory_space<vmem>>) offsets(%dma_start3A_186 : memref<125xi32, #tpu.memory_space<vmem>>) semaphore(%arg17 : memref<!tpu.dma_semaphore, #tpu.memory_space<semaphore_mem>>)
      } else {
      }
      %mul3A_111 = arith.constant 4 : i32
      %mul3A_112 = arith.muli %mul3A_111, %scan3A_93 : i32
      %add3A_113 = arith.constant 1 : i32
      %add3A_114 = arith.addi %mul3A_112, %add3A_113 : i32
      %dma_wait3A_115 = arith.constant 0 : i32
      %dma_wait3A_116 = arith.constant 0 : i32
      %dma_wait3A_117 = tpu.memref_slice %arg9[%dma_wait3A_115, %dma_wait3A_116] : memref<128x128xbf16, #tpu.memory_space<vmem>> -> memref<125x128xbf16, #tpu.memory_space<vmem>>
      %dma_wait3A_118 = arith.constant 0 : i32
      %dma_wait3A_119 = tpu.memref_slice %arg6[%add3A_114, %dma_wait3A_118] : memref<40x125xi32, #tpu.memory_space<vmem>> -> memref<1x125xi32, #tpu.memory_space<vmem>>
      %dma_wait3A_120 = tpu.memref_squeeze %dma_wait3A_119 : memref<1x125xi32, #tpu.memory_space<vmem>> -> memref<125xi32, #tpu.memory_space<vmem>>
      %dma_wait3A_121 = arith.constant 0 : i32
      %dma_wait3A_122 = arith.constant 0 : i32
      %dma_wait3A_123 = tpu.memref_slice %arg2[%dma_wait3A_121, %dma_wait3A_122] : memref<10000x128xbf16, #tpu.memory_space<hbm>> -> memref<10000x128xbf16, #tpu.memory_space<hbm>>
      tpu.wait_indirect_dma semaphore(%arg15 : memref<!tpu.dma_semaphore, #tpu.memory_space<semaphore_mem>>) src(%dma_wait3A_123 : memref<10000x128xbf16, #tpu.memory_space<hbm>>) dst(%dma_wait3A_117 : memref<125x128xbf16, #tpu.memory_space<vmem>>)
      "tpu.region"() ({
        %run_scoped3A_177 = tpu.sem_alloc : memref<!tpu.dma_semaphore, #tpu.memory_space<semaphore_mem>>
        %dma_start3A_178 = arith.constant 0 : i32
        %dma_start3A_179 = arith.constant 0 : i32
        %dma_start3A_180 = tpu.memref_slice %arg9[%dma_start3A_178, %dma_start3A_179] : memref<128x128xbf16, #tpu.memory_space<vmem>> -> memref<125x128xbf16, #tpu.memory_space<vmem>>
        %dma_start3A_181 = arith.constant 0 : i32
        %dma_start3A_182 = tpu.memref_slice %arg7[%add3A_114, %dma_start3A_181] : memref<40x125xi32, #tpu.memory_space<vmem>> -> memref<1x125xi32, #tpu.memory_space<vmem>>
        %dma_start3A_183 = tpu.memref_squeeze %dma_start3A_182 : memref<1x125xi32, #tpu.memory_space<vmem>> -> memref<125xi32, #tpu.memory_space<vmem>>
        %dma_start3A_184 = arith.constant 0 : i32
        %dma_start3A_185 = arith.constant 0 : i32
        %dma_start3A_186 = tpu.memref_slice %arg13[%dma_start3A_184, %dma_start3A_185] : memref<10240x128xbf16, #tpu.memory_space<vmem_shared>> -> memref<10240x128xbf16, #tpu.memory_space<vmem_shared>>
        tpu.enqueue_indirect_dma source(%dma_start3A_180 : memref<125x128xbf16, #tpu.memory_space<vmem>>) target(%dma_start3A_186 : memref<10240x128xbf16, #tpu.memory_space<vmem_shared>>) offsets(%dma_start3A_183 : memref<125xi32, #tpu.memory_space<vmem>>) semaphore(%run_scoped3A_177 : memref<!tpu.dma_semaphore, #tpu.memory_space<semaphore_mem>>) {add = true}
        %dma_wait3A_187 = arith.constant 0 : i32
        %dma_wait3A_188 = arith.constant 0 : i32
        %dma_wait3A_189 = tpu.memref_slice %arg9[%dma_wait3A_187, %dma_wait3A_188] : memref<128x128xbf16, #tpu.memory_space<vmem>> -> memref<125x128xbf16, #tpu.memory_space<vmem>>
        %dma_wait3A_190 = arith.constant 0 : i32
        %dma_wait3A_191 = tpu.memref_slice %arg7[%add3A_114, %dma_wait3A_190] : memref<40x125xi32, #tpu.memory_space<vmem>> -> memref<1x125xi32, #tpu.memory_space<vmem>>
        %dma_wait3A_192 = tpu.memref_squeeze %dma_wait3A_191 : memref<1x125xi32, #tpu.memory_space<vmem>> -> memref<125xi32, #tpu.memory_space<vmem>>
        %dma_wait3A_193 = arith.constant 0 : i32
        %dma_wait3A_194 = arith.constant 0 : i32
        %dma_wait3A_195 = tpu.memref_slice %arg13[%dma_wait3A_193, %dma_wait3A_194] : memref<10240x128xbf16, #tpu.memory_space<vmem_shared>> -> memref<10240x128xbf16, #tpu.memory_space<vmem_shared>>
        tpu.wait_indirect_dma semaphore(%run_scoped3A_177 : memref<!tpu.dma_semaphore, #tpu.memory_space<semaphore_mem>>) src(%dma_wait3A_189 : memref<125x128xbf16, #tpu.memory_space<vmem>>) dst(%dma_wait3A_195 : memref<10240x128xbf16, #tpu.memory_space<vmem_shared>>)
        tpu.yield
      }) : () -> ()
      %add3A_124 = arith.constant 4 : i32
      %add3A_125 = arith.addi %add3A_114, %add3A_124 : i32
      %sub3A_126 = arith.constant 1 : i32
      %sub3A_127 = arith.subi %add3A_125, %sub3A_126 : i32
      %lt3A_128 = arith.constant 40 : i32
      %lt3A_129 = arith.cmpi slt, %sub3A_127, %lt3A_128 : i32
      %convert_element_type3A_130 = arith.extui %lt3A_129 : i1 to i32
      %cond3A_131 = arith.constant 0 : i32
      %cond3A_132 = arith.cmpi ne, %convert_element_type3A_130, %cond3A_131 : i32
      scf.if %cond3A_132 {
        %add3A_177 = arith.constant 4 : i32
        %add3A_178 = arith.addi %add3A_114, %add3A_177 : i32
        %sub3A_179 = arith.constant 1 : i32
        %sub3A_180 = arith.subi %add3A_178, %sub3A_179 : i32
        %dma_start3A_181 = arith.constant 0 : i32
        %dma_start3A_182 = arith.constant 0 : i32
        %dma_start3A_183 = tpu.memref_slice %arg8[%dma_start3A_181, %dma_start3A_182] : memref<128x128xbf16, #tpu.memory_space<vmem>> -> memref<125x128xbf16, #tpu.memory_space<vmem>>
        %dma_start3A_184 = arith.constant 0 : i32
        %dma_start3A_185 = tpu.memref_slice %arg6[%sub3A_180, %dma_start3A_184] : memref<40x125xi32, #tpu.memory_space<vmem>> -> memref<1x125xi32, #tpu.memory_space<vmem>>
        %dma_start3A_186 = tpu.memref_squeeze %dma_start3A_185 : memref<1x125xi32, #tpu.memory_space<vmem>> -> memref<125xi32, #tpu.memory_space<vmem>>
        %dma_start3A_187 = arith.constant 0 : i32
        %dma_start3A_188 = arith.constant 0 : i32
        %dma_start3A_189 = tpu.memref_slice %arg2[%dma_start3A_187, %dma_start3A_188] : memref<10000x128xbf16, #tpu.memory_space<hbm>> -> memref<10000x128xbf16, #tpu.memory_space<hbm>>
        tpu.enqueue_indirect_dma source(%dma_start3A_189 : memref<10000x128xbf16, #tpu.memory_space<hbm>>) target(%dma_start3A_183 : memref<125x128xbf16, #tpu.memory_space<vmem>>) offsets(%dma_start3A_186 : memref<125xi32, #tpu.memory_space<vmem>>) semaphore(%arg14 : memref<!tpu.dma_semaphore, #tpu.memory_space<semaphore_mem>>)
      } else {
      }
      %mul3A_133 = arith.constant 4 : i32
      %mul3A_134 = arith.muli %mul3A_133, %scan3A_93 : i32
      %add3A_135 = arith.constant 2 : i32
      %add3A_136 = arith.addi %mul3A_134, %add3A_135 : i32
      %dma_wait3A_137 = arith.constant 0 : i32
      %dma_wait3A_138 = arith.constant 0 : i32
      %dma_wait3A_139 = tpu.memref_slice %arg10[%dma_wait3A_137, %dma_wait3A_138] : memref<128x128xbf16, #tpu.memory_space<vmem>> -> memref<125x128xbf16, #tpu.memory_space<vmem>>
      %dma_wait3A_140 = arith.constant 0 : i32
      %dma_wait3A_141 = tpu.memref_slice %arg6[%add3A_136, %dma_wait3A_140] : memref<40x125xi32, #tpu.memory_space<vmem>> -> memref<1x125xi32, #tpu.memory_space<vmem>>
      %dma_wait3A_142 = tpu.memref_squeeze %dma_wait3A_141 : memref<1x125xi32, #tpu.memory_space<vmem>> -> memref<125xi32, #tpu.memory_space<vmem>>
      %dma_wait3A_143 = arith.constant 0 : i32
      %dma_wait3A_144 = arith.constant 0 : i32
      %dma_wait3A_145 = tpu.memref_slice %arg2[%dma_wait3A_143, %dma_wait3A_144] : memref<10000x128xbf16, #tpu.memory_space<hbm>> -> memref<10000x128xbf16, #tpu.memory_space<hbm>>
      tpu.wait_indirect_dma semaphore(%arg16 : memref<!tpu.dma_semaphore, #tpu.memory_space<semaphore_mem>>) src(%dma_wait3A_145 : memref<10000x128xbf16, #tpu.memory_space<hbm>>) dst(%dma_wait3A_139 : memref<125x128xbf16, #tpu.memory_space<vmem>>)
      "tpu.region"() ({
        %run_scoped3A_177 = tpu.sem_alloc : memref<!tpu.dma_semaphore, #tpu.memory_space<semaphore_mem>>
        %dma_start3A_178 = arith.constant 0 : i32
        %dma_start3A_179 = arith.constant 0 : i32
        %dma_start3A_180 = tpu.memref_slice %arg10[%dma_start3A_178, %dma_start3A_179] : memref<128x128xbf16, #tpu.memory_space<vmem>> -> memref<125x128xbf16, #tpu.memory_space<vmem>>
        %dma_start3A_181 = arith.constant 0 : i32
        %dma_start3A_182 = tpu.memref_slice %arg7[%add3A_136, %dma_start3A_181] : memref<40x125xi32, #tpu.memory_space<vmem>> -> memref<1x125xi32, #tpu.memory_space<vmem>>
        %dma_start3A_183 = tpu.memref_squeeze %dma_start3A_182 : memref<1x125xi32, #tpu.memory_space<vmem>> -> memref<125xi32, #tpu.memory_space<vmem>>
        %dma_start3A_184 = arith.constant 0 : i32
        %dma_start3A_185 = arith.constant 0 : i32
        %dma_start3A_186 = tpu.memref_slice %arg13[%dma_start3A_184, %dma_start3A_185] : memref<10240x128xbf16, #tpu.memory_space<vmem_shared>> -> memref<10240x128xbf16, #tpu.memory_space<vmem_shared>>
        tpu.enqueue_indirect_dma source(%dma_start3A_180 : memref<125x128xbf16, #tpu.memory_space<vmem>>) target(%dma_start3A_186 : memref<10240x128xbf16, #tpu.memory_space<vmem_shared>>) offsets(%dma_start3A_183 : memref<125xi32, #tpu.memory_space<vmem>>) semaphore(%run_scoped3A_177 : memref<!tpu.dma_semaphore, #tpu.memory_space<semaphore_mem>>) {add = true}
        %dma_wait3A_187 = arith.constant 0 : i32
        %dma_wait3A_188 = arith.constant 0 : i32
        %dma_wait3A_189 = tpu.memref_slice %arg10[%dma_wait3A_187, %dma_wait3A_188] : memref<128x128xbf16, #tpu.memory_space<vmem>> -> memref<125x128xbf16, #tpu.memory_space<vmem>>
        %dma_wait3A_190 = arith.constant 0 : i32
        %dma_wait3A_191 = tpu.memref_slice %arg7[%add3A_136, %dma_wait3A_190] : memref<40x125xi32, #tpu.memory_space<vmem>> -> memref<1x125xi32, #tpu.memory_space<vmem>>
        %dma_wait3A_192 = tpu.memref_squeeze %dma_wait3A_191 : memref<1x125xi32, #tpu.memory_space<vmem>> -> memref<125xi32, #tpu.memory_space<vmem>>
        %dma_wait3A_193 = arith.constant 0 : i32
        %dma_wait3A_194 = arith.constant 0 : i32
        %dma_wait3A_195 = tpu.memref_slice %arg13[%dma_wait3A_193, %dma_wait3A_194] : memref<10240x128xbf16, #tpu.memory_space<vmem_shared>> -> memref<10240x128xbf16, #tpu.memory_space<vmem_shared>>
        tpu.wait_indirect_dma semaphore(%run_scoped3A_177 : memref<!tpu.dma_semaphore, #tpu.memory_space<semaphore_mem>>) src(%dma_wait3A_189 : memref<125x128xbf16, #tpu.memory_space<vmem>>) dst(%dma_wait3A_195 : memref<10240x128xbf16, #tpu.memory_space<vmem_shared>>)
        tpu.yield
      }) : () -> ()
      %add3A_146 = arith.constant 4 : i32
      %add3A_147 = arith.addi %add3A_136, %add3A_146 : i32
      %sub3A_148 = arith.constant 1 : i32
      %sub3A_149 = arith.subi %add3A_147, %sub3A_148 : i32
      %lt3A_150 = arith.constant 40 : i32
      %lt3A_151 = arith.cmpi slt, %sub3A_149, %lt3A_150 : i32
      %convert_element_type3A_152 = arith.extui %lt3A_151 : i1 to i32
      %cond3A_153 = arith.constant 0 : i32
      %cond3A_154 = arith.cmpi ne, %convert_element_type3A_152, %cond3A_153 : i32
      scf.if %cond3A_154 {
        %add3A_177 = arith.constant 4 : i32
        %add3A_178 = arith.addi %add3A_136, %add3A_177 : i32
        %sub3A_179 = arith.constant 1 : i32
        %sub3A_180 = arith.subi %add3A_178, %sub3A_179 : i32
        %dma_start3A_181 = arith.constant 0 : i32
        %dma_start3A_182 = arith.constant 0 : i32
        %dma_start3A_183 = tpu.memref_slice %arg9[%dma_start3A_181, %dma_start3A_182] : memref<128x128xbf16, #tpu.memory_space<vmem>> -> memref<125x128xbf16, #tpu.memory_space<vmem>>
        %dma_start3A_184 = arith.constant 0 : i32
        %dma_start3A_185 = tpu.memref_slice %arg6[%sub3A_180, %dma_start3A_184] : memref<40x125xi32, #tpu.memory_space<vmem>> -> memref<1x125xi32, #tpu.memory_space<vmem>>
        %dma_start3A_186 = tpu.memref_squeeze %dma_start3A_185 : memref<1x125xi32, #tpu.memory_space<vmem>> -> memref<125xi32, #tpu.memory_space<vmem>>
        %dma_start3A_187 = arith.constant 0 : i32
        %dma_start3A_188 = arith.constant 0 : i32
        %dma_start3A_189 = tpu.memref_slice %arg2[%dma_start3A_187, %dma_start3A_188] : memref<10000x128xbf16, #tpu.memory_space<hbm>> -> memref<10000x128xbf16, #tpu.memory_space<hbm>>
        tpu.enqueue_indirect_dma source(%dma_start3A_189 : memref<10000x128xbf16, #tpu.memory_space<hbm>>) target(%dma_start3A_183 : memref<125x128xbf16, #tpu.memory_space<vmem>>) offsets(%dma_start3A_186 : memref<125xi32, #tpu.memory_space<vmem>>) semaphore(%arg15 : memref<!tpu.dma_semaphore, #tpu.memory_space<semaphore_mem>>)
      } else {
      }
      %mul3A_155 = arith.constant 4 : i32
      %mul3A_156 = arith.muli %mul3A_155, %scan3A_93 : i32
      %add3A_157 = arith.constant 3 : i32
      %add3A_158 = arith.addi %mul3A_156, %add3A_157 : i32
      %dma_wait3A_159 = arith.constant 0 : i32
      %dma_wait3A_160 = arith.constant 0 : i32
      %dma_wait3A_161 = tpu.memref_slice %arg11[%dma_wait3A_159, %dma_wait3A_160] : memref<128x128xbf16, #tpu.memory_space<vmem>> -> memref<125x128xbf16, #tpu.memory_space<vmem>>
      %dma_wait3A_162 = arith.constant 0 : i32
      %dma_wait3A_163 = tpu.memref_slice %arg6[%add3A_158, %dma_wait3A_162] : memref<40x125xi32, #tpu.memory_space<vmem>> -> memref<1x125xi32, #tpu.memory_space<vmem>>
      %dma_wait3A_164 = tpu.memref_squeeze %dma_wait3A_163 : memref<1x125xi32, #tpu.memory_space<vmem>> -> memref<125xi32, #tpu.memory_space<vmem>>
      %dma_wait3A_165 = arith.constant 0 : i32
      %dma_wait3A_166 = arith.constant 0 : i32
      %dma_wait3A_167 = tpu.memref_slice %arg2[%dma_wait3A_165, %dma_wait3A_166] : memref<10000x128xbf16, #tpu.memory_space<hbm>> -> memref<10000x128xbf16, #tpu.memory_space<hbm>>
      tpu.wait_indirect_dma semaphore(%arg17 : memref<!tpu.dma_semaphore, #tpu.memory_space<semaphore_mem>>) src(%dma_wait3A_167 : memref<10000x128xbf16, #tpu.memory_space<hbm>>) dst(%dma_wait3A_161 : memref<125x128xbf16, #tpu.memory_space<vmem>>)
      "tpu.region"() ({
        %run_scoped3A_177 = tpu.sem_alloc : memref<!tpu.dma_semaphore, #tpu.memory_space<semaphore_mem>>
        %dma_start3A_178 = arith.constant 0 : i32
        %dma_start3A_179 = arith.constant 0 : i32
        %dma_start3A_180 = tpu.memref_slice %arg11[%dma_start3A_178, %dma_start3A_179] : memref<128x128xbf16, #tpu.memory_space<vmem>> -> memref<125x128xbf16, #tpu.memory_space<vmem>>
        %dma_start3A_181 = arith.constant 0 : i32
        %dma_start3A_182 = tpu.memref_slice %arg7[%add3A_158, %dma_start3A_181] : memref<40x125xi32, #tpu.memory_space<vmem>> -> memref<1x125xi32, #tpu.memory_space<vmem>>
        %dma_start3A_183 = tpu.memref_squeeze %dma_start3A_182 : memref<1x125xi32, #tpu.memory_space<vmem>> -> memref<125xi32, #tpu.memory_space<vmem>>
        %dma_start3A_184 = arith.constant 0 : i32
        %dma_start3A_185 = arith.constant 0 : i32
        %dma_start3A_186 = tpu.memref_slice %arg13[%dma_start3A_184, %dma_start3A_185] : memref<10240x128xbf16, #tpu.memory_space<vmem_shared>> -> memref<10240x128xbf16, #tpu.memory_space<vmem_shared>>
        tpu.enqueue_indirect_dma source(%dma_start3A_180 : memref<125x128xbf16, #tpu.memory_space<vmem>>) target(%dma_start3A_186 : memref<10240x128xbf16, #tpu.memory_space<vmem_shared>>) offsets(%dma_start3A_183 : memref<125xi32, #tpu.memory_space<vmem>>) semaphore(%run_scoped3A_177 : memref<!tpu.dma_semaphore, #tpu.memory_space<semaphore_mem>>) {add = true}
        %dma_wait3A_187 = arith.constant 0 : i32
        %dma_wait3A_188 = arith.constant 0 : i32
        %dma_wait3A_189 = tpu.memref_slice %arg11[%dma_wait3A_187, %dma_wait3A_188] : memref<128x128xbf16, #tpu.memory_space<vmem>> -> memref<125x128xbf16, #tpu.memory_space<vmem>>
        %dma_wait3A_190 = arith.constant 0 : i32
        %dma_wait3A_191 = tpu.memref_slice %arg7[%add3A_158, %dma_wait3A_190] : memref<40x125xi32, #tpu.memory_space<vmem>> -> memref<1x125xi32, #tpu.memory_space<vmem>>
        %dma_wait3A_192 = tpu.memref_squeeze %dma_wait3A_191 : memref<1x125xi32, #tpu.memory_space<vmem>> -> memref<125xi32, #tpu.memory_space<vmem>>
        %dma_wait3A_193 = arith.constant 0 : i32
        %dma_wait3A_194 = arith.constant 0 : i32
        %dma_wait3A_195 = tpu.memref_slice %arg13[%dma_wait3A_193, %dma_wait3A_194] : memref<10240x128xbf16, #tpu.memory_space<vmem_shared>> -> memref<10240x128xbf16, #tpu.memory_space<vmem_shared>>
        tpu.wait_indirect_dma semaphore(%run_scoped3A_177 : memref<!tpu.dma_semaphore, #tpu.memory_space<semaphore_mem>>) src(%dma_wait3A_189 : memref<125x128xbf16, #tpu.memory_space<vmem>>) dst(%dma_wait3A_195 : memref<10240x128xbf16, #tpu.memory_space<vmem_shared>>)
        tpu.yield
      }) : () -> ()
      %add3A_168 = arith.constant 4 : i32
      %add3A_169 = arith.addi %add3A_158, %add3A_168 : i32
      %sub3A_170 = arith.constant 1 : i32
      %sub3A_171 = arith.subi %add3A_169, %sub3A_170 : i32
      %lt3A_172 = arith.constant 40 : i32
      %lt3A_173 = arith.cmpi slt, %sub3A_171, %lt3A_172 : i32
      %convert_element_type3A_174 = arith.extui %lt3A_173 : i1 to i32
      %cond3A_175 = arith.constant 0 : i32
      %cond3A_176 = arith.cmpi ne, %convert_element_type3A_174, %cond3A_175 : i32
      scf.if %cond3A_176 {
        %add3A_177 = arith.constant 4 : i32
        %add3A_178 = arith.addi %add3A_158, %add3A_177 : i32
        %sub3A_179 = arith.constant 1 : i32
        %sub3A_180 = arith.subi %add3A_178, %sub3A_179 : i32
        %dma_start3A_181 = arith.constant 0 : i32
        %dma_start3A_182 = arith.constant 0 : i32
        %dma_start3A_183 = tpu.memref_slice %arg10[%dma_start3A_181, %dma_start3A_182] : memref<128x128xbf16, #tpu.memory_space<vmem>> -> memref<125x128xbf16, #tpu.memory_space<vmem>>
        %dma_start3A_184 = arith.constant 0 : i32
        %dma_start3A_185 = tpu.memref_slice %arg6[%sub3A_180, %dma_start3A_184] : memref<40x125xi32, #tpu.memory_space<vmem>> -> memref<1x125xi32, #tpu.memory_space<vmem>>
        %dma_start3A_186 = tpu.memref_squeeze %dma_start3A_185 : memref<1x125xi32, #tpu.memory_space<vmem>> -> memref<125xi32, #tpu.memory_space<vmem>>
        %dma_start3A_187 = arith.constant 0 : i32
        %dma_start3A_188 = arith.constant 0 : i32
        %dma_start3A_189 = tpu.memref_slice %arg2[%dma_start3A_187, %dma_start3A_188] : memref<10000x128xbf16, #tpu.memory_space<hbm>> -> memref<10000x128xbf16, #tpu.memory_space<hbm>>
        tpu.enqueue_indirect_dma source(%dma_start3A_189 : memref<10000x128xbf16, #tpu.memory_space<hbm>>) target(%dma_start3A_183 : memref<125x128xbf16, #tpu.memory_space<vmem>>) offsets(%dma_start3A_186 : memref<125xi32, #tpu.memory_space<vmem>>) semaphore(%arg16 : memref<!tpu.dma_semaphore, #tpu.memory_space<semaphore_mem>>)
      } else {
      }
    }
    %scan3A_82 = arith.constant 10 : i32
    %barrier3A_83 = arith.constant 0 : index
    tpu.barrier barrier_id(%barrier3A_83)
    %mul3A_84 = arith.constant 640 : i32
    %mul3A_85 = arith.muli %arg1, %mul3A_84 : i32
    %mul3A_86 = arith.constant 640 : i32
    %mul3A_87 = arith.muli %arg1, %mul3A_86 : i32
    %run_scoped3A = arith.constant 0 : i32
    "tpu.region"() ({
      %run_scoped3A_93 = tpu.sem_alloc : memref<!tpu.dma_semaphore, #tpu.memory_space<semaphore_mem>>
      %dma_start3A_94 = arith.constant 0 : i32
      %dma_start3A_95 = tpu.memref_slice %arg5[%arg0, %run_scoped3A, %mul3A_87, %dma_start3A_94] : memref<2x2x10240x128xbf16, #tpu.memory_space<hbm>> -> memref<1x1x640x128xbf16, #tpu.memory_space<hbm>>
      %dma_start3A_96 = tpu.memref_squeeze %dma_start3A_95 : memref<1x1x640x128xbf16, #tpu.memory_space<hbm>> -> memref<640x128xbf16, #tpu.memory_space<hbm>>
      %dma_start3A_97 = arith.constant 0 : i32
      %dma_start3A_98 = tpu.memref_slice %arg12[%mul3A_85, %dma_start3A_97] : memref<10240x128xbf16, #tpu.memory_space<vmem_shared>> -> memref<640x128xbf16, #tpu.memory_space<vmem_shared>>
      tpu.enqueue_dma source(%dma_start3A_98 : memref<640x128xbf16, #tpu.memory_space<vmem_shared>>) target(%dma_start3A_96 : memref<640x128xbf16, #tpu.memory_space<hbm>>) target_semaphore(%run_scoped3A_93 : memref<!tpu.dma_semaphore, #tpu.memory_space<semaphore_mem>>)
      %dma_wait3A = arith.constant 0 : i32
      %dma_wait3A_99 = tpu.memref_slice %arg5[%arg0, %run_scoped3A, %mul3A_87, %dma_wait3A] : memref<2x2x10240x128xbf16, #tpu.memory_space<hbm>> -> memref<1x1x640x128xbf16, #tpu.memory_space<hbm>>
      %dma_wait3A_100 = tpu.memref_squeeze %dma_wait3A_99 : memref<1x1x640x128xbf16, #tpu.memory_space<hbm>> -> memref<640x128xbf16, #tpu.memory_space<hbm>>
      %dma_wait3A_101 = arith.constant 0 : i32
      %dma_wait3A_102 = tpu.memref_slice %arg12[%mul3A_85, %dma_wait3A_101] : memref<10240x128xbf16, #tpu.memory_space<vmem_shared>> -> memref<640x128xbf16, #tpu.memory_space<vmem_shared>>
      tpu.wait_dma2 semaphore(%run_scoped3A_93 : memref<!tpu.dma_semaphore, #tpu.memory_space<semaphore_mem>>) src(%dma_wait3A_102 : memref<640x128xbf16, #tpu.memory_space<vmem_shared>>) dst(%dma_wait3A_100 : memref<640x128xbf16, #tpu.memory_space<hbm>>)
      tpu.yield
    }) : () -> ()
    %mul3A_88 = arith.constant 640 : i32
    %mul3A_89 = arith.muli %arg1, %mul3A_88 : i32
    %mul3A_90 = arith.constant 640 : i32
    %mul3A_91 = arith.muli %arg1, %mul3A_90 : i32
    %run_scoped3A_92 = arith.constant 1 : i32
    "tpu.region"() ({
      %run_scoped3A_93 = tpu.sem_alloc : memref<!tpu.dma_semaphore, #tpu.memory_space<semaphore_mem>>
      %dma_start3A_94 = arith.constant 0 : i32
      %dma_start3A_95 = tpu.memref_slice %arg5[%arg0, %run_scoped3A_92, %mul3A_91, %dma_start3A_94] : memref<2x2x10240x128xbf16, #tpu.memory_space<hbm>> -> memref<1x1x640x128xbf16, #tpu.memory_space<hbm>>
      %dma_start3A_96 = tpu.memref_squeeze %dma_start3A_95 : memref<1x1x640x128xbf16, #tpu.memory_space<hbm>> -> memref<640x128xbf16, #tpu.memory_space<hbm>>
      %dma_start3A_97 = arith.constant 0 : i32
      %dma_start3A_98 = tpu.memref_slice %arg13[%mul3A_89, %dma_start3A_97] : memref<10240x128xbf16, #tpu.memory_space<vmem_shared>> -> memref<640x128xbf16, #tpu.memory_space<vmem_shared>>
      tpu.enqueue_dma source(%dma_start3A_98 : memref<640x128xbf16, #tpu.memory_space<vmem_shared>>) target(%dma_start3A_96 : memref<640x128xbf16, #tpu.memory_space<hbm>>) target_semaphore(%run_scoped3A_93 : memref<!tpu.dma_semaphore, #tpu.memory_space<semaphore_mem>>)
      %dma_wait3A = arith.constant 0 : i32
      %dma_wait3A_99 = tpu.memref_slice %arg5[%arg0, %run_scoped3A_92, %mul3A_91, %dma_wait3A] : memref<2x2x10240x128xbf16, #tpu.memory_space<hbm>> -> memref<1x1x640x128xbf16, #tpu.memory_space<hbm>>
      %dma_wait3A_100 = tpu.memref_squeeze %dma_wait3A_99 : memref<1x1x640x128xbf16, #tpu.memory_space<hbm>> -> memref<640x128xbf16, #tpu.memory_space<hbm>>
      %dma_wait3A_101 = arith.constant 0 : i32
      %dma_wait3A_102 = tpu.memref_slice %arg13[%mul3A_89, %dma_wait3A_101] : memref<10240x128xbf16, #tpu.memory_space<vmem_shared>> -> memref<640x128xbf16, #tpu.memory_space<vmem_shared>>
      tpu.wait_dma2 semaphore(%run_scoped3A_93 : memref<!tpu.dma_semaphore, #tpu.memory_space<semaphore_mem>>) src(%dma_wait3A_102 : memref<640x128xbf16, #tpu.memory_space<vmem_shared>>) dst(%dma_wait3A_100 : memref<640x128xbf16, #tpu.memory_space<hbm>>)
      tpu.yield
    }) : () -> ()
    return
  }
}

#map = affine_map<(d0, d1) -> (0, 0)>
#map1 = affine_map<(d0, d1) -> (0, 0, 0)>
#map2 = affine_map<(d0, d1) -> (0, 0, 0, 0)>
module attributes {stable_mosaic.version = 14 : i64} {
  func.func @_sc_scatter(%arg0: i32, %arg1: i32, %arg2: memref<10000x128xbf16, #tpu.memory_space<hbm>>, %arg3: memref<32x80x125xi32, #tpu.memory_space<hbm>>, %arg4: memref<32x80x125xi32, #tpu.memory_space<hbm>>, %arg5: memref<2x2x10240x128xbf16, #tpu.memory_space<hbm>>, %arg6: memref<40x125xi32, #tpu.memory_space<vmem>>, %arg7: memref<40x125xi32, #tpu.memory_space<vmem>>, %arg8: memref<128x128xbf16, #tpu.memory_space<vmem>>, %arg9: memref<128x128xbf16, #tpu.memory_space<vmem>>, %arg10: memref<128x128xbf16, #tpu.memory_space<vmem>>, %arg11: memref<128x128xbf16, #tpu.memory_space<vmem>>, %arg12: memref<10240x128xbf16, #tpu.memory_space<vmem_shared>>, %arg13: memref<10240x128xbf16, #tpu.memory_space<vmem_shared>>, %arg14: memref<!tpu.dma_semaphore, #tpu.memory_space<semaphore_mem>>, %arg15: memref<!tpu.dma_semaphore, #tpu.memory_space<semaphore_mem>>, %arg16: memref<!tpu.dma_semaphore, #tpu.memory_space<semaphore_mem>>, %arg17: memref<!tpu.dma_semaphore, #tpu.memory_space<semaphore_mem>>) attributes {dimension_semantics = [#tpu.dimension_semantics<core_parallel>, #tpu.dimension_semantics<subcore_parallel>], iteration_bounds = array<i64: 2, 16>, scalar_prefetch = 0 : i64, scratch_operands = 12 : i64, tpu.core_type = #tpu.core_type<sc_vector_subcore>, window_params = [{transform_indices = #map}, {transform_indices = #map1}, {transform_indices = #map1}, {transform_indices = #map2}]} {
    %mul3A = arith.constant 2 : i32
    %mul3A_0 = arith.muli %arg1, %mul3A : i32
    %add3A = arith.addi %mul3A_0, %arg0 : i32
    %scan3A = arith.constant 0 : i32
    %scan3A_1 = arith.constant 0 : i32
    %scan3A_2 = arith.constant 128 : i32
    %scan3A_3 = arith.addi %scan3A_1, %scan3A_2 : i32
    %scan3A_4 = arith.constant 1 : i32
    scf.for %scan3A_93 = %scan3A_1 to %scan3A_3 step %scan3A_4  : i32 {
      %broadcast_in_dim3A = arith.constant 0.000000e+00 : bf16
      %broadcast_in_dim3A_94 = vector.broadcast %broadcast_in_dim3A : bf16 to vector<32xbf16>
      %swap3A = arith.index_cast %scan3A_93 : i32 to index
      %swap3A_95 = arith.constant 0 : index
      %swap3A_96 = tpu.vector_load %arg8[%swap3A, %swap3A_95] {strides = array<i32>} : memref<128x128xbf16, #tpu.memory_space<vmem>>, vector<1x32xbf16>,
      %swap3A_97 = vector.shape_cast %swap3A_96 : vector<1x32xbf16> to vector<32xbf16>
      %swap3A_98 = vector.shape_cast %broadcast_in_dim3A_94 : vector<32xbf16> to vector<1x32xbf16>
      tpu.vector_store %arg8[%swap3A, %swap3A_95], %swap3A_98 {strides = array<i32>} : memref<128x128xbf16, #tpu.memory_space<vmem>>, vector<1x32xbf16>,
      %broadcast_in_dim3A_99 = arith.constant 0.000000e+00 : bf16
      %broadcast_in_dim3A_100 = vector.broadcast %broadcast_in_dim3A_99 : bf16 to vector<32xbf16>
      %swap3A_101 = arith.index_cast %scan3A_93 : i32 to index
      %swap3A_102 = arith.constant 32 : index
      %swap3A_103 = tpu.vector_load %arg8[%swap3A_101, %swap3A_102] {strides = array<i32>} : memref<128x128xbf16, #tpu.memory_space<vmem>>, vector<1x32xbf16>,
      %swap3A_104 = vector.shape_cast %swap3A_103 : vector<1x32xbf16> to vector<32xbf16>
      %swap3A_105 = vector.shape_cast %broadcast_in_dim3A_100 : vector<32xbf16> to vector<1x32xbf16>
      tpu.vector_store %arg8[%swap3A_101, %swap3A_102], %swap3A_105 {strides = array<i32>} : memref<128x128xbf16, #tpu.memory_space<vmem>>, vector<1x32xbf16>,
      %broadcast_in_dim3A_106 = arith.constant 0.000000e+00 : bf16
      %broadcast_in_dim3A_107 = vector.broadcast %broadcast_in_dim3A_106 : bf16 to vector<32xbf16>
      %swap3A_108 = arith.index_cast %scan3A_93 : i32 to index
      %swap3A_109 = arith.constant 64 : index
      %swap3A_110 = tpu.vector_load %arg8[%swap3A_108, %swap3A_109] {strides = array<i32>} : memref<128x128xbf16, #tpu.memory_space<vmem>>, vector<1x32xbf16>,
      %swap3A_111 = vector.shape_cast %swap3A_110 : vector<1x32xbf16> to vector<32xbf16>
      %swap3A_112 = vector.shape_cast %broadcast_in_dim3A_107 : vector<32xbf16> to vector<1x32xbf16>
      tpu.vector_store %arg8[%swap3A_108, %swap3A_109], %swap3A_112 {strides = array<i32>} : memref<128x128xbf16, #tpu.memory_space<vmem>>, vector<1x32xbf16>,
      %broadcast_in_dim3A_113 = arith.constant 0.000000e+00 : bf16
      %broadcast_in_dim3A_114 = vector.broadcast %broadcast_in_dim3A_113 : bf16 to vector<32xbf16>
      %swap3A_115 = arith.index_cast %scan3A_93 : i32 to index
      %swap3A_116 = arith.constant 96 : index
      %swap3A_117 = tpu.vector_load %arg8[%swap3A_115, %swap3A_116] {strides = array<i32>} : memref<128x128xbf16, #tpu.memory_space<vmem>>, vector<1x32xbf16>,
      %swap3A_118 = vector.shape_cast %swap3A_117 : vector<1x32xbf16> to vector<32xbf16>
      %swap3A_119 = vector.shape_cast %broadcast_in_dim3A_114 : vector<32xbf16> to vector<1x32xbf16>
      tpu.vector_store %arg8[%swap3A_115, %swap3A_116], %swap3A_119 {strides = array<i32>} : memref<128x128xbf16, #tpu.memory_space<vmem>>, vector<1x32xbf16>,
    }
    %scan3A_5 = arith.constant 128 : i32
    %scan3A_6 = arith.constant 0 : i32
    %scan3A_7 = arith.constant 0 : i32
    %scan3A_8 = arith.constant 5 : i32
    %scan3A_9 = arith.addi %scan3A_7, %scan3A_8 : i32
    %scan3A_10 = arith.constant 1 : i32
    scf.for %scan3A_93 = %scan3A_7 to %scan3A_9 step %scan3A_10  : i32 {
      %mul3A_94 = arith.constant 640 : i32
      %mul3A_95 = arith.muli %arg1, %mul3A_94 : i32
      %mul3A_96 = arith.constant 128 : i32
      %mul3A_97 = arith.muli %scan3A_93, %mul3A_96 : i32
      %add3A_98 = arith.addi %mul3A_95, %mul3A_97 : i32
      "tpu.region"() ({
        %run_scoped3A_104 = tpu.sem_alloc : memref<!tpu.dma_semaphore, #tpu.memory_space<semaphore_mem>>
        %dma_start3A_105 = arith.constant 0 : i32
        %dma_start3A_106 = tpu.memref_slice %arg12[%add3A_98, %dma_start3A_105] : memref<10240x128xbf16, #tpu.memory_space<vmem_shared>> -> memref<128x128xbf16, #tpu.memory_space<vmem_shared>>
        %dma_start3A_107 = arith.constant 0 : i32
        %dma_start3A_108 = tpu.memref_slice %arg12[%add3A_98, %dma_start3A_107] : memref<10240x128xbf16, #tpu.memory_space<vmem_shared>> -> memref<128x128xbf16, #tpu.memory_space<vmem_shared>>
        tpu.enqueue_dma source(%arg8 : memref<128x128xbf16, #tpu.memory_space<vmem>>) target(%dma_start3A_108 : memref<128x128xbf16, #tpu.memory_space<vmem_shared>>) target_semaphore(%run_scoped3A_104 : memref<!tpu.dma_semaphore, #tpu.memory_space<semaphore_mem>>)
        %dma_wait3A = arith.constant 0 : i32
        %dma_wait3A_109 = tpu.memref_slice %arg12[%add3A_98, %dma_wait3A] : memref<10240x128xbf16, #tpu.memory_space<vmem_shared>> -> memref<128x128xbf16, #tpu.memory_space<vmem_shared>>
        %dma_wait3A_110 = arith.constant 0 : i32
        %dma_wait3A_111 = tpu.memref_slice %arg12[%add3A_98, %dma_wait3A_110] : memref<10240x128xbf16, #tpu.memory_space<vmem_shared>> -> memref<128x128xbf16, #tpu.memory_space<vmem_shared>>
        tpu.wait_dma2 semaphore(%run_scoped3A_104 : memref<!tpu.dma_semaphore, #tpu.memory_space<semaphore_mem>>) src(%arg8 : memref<128x128xbf16, #tpu.memory_space<vmem>>) dst(%dma_wait3A_111 : memref<128x128xbf16, #tpu.memory_space<vmem_shared>>)
        tpu.yield
      }) : () -> ()
      %mul3A_99 = arith.constant 640 : i32
      %mul3A_100 = arith.muli %arg1, %mul3A_99 : i32
      %mul3A_101 = arith.constant 128 : i32
      %mul3A_102 = arith.muli %scan3A_93, %mul3A_101 : i32
      %add3A_103 = arith.addi %mul3A_100, %mul3A_102 : i32
      "tpu.region"() ({
        %run_scoped3A_104 = tpu.sem_alloc : memref<!tpu.dma_semaphore, #tpu.memory_space<semaphore_mem>>
        %dma_start3A_105 = arith.constant 0 : i32
        %dma_start3A_106 = tpu.memref_slice %arg13[%add3A_103, %dma_start3A_105] : memref<10240x128xbf16, #tpu.memory_space<vmem_shared>> -> memref<128x128xbf16, #tpu.memory_space<vmem_shared>>
        %dma_start3A_107 = arith.constant 0 : i32
        %dma_start3A_108 = tpu.memref_slice %arg13[%add3A_103, %dma_start3A_107] : memref<10240x128xbf16, #tpu.memory_space<vmem_shared>> -> memref<128x128xbf16, #tpu.memory_space<vmem_shared>>
        tpu.enqueue_dma source(%arg8 : memref<128x128xbf16, #tpu.memory_space<vmem>>) target(%dma_start3A_108 : memref<128x128xbf16, #tpu.memory_space<vmem_shared>>) target_semaphore(%run_scoped3A_104 : memref<!tpu.dma_semaphore, #tpu.memory_space<semaphore_mem>>)
        %dma_wait3A = arith.constant 0 : i32
        %dma_wait3A_109 = tpu.memref_slice %arg13[%add3A_103, %dma_wait3A] : memref<10240x128xbf16, #tpu.memory_space<vmem_shared>> -> memref<128x128xbf16, #tpu.memory_space<vmem_shared>>
        %dma_wait3A_110 = arith.constant 0 : i32
        %dma_wait3A_111 = tpu.memref_slice %arg13[%add3A_103, %dma_wait3A_110] : memref<10240x128xbf16, #tpu.memory_space<vmem_shared>> -> memref<128x128xbf16, #tpu.memory_space<vmem_shared>>
        tpu.wait_dma2 semaphore(%run_scoped3A_104 : memref<!tpu.dma_semaphore, #tpu.memory_space<semaphore_mem>>) src(%arg8 : memref<128x128xbf16, #tpu.memory_space<vmem>>) dst(%dma_wait3A_111 : memref<128x128xbf16, #tpu.memory_space<vmem_shared>>)
        tpu.yield
      }) : () -> ()
    }
    %scan3A_11 = arith.constant 5 : i32
    %barrier3A = arith.constant 0 : index
    tpu.barrier barrier_id(%barrier3A)
    "tpu.region"() ({
      %run_scoped3A_93 = tpu.sem_alloc : memref<!tpu.dma_semaphore, #tpu.memory_space<semaphore_mem>>
      %dma_start3A_94 = arith.constant 0 : i32
      %dma_start3A_95 = arith.constant 0 : i32
      %dma_start3A_96 = tpu.memref_slice %arg3[%add3A, %dma_start3A_94, %dma_start3A_95] : memref<32x80x125xi32, #tpu.memory_space<hbm>> -> memref<1x40x125xi32, #tpu.memory_space<hbm>>
      %dma_start3A_97 = tpu.memref_squeeze %dma_start3A_96 : memref<1x40x125xi32, #tpu.memory_space<hbm>> -> memref<40x125xi32, #tpu.memory_space<hbm>>
      %dma_start3A_98 = arith.constant 0 : i32
      %dma_start3A_99 = arith.constant 0 : i32
      %dma_start3A_100 = tpu.memref_slice %arg3[%add3A, %dma_start3A_98, %dma_start3A_99] : memref<32x80x125xi32, #tpu.memory_space<hbm>> -> memref<1x40x125xi32, #tpu.memory_space<hbm>>
      %dma_start3A_101 = tpu.memref_squeeze %dma_start3A_100 : memref<1x40x125xi32, #tpu.memory_space<hbm>> -> memref<40x125xi32, #tpu.memory_space<hbm>>
      tpu.enqueue_dma source(%dma_start3A_101 : memref<40x125xi32, #tpu.memory_space<hbm>>) target(%arg6 : memref<40x125xi32, #tpu.memory_space<vmem>>) target_semaphore(%run_scoped3A_93 : memref<!tpu.dma_semaphore, #tpu.memory_space<semaphore_mem>>)
      %dma_wait3A = arith.constant 0 : i32
      %dma_wait3A_102 = arith.constant 0 : i32
      %dma_wait3A_103 = tpu.memref_slice %arg3[%add3A, %dma_wait3A, %dma_wait3A_102] : memref<32x80x125xi32, #tpu.memory_space<hbm>> -> memref<1x40x125xi32, #tpu.memory_space<hbm>>
      %dma_wait3A_104 = tpu.memref_squeeze %dma_wait3A_103 : memref<1x40x125xi32, #tpu.memory_space<hbm>> -> memref<40x125xi32, #tpu.memory_space<hbm>>
      %dma_wait3A_105 = arith.constant 0 : i32
      %dma_wait3A_106 = arith.constant 0 : i32
      %dma_wait3A_107 = tpu.memref_slice %arg3[%add3A, %dma_wait3A_105, %dma_wait3A_106] : memref<32x80x125xi32, #tpu.memory_space<hbm>> -> memref<1x40x125xi32, #tpu.memory_space<hbm>>
      %dma_wait3A_108 = tpu.memref_squeeze %dma_wait3A_107 : memref<1x40x125xi32, #tpu.memory_space<hbm>> -> memref<40x125xi32, #tpu.memory_space<hbm>>
      tpu.wait_dma2 semaphore(%run_scoped3A_93 : memref<!tpu.dma_semaphore, #tpu.memory_space<semaphore_mem>>) src(%dma_wait3A_108 : memref<40x125xi32, #tpu.memory_space<hbm>>) dst(%arg6 : memref<40x125xi32, #tpu.memory_space<vmem>>)
      tpu.yield
    }) : () -> ()
    "tpu.region"() ({
      %run_scoped3A_93 = tpu.sem_alloc : memref<!tpu.dma_semaphore, #tpu.memory_space<semaphore_mem>>
      %dma_start3A_94 = arith.constant 0 : i32
      %dma_start3A_95 = arith.constant 0 : i32
      %dma_start3A_96 = tpu.memref_slice %arg4[%add3A, %dma_start3A_94, %dma_start3A_95] : memref<32x80x125xi32, #tpu.memory_space<hbm>> -> memref<1x40x125xi32, #tpu.memory_space<hbm>>
      %dma_start3A_97 = tpu.memref_squeeze %dma_start3A_96 : memref<1x40x125xi32, #tpu.memory_space<hbm>> -> memref<40x125xi32, #tpu.memory_space<hbm>>
      %dma_start3A_98 = arith.constant 0 : i32
      %dma_start3A_99 = arith.constant 0 : i32
      %dma_start3A_100 = tpu.memref_slice %arg4[%add3A, %dma_start3A_98, %dma_start3A_99] : memref<32x80x125xi32, #tpu.memory_space<hbm>> -> memref<1x40x125xi32, #tpu.memory_space<hbm>>
      %dma_start3A_101 = tpu.memref_squeeze %dma_start3A_100 : memref<1x40x125xi32, #tpu.memory_space<hbm>> -> memref<40x125xi32, #tpu.memory_space<hbm>>
      tpu.enqueue_dma source(%dma_start3A_101 : memref<40x125xi32, #tpu.memory_space<hbm>>) target(%arg7 : memref<40x125xi32, #tpu.memory_space<vmem>>) target_semaphore(%run_scoped3A_93 : memref<!tpu.dma_semaphore, #tpu.memory_space<semaphore_mem>>)
      %dma_wait3A = arith.constant 0 : i32
      %dma_wait3A_102 = arith.constant 0 : i32
      %dma_wait3A_103 = tpu.memref_slice %arg4[%add3A, %dma_wait3A, %dma_wait3A_102] : memref<32x80x125xi32, #tpu.memory_space<hbm>> -> memref<1x40x125xi32, #tpu.memory_space<hbm>>
      %dma_wait3A_104 = tpu.memref_squeeze %dma_wait3A_103 : memref<1x40x125xi32, #tpu.memory_space<hbm>> -> memref<40x125xi32, #tpu.memory_space<hbm>>
      %dma_wait3A_105 = arith.constant 0 : i32
      %dma_wait3A_106 = arith.constant 0 : i32
      %dma_wait3A_107 = tpu.memref_slice %arg4[%add3A, %dma_wait3A_105, %dma_wait3A_106] : memref<32x80x125xi32, #tpu.memory_space<hbm>> -> memref<1x40x125xi32, #tpu.memory_space<hbm>>
      %dma_wait3A_108 = tpu.memref_squeeze %dma_wait3A_107 : memref<1x40x125xi32, #tpu.memory_space<hbm>> -> memref<40x125xi32, #tpu.memory_space<hbm>>
      tpu.wait_dma2 semaphore(%run_scoped3A_93 : memref<!tpu.dma_semaphore, #tpu.memory_space<semaphore_mem>>) src(%dma_wait3A_108 : memref<40x125xi32, #tpu.memory_space<hbm>>) dst(%arg7 : memref<40x125xi32, #tpu.memory_space<vmem>>)
      tpu.yield
    }) : () -> ()
    %dma_start3A = arith.constant 0 : i32
    %dma_start3A_12 = arith.constant 0 : i32
    %dma_start3A_13 = arith.constant 0 : i32
    %dma_start3A_14 = tpu.memref_slice %arg8[%dma_start3A_12, %dma_start3A_13] : memref<128x128xbf16, #tpu.memory_space<vmem>> -> memref<125x128xbf16, #tpu.memory_space<vmem>>
    %dma_start3A_15 = arith.constant 0 : i32
    %dma_start3A_16 = tpu.memref_slice %arg6[%dma_start3A, %dma_start3A_15] : memref<40x125xi32, #tpu.memory_space<vmem>> -> memref<1x125xi32, #tpu.memory_space<vmem>>
    %dma_start3A_17 = tpu.memref_squeeze %dma_start3A_16 : memref<1x125xi32, #tpu.memory_space<vmem>> -> memref<125xi32, #tpu.memory_space<vmem>>
    %dma_start3A_18 = arith.constant 0 : i32
    %dma_start3A_19 = arith.constant 0 : i32
    %dma_start3A_20 = tpu.memref_slice %arg2[%dma_start3A_18, %dma_start3A_19] : memref<10000x128xbf16, #tpu.memory_space<hbm>> -> memref<10000x128xbf16, #tpu.memory_space<hbm>>
    tpu.enqueue_indirect_dma source(%dma_start3A_20 : memref<10000x128xbf16, #tpu.memory_space<hbm>>) target(%dma_start3A_14 : memref<125x128xbf16, #tpu.memory_space<vmem>>) offsets(%dma_start3A_17 : memref<125xi32, #tpu.memory_space<vmem>>) semaphore(%arg14 : memref<!tpu.dma_semaphore, #tpu.memory_space<semaphore_mem>>)
    %dma_start3A_21 = arith.constant 1 : i32
    %dma_start3A_22 = arith.constant 0 : i32
    %dma_start3A_23 = arith.constant 0 : i32
    %dma_start3A_24 = tpu.memref_slice %arg9[%dma_start3A_22, %dma_start3A_23] : memref<128x128xbf16, #tpu.memory_space<vmem>> -> memref<125x128xbf16, #tpu.memory_space<vmem>>
    %dma_start3A_25 = arith.constant 0 : i32
    %dma_start3A_26 = tpu.memref_slice %arg6[%dma_start3A_21, %dma_start3A_25] : memref<40x125xi32, #tpu.memory_space<vmem>> -> memref<1x125xi32, #tpu.memory_space<vmem>>
    %dma_start3A_27 = tpu.memref_squeeze %dma_start3A_26 : memref<1x125xi32, #tpu.memory_space<vmem>> -> memref<125xi32, #tpu.memory_space<vmem>>
    %dma_start3A_28 = arith.constant 0 : i32
    %dma_start3A_29 = arith.constant 0 : i32
    %dma_start3A_30 = tpu.memref_slice %arg2[%dma_start3A_28, %dma_start3A_29] : memref<10000x128xbf16, #tpu.memory_space<hbm>> -> memref<10000x128xbf16, #tpu.memory_space<hbm>>
    tpu.enqueue_indirect_dma source(%dma_start3A_30 : memref<10000x128xbf16, #tpu.memory_space<hbm>>) target(%dma_start3A_24 : memref<125x128xbf16, #tpu.memory_space<vmem>>) offsets(%dma_start3A_27 : memref<125xi32, #tpu.memory_space<vmem>>) semaphore(%arg15 : memref<!tpu.dma_semaphore, #tpu.memory_space<semaphore_mem>>)
    %dma_start3A_31 = arith.constant 2 : i32
    %dma_start3A_32 = arith.constant 0 : i32
    %dma_start3A_33 = arith.constant 0 : i32
    %dma_start3A_34 = tpu.memref_slice %arg10[%dma_start3A_32, %dma_start3A_33] : memref<128x128xbf16, #tpu.memory_space<vmem>> -> memref<125x128xbf16, #tpu.memory_space<vmem>>
    %dma_start3A_35 = arith.constant 0 : i32
    %dma_start3A_36 = tpu.memref_slice %arg6[%dma_start3A_31, %dma_start3A_35] : memref<40x125xi32, #tpu.memory_space<vmem>> -> memref<1x125xi32, #tpu.memory_space<vmem>>
    %dma_start3A_37 = tpu.memref_squeeze %dma_start3A_36 : memref<1x125xi32, #tpu.memory_space<vmem>> -> memref<125xi32, #tpu.memory_space<vmem>>
    %dma_start3A_38 = arith.constant 0 : i32
    %dma_start3A_39 = arith.constant 0 : i32
    %dma_start3A_40 = tpu.memref_slice %arg2[%dma_start3A_38, %dma_start3A_39] : memref<10000x128xbf16, #tpu.memory_space<hbm>> -> memref<10000x128xbf16, #tpu.memory_space<hbm>>
    tpu.enqueue_indirect_dma source(%dma_start3A_40 : memref<10000x128xbf16, #tpu.memory_space<hbm>>) target(%dma_start3A_34 : memref<125x128xbf16, #tpu.memory_space<vmem>>) offsets(%dma_start3A_37 : memref<125xi32, #tpu.memory_space<vmem>>) semaphore(%arg16 : memref<!tpu.dma_semaphore, #tpu.memory_space<semaphore_mem>>)
    %scan3A_41 = arith.constant 0 : i32
    %scan3A_42 = arith.constant 0 : i32
    %scan3A_43 = arith.constant 10 : i32
    %scan3A_44 = arith.addi %scan3A_42, %scan3A_43 : i32
    %scan3A_45 = arith.constant 1 : i32
    scf.for %scan3A_93 = %scan3A_42 to %scan3A_44 step %scan3A_45  : i32 {
      %mul3A_94 = arith.constant 4 : i32
      %mul3A_95 = arith.muli %mul3A_94, %scan3A_93 : i32
      %add3A_96 = arith.constant 0 : i32
      %add3A_97 = arith.addi %mul3A_95, %add3A_96 : i32
      %dma_wait3A = arith.constant 0 : i32
      %dma_wait3A_98 = arith.constant 0 : i32
      %dma_wait3A_99 = tpu.memref_slice %arg8[%dma_wait3A, %dma_wait3A_98] : memref<128x128xbf16, #tpu.memory_space<vmem>> -> memref<125x128xbf16, #tpu.memory_space<vmem>>
      %dma_wait3A_100 = arith.constant 0 : i32
      %dma_wait3A_101 = tpu.memref_slice %arg6[%add3A_97, %dma_wait3A_100] : memref<40x125xi32, #tpu.memory_space<vmem>> -> memref<1x125xi32, #tpu.memory_space<vmem>>
      %dma_wait3A_102 = tpu.memref_squeeze %dma_wait3A_101 : memref<1x125xi32, #tpu.memory_space<vmem>> -> memref<125xi32, #tpu.memory_space<vmem>>
      %dma_wait3A_103 = arith.constant 0 : i32
      %dma_wait3A_104 = arith.constant 0 : i32
      %dma_wait3A_105 = tpu.memref_slice %arg2[%dma_wait3A_103, %dma_wait3A_104] : memref<10000x128xbf16, #tpu.memory_space<hbm>> -> memref<10000x128xbf16, #tpu.memory_space<hbm>>
      tpu.wait_indirect_dma semaphore(%arg14 : memref<!tpu.dma_semaphore, #tpu.memory_space<semaphore_mem>>) src(%dma_wait3A_105 : memref<10000x128xbf16, #tpu.memory_space<hbm>>) dst(%dma_wait3A_99 : memref<125x128xbf16, #tpu.memory_space<vmem>>)
      "tpu.region"() ({
        %run_scoped3A_177 = tpu.sem_alloc : memref<!tpu.dma_semaphore, #tpu.memory_space<semaphore_mem>>
        %dma_start3A_178 = arith.constant 0 : i32
        %dma_start3A_179 = arith.constant 0 : i32
        %dma_start3A_180 = tpu.memref_slice %arg8[%dma_start3A_178, %dma_start3A_179] : memref<128x128xbf16, #tpu.memory_space<vmem>> -> memref<125x128xbf16, #tpu.memory_space<vmem>>
        %dma_start3A_181 = arith.constant 0 : i32
        %dma_start3A_182 = tpu.memref_slice %arg7[%add3A_97, %dma_start3A_181] : memref<40x125xi32, #tpu.memory_space<vmem>> -> memref<1x125xi32, #tpu.memory_space<vmem>>
        %dma_start3A_183 = tpu.memref_squeeze %dma_start3A_182 : memref<1x125xi32, #tpu.memory_space<vmem>> -> memref<125xi32, #tpu.memory_space<vmem>>
        %dma_start3A_184 = arith.constant 0 : i32
        %dma_start3A_185 = arith.constant 0 : i32
        %dma_start3A_186 = tpu.memref_slice %arg12[%dma_start3A_184, %dma_start3A_185] : memref<10240x128xbf16, #tpu.memory_space<vmem_shared>> -> memref<10240x128xbf16, #tpu.memory_space<vmem_shared>>
        tpu.enqueue_indirect_dma source(%dma_start3A_180 : memref<125x128xbf16, #tpu.memory_space<vmem>>) target(%dma_start3A_186 : memref<10240x128xbf16, #tpu.memory_space<vmem_shared>>) offsets(%dma_start3A_183 : memref<125xi32, #tpu.memory_space<vmem>>) semaphore(%run_scoped3A_177 : memref<!tpu.dma_semaphore, #tpu.memory_space<semaphore_mem>>) {add = true}
        %dma_wait3A_187 = arith.constant 0 : i32
        %dma_wait3A_188 = arith.constant 0 : i32
        %dma_wait3A_189 = tpu.memref_slice %arg8[%dma_wait3A_187, %dma_wait3A_188] : memref<128x128xbf16, #tpu.memory_space<vmem>> -> memref<125x128xbf16, #tpu.memory_space<vmem>>
        %dma_wait3A_190 = arith.constant 0 : i32
        %dma_wait3A_191 = tpu.memref_slice %arg7[%add3A_97, %dma_wait3A_190] : memref<40x125xi32, #tpu.memory_space<vmem>> -> memref<1x125xi32, #tpu.memory_space<vmem>>
        %dma_wait3A_192 = tpu.memref_squeeze %dma_wait3A_191 : memref<1x125xi32, #tpu.memory_space<vmem>> -> memref<125xi32, #tpu.memory_space<vmem>>
        %dma_wait3A_193 = arith.constant 0 : i32
        %dma_wait3A_194 = arith.constant 0 : i32
        %dma_wait3A_195 = tpu.memref_slice %arg12[%dma_wait3A_193, %dma_wait3A_194] : memref<10240x128xbf16, #tpu.memory_space<vmem_shared>> -> memref<10240x128xbf16, #tpu.memory_space<vmem_shared>>
        tpu.wait_indirect_dma semaphore(%run_scoped3A_177 : memref<!tpu.dma_semaphore, #tpu.memory_space<semaphore_mem>>) src(%dma_wait3A_189 : memref<125x128xbf16, #tpu.memory_space<vmem>>) dst(%dma_wait3A_195 : memref<10240x128xbf16, #tpu.memory_space<vmem_shared>>)
        tpu.yield
      }) : () -> ()
      %add3A_106 = arith.constant 4 : i32
      %add3A_107 = arith.addi %add3A_97, %add3A_106 : i32
      %sub3A = arith.constant 1 : i32
      %sub3A_108 = arith.subi %add3A_107, %sub3A : i32
      %lt3A = arith.constant 40 : i32
      %lt3A_109 = arith.cmpi slt, %sub3A_108, %lt3A : i32
      %convert_element_type3A = arith.extui %lt3A_109 : i1 to i32
      %cond3A = arith.constant 0 : i32
      %cond3A_110 = arith.cmpi ne, %convert_element_type3A, %cond3A : i32
      scf.if %cond3A_110 {
        %add3A_177 = arith.constant 4 : i32
        %add3A_178 = arith.addi %add3A_97, %add3A_177 : i32
        %sub3A_179 = arith.constant 1 : i32
        %sub3A_180 = arith.subi %add3A_178, %sub3A_179 : i32
        %dma_start3A_181 = arith.constant 0 : i32
        %dma_start3A_182 = arith.constant 0 : i32
        %dma_start3A_183 = tpu.memref_slice %arg11[%dma_start3A_181, %dma_start3A_182] : memref<128x128xbf16, #tpu.memory_space<vmem>> -> memref<125x128xbf16, #tpu.memory_space<vmem>>
        %dma_start3A_184 = arith.constant 0 : i32
        %dma_start3A_185 = tpu.memref_slice %arg6[%sub3A_180, %dma_start3A_184] : memref<40x125xi32, #tpu.memory_space<vmem>> -> memref<1x125xi32, #tpu.memory_space<vmem>>
        %dma_start3A_186 = tpu.memref_squeeze %dma_start3A_185 : memref<1x125xi32, #tpu.memory_space<vmem>> -> memref<125xi32, #tpu.memory_space<vmem>>
        %dma_start3A_187 = arith.constant 0 : i32
        %dma_start3A_188 = arith.constant 0 : i32
        %dma_start3A_189 = tpu.memref_slice %arg2[%dma_start3A_187, %dma_start3A_188] : memref<10000x128xbf16, #tpu.memory_space<hbm>> -> memref<10000x128xbf16, #tpu.memory_space<hbm>>
        tpu.enqueue_indirect_dma source(%dma_start3A_189 : memref<10000x128xbf16, #tpu.memory_space<hbm>>) target(%dma_start3A_183 : memref<125x128xbf16, #tpu.memory_space<vmem>>) offsets(%dma_start3A_186 : memref<125xi32, #tpu.memory_space<vmem>>) semaphore(%arg17 : memref<!tpu.dma_semaphore, #tpu.memory_space<semaphore_mem>>)
      } else {
      }
      %mul3A_111 = arith.constant 4 : i32
      %mul3A_112 = arith.muli %mul3A_111, %scan3A_93 : i32
      %add3A_113 = arith.constant 1 : i32
      %add3A_114 = arith.addi %mul3A_112, %add3A_113 : i32
      %dma_wait3A_115 = arith.constant 0 : i32
      %dma_wait3A_116 = arith.constant 0 : i32
      %dma_wait3A_117 = tpu.memref_slice %arg9[%dma_wait3A_115, %dma_wait3A_116] : memref<128x128xbf16, #tpu.memory_space<vmem>> -> memref<125x128xbf16, #tpu.memory_space<vmem>>
      %dma_wait3A_118 = arith.constant 0 : i32
      %dma_wait3A_119 = tpu.memref_slice %arg6[%add3A_114, %dma_wait3A_118] : memref<40x125xi32, #tpu.memory_space<vmem>> -> memref<1x125xi32, #tpu.memory_space<vmem>>
      %dma_wait3A_120 = tpu.memref_squeeze %dma_wait3A_119 : memref<1x125xi32, #tpu.memory_space<vmem>> -> memref<125xi32, #tpu.memory_space<vmem>>
      %dma_wait3A_121 = arith.constant 0 : i32
      %dma_wait3A_122 = arith.constant 0 : i32
      %dma_wait3A_123 = tpu.memref_slice %arg2[%dma_wait3A_121, %dma_wait3A_122] : memref<10000x128xbf16, #tpu.memory_space<hbm>> -> memref<10000x128xbf16, #tpu.memory_space<hbm>>
      tpu.wait_indirect_dma semaphore(%arg15 : memref<!tpu.dma_semaphore, #tpu.memory_space<semaphore_mem>>) src(%dma_wait3A_123 : memref<10000x128xbf16, #tpu.memory_space<hbm>>) dst(%dma_wait3A_117 : memref<125x128xbf16, #tpu.memory_space<vmem>>)
      "tpu.region"() ({
        %run_scoped3A_177 = tpu.sem_alloc : memref<!tpu.dma_semaphore, #tpu.memory_space<semaphore_mem>>
        %dma_start3A_178 = arith.constant 0 : i32
        %dma_start3A_179 = arith.constant 0 : i32
        %dma_start3A_180 = tpu.memref_slice %arg9[%dma_start3A_178, %dma_start3A_179] : memref<128x128xbf16, #tpu.memory_space<vmem>> -> memref<125x128xbf16, #tpu.memory_space<vmem>>
        %dma_start3A_181 = arith.constant 0 : i32
        %dma_start3A_182 = tpu.memref_slice %arg7[%add3A_114, %dma_start3A_181] : memref<40x125xi32, #tpu.memory_space<vmem>> -> memref<1x125xi32, #tpu.memory_space<vmem>>
        %dma_start3A_183 = tpu.memref_squeeze %dma_start3A_182 : memref<1x125xi32, #tpu.memory_space<vmem>> -> memref<125xi32, #tpu.memory_space<vmem>>
        %dma_start3A_184 = arith.constant 0 : i32
        %dma_start3A_185 = arith.constant 0 : i32
        %dma_start3A_186 = tpu.memref_slice %arg12[%dma_start3A_184, %dma_start3A_185] : memref<10240x128xbf16, #tpu.memory_space<vmem_shared>> -> memref<10240x128xbf16, #tpu.memory_space<vmem_shared>>
        tpu.enqueue_indirect_dma source(%dma_start3A_180 : memref<125x128xbf16, #tpu.memory_space<vmem>>) target(%dma_start3A_186 : memref<10240x128xbf16, #tpu.memory_space<vmem_shared>>) offsets(%dma_start3A_183 : memref<125xi32, #tpu.memory_space<vmem>>) semaphore(%run_scoped3A_177 : memref<!tpu.dma_semaphore, #tpu.memory_space<semaphore_mem>>) {add = true}
        %dma_wait3A_187 = arith.constant 0 : i32
        %dma_wait3A_188 = arith.constant 0 : i32
        %dma_wait3A_189 = tpu.memref_slice %arg9[%dma_wait3A_187, %dma_wait3A_188] : memref<128x128xbf16, #tpu.memory_space<vmem>> -> memref<125x128xbf16, #tpu.memory_space<vmem>>
        %dma_wait3A_190 = arith.constant 0 : i32
        %dma_wait3A_191 = tpu.memref_slice %arg7[%add3A_114, %dma_wait3A_190] : memref<40x125xi32, #tpu.memory_space<vmem>> -> memref<1x125xi32, #tpu.memory_space<vmem>>
        %dma_wait3A_192 = tpu.memref_squeeze %dma_wait3A_191 : memref<1x125xi32, #tpu.memory_space<vmem>> -> memref<125xi32, #tpu.memory_space<vmem>>
        %dma_wait3A_193 = arith.constant 0 : i32
        %dma_wait3A_194 = arith.constant 0 : i32
        %dma_wait3A_195 = tpu.memref_slice %arg12[%dma_wait3A_193, %dma_wait3A_194] : memref<10240x128xbf16, #tpu.memory_space<vmem_shared>> -> memref<10240x128xbf16, #tpu.memory_space<vmem_shared>>
        tpu.wait_indirect_dma semaphore(%run_scoped3A_177 : memref<!tpu.dma_semaphore, #tpu.memory_space<semaphore_mem>>) src(%dma_wait3A_189 : memref<125x128xbf16, #tpu.memory_space<vmem>>) dst(%dma_wait3A_195 : memref<10240x128xbf16, #tpu.memory_space<vmem_shared>>)
        tpu.yield
      }) : () -> ()
      %add3A_124 = arith.constant 4 : i32
      %add3A_125 = arith.addi %add3A_114, %add3A_124 : i32
      %sub3A_126 = arith.constant 1 : i32
      %sub3A_127 = arith.subi %add3A_125, %sub3A_126 : i32
      %lt3A_128 = arith.constant 40 : i32
      %lt3A_129 = arith.cmpi slt, %sub3A_127, %lt3A_128 : i32
      %convert_element_type3A_130 = arith.extui %lt3A_129 : i1 to i32
      %cond3A_131 = arith.constant 0 : i32
      %cond3A_132 = arith.cmpi ne, %convert_element_type3A_130, %cond3A_131 : i32
      scf.if %cond3A_132 {
        %add3A_177 = arith.constant 4 : i32
        %add3A_178 = arith.addi %add3A_114, %add3A_177 : i32
        %sub3A_179 = arith.constant 1 : i32
        %sub3A_180 = arith.subi %add3A_178, %sub3A_179 : i32
        %dma_start3A_181 = arith.constant 0 : i32
        %dma_start3A_182 = arith.constant 0 : i32
        %dma_start3A_183 = tpu.memref_slice %arg8[%dma_start3A_181, %dma_start3A_182] : memref<128x128xbf16, #tpu.memory_space<vmem>> -> memref<125x128xbf16, #tpu.memory_space<vmem>>
        %dma_start3A_184 = arith.constant 0 : i32
        %dma_start3A_185 = tpu.memref_slice %arg6[%sub3A_180, %dma_start3A_184] : memref<40x125xi32, #tpu.memory_space<vmem>> -> memref<1x125xi32, #tpu.memory_space<vmem>>
        %dma_start3A_186 = tpu.memref_squeeze %dma_start3A_185 : memref<1x125xi32, #tpu.memory_space<vmem>> -> memref<125xi32, #tpu.memory_space<vmem>>
        %dma_start3A_187 = arith.constant 0 : i32
        %dma_start3A_188 = arith.constant 0 : i32
        %dma_start3A_189 = tpu.memref_slice %arg2[%dma_start3A_187, %dma_start3A_188] : memref<10000x128xbf16, #tpu.memory_space<hbm>> -> memref<10000x128xbf16, #tpu.memory_space<hbm>>
        tpu.enqueue_indirect_dma source(%dma_start3A_189 : memref<10000x128xbf16, #tpu.memory_space<hbm>>) target(%dma_start3A_183 : memref<125x128xbf16, #tpu.memory_space<vmem>>) offsets(%dma_start3A_186 : memref<125xi32, #tpu.memory_space<vmem>>) semaphore(%arg14 : memref<!tpu.dma_semaphore, #tpu.memory_space<semaphore_mem>>)
      } else {
      }
      %mul3A_133 = arith.constant 4 : i32
      %mul3A_134 = arith.muli %mul3A_133, %scan3A_93 : i32
      %add3A_135 = arith.constant 2 : i32
      %add3A_136 = arith.addi %mul3A_134, %add3A_135 : i32
      %dma_wait3A_137 = arith.constant 0 : i32
      %dma_wait3A_138 = arith.constant 0 : i32
      %dma_wait3A_139 = tpu.memref_slice %arg10[%dma_wait3A_137, %dma_wait3A_138] : memref<128x128xbf16, #tpu.memory_space<vmem>> -> memref<125x128xbf16, #tpu.memory_space<vmem>>
      %dma_wait3A_140 = arith.constant 0 : i32
      %dma_wait3A_141 = tpu.memref_slice %arg6[%add3A_136, %dma_wait3A_140] : memref<40x125xi32, #tpu.memory_space<vmem>> -> memref<1x125xi32, #tpu.memory_space<vmem>>
      %dma_wait3A_142 = tpu.memref_squeeze %dma_wait3A_141 : memref<1x125xi32, #tpu.memory_space<vmem>> -> memref<125xi32, #tpu.memory_space<vmem>>
      %dma_wait3A_143 = arith.constant 0 : i32
      %dma_wait3A_144 = arith.constant 0 : i32
      %dma_wait3A_145 = tpu.memref_slice %arg2[%dma_wait3A_143, %dma_wait3A_144] : memref<10000x128xbf16, #tpu.memory_space<hbm>> -> memref<10000x128xbf16, #tpu.memory_space<hbm>>
      tpu.wait_indirect_dma semaphore(%arg16 : memref<!tpu.dma_semaphore, #tpu.memory_space<semaphore_mem>>) src(%dma_wait3A_145 : memref<10000x128xbf16, #tpu.memory_space<hbm>>) dst(%dma_wait3A_139 : memref<125x128xbf16, #tpu.memory_space<vmem>>)
      "tpu.region"() ({
        %run_scoped3A_177 = tpu.sem_alloc : memref<!tpu.dma_semaphore, #tpu.memory_space<semaphore_mem>>
        %dma_start3A_178 = arith.constant 0 : i32
        %dma_start3A_179 = arith.constant 0 : i32
        %dma_start3A_180 = tpu.memref_slice %arg10[%dma_start3A_178, %dma_start3A_179] : memref<128x128xbf16, #tpu.memory_space<vmem>> -> memref<125x128xbf16, #tpu.memory_space<vmem>>
        %dma_start3A_181 = arith.constant 0 : i32
        %dma_start3A_182 = tpu.memref_slice %arg7[%add3A_136, %dma_start3A_181] : memref<40x125xi32, #tpu.memory_space<vmem>> -> memref<1x125xi32, #tpu.memory_space<vmem>>
        %dma_start3A_183 = tpu.memref_squeeze %dma_start3A_182 : memref<1x125xi32, #tpu.memory_space<vmem>> -> memref<125xi32, #tpu.memory_space<vmem>>
        %dma_start3A_184 = arith.constant 0 : i32
        %dma_start3A_185 = arith.constant 0 : i32
        %dma_start3A_186 = tpu.memref_slice %arg12[%dma_start3A_184, %dma_start3A_185] : memref<10240x128xbf16, #tpu.memory_space<vmem_shared>> -> memref<10240x128xbf16, #tpu.memory_space<vmem_shared>>
        tpu.enqueue_indirect_dma source(%dma_start3A_180 : memref<125x128xbf16, #tpu.memory_space<vmem>>) target(%dma_start3A_186 : memref<10240x128xbf16, #tpu.memory_space<vmem_shared>>) offsets(%dma_start3A_183 : memref<125xi32, #tpu.memory_space<vmem>>) semaphore(%run_scoped3A_177 : memref<!tpu.dma_semaphore, #tpu.memory_space<semaphore_mem>>) {add = true}
        %dma_wait3A_187 = arith.constant 0 : i32
        %dma_wait3A_188 = arith.constant 0 : i32
        %dma_wait3A_189 = tpu.memref_slice %arg10[%dma_wait3A_187, %dma_wait3A_188] : memref<128x128xbf16, #tpu.memory_space<vmem>> -> memref<125x128xbf16, #tpu.memory_space<vmem>>
        %dma_wait3A_190 = arith.constant 0 : i32
        %dma_wait3A_191 = tpu.memref_slice %arg7[%add3A_136, %dma_wait3A_190] : memref<40x125xi32, #tpu.memory_space<vmem>> -> memref<1x125xi32, #tpu.memory_space<vmem>>
        %dma_wait3A_192 = tpu.memref_squeeze %dma_wait3A_191 : memref<1x125xi32, #tpu.memory_space<vmem>> -> memref<125xi32, #tpu.memory_space<vmem>>
        %dma_wait3A_193 = arith.constant 0 : i32
        %dma_wait3A_194 = arith.constant 0 : i32
        %dma_wait3A_195 = tpu.memref_slice %arg12[%dma_wait3A_193, %dma_wait3A_194] : memref<10240x128xbf16, #tpu.memory_space<vmem_shared>> -> memref<10240x128xbf16, #tpu.memory_space<vmem_shared>>
        tpu.wait_indirect_dma semaphore(%run_scoped3A_177 : memref<!tpu.dma_semaphore, #tpu.memory_space<semaphore_mem>>) src(%dma_wait3A_189 : memref<125x128xbf16, #tpu.memory_space<vmem>>) dst(%dma_wait3A_195 : memref<10240x128xbf16, #tpu.memory_space<vmem_shared>>)
        tpu.yield
      }) : () -> ()
      %add3A_146 = arith.constant 4 : i32
      %add3A_147 = arith.addi %add3A_136, %add3A_146 : i32
      %sub3A_148 = arith.constant 1 : i32
      %sub3A_149 = arith.subi %add3A_147, %sub3A_148 : i32
      %lt3A_150 = arith.constant 40 : i32
      %lt3A_151 = arith.cmpi slt, %sub3A_149, %lt3A_150 : i32
      %convert_element_type3A_152 = arith.extui %lt3A_151 : i1 to i32
      %cond3A_153 = arith.constant 0 : i32
      %cond3A_154 = arith.cmpi ne, %convert_element_type3A_152, %cond3A_153 : i32
      scf.if %cond3A_154 {
        %add3A_177 = arith.constant 4 : i32
        %add3A_178 = arith.addi %add3A_136, %add3A_177 : i32
        %sub3A_179 = arith.constant 1 : i32
        %sub3A_180 = arith.subi %add3A_178, %sub3A_179 : i32
        %dma_start3A_181 = arith.constant 0 : i32
        %dma_start3A_182 = arith.constant 0 : i32
        %dma_start3A_183 = tpu.memref_slice %arg9[%dma_start3A_181, %dma_start3A_182] : memref<128x128xbf16, #tpu.memory_space<vmem>> -> memref<125x128xbf16, #tpu.memory_space<vmem>>
        %dma_start3A_184 = arith.constant 0 : i32
        %dma_start3A_185 = tpu.memref_slice %arg6[%sub3A_180, %dma_start3A_184] : memref<40x125xi32, #tpu.memory_space<vmem>> -> memref<1x125xi32, #tpu.memory_space<vmem>>
        %dma_start3A_186 = tpu.memref_squeeze %dma_start3A_185 : memref<1x125xi32, #tpu.memory_space<vmem>> -> memref<125xi32, #tpu.memory_space<vmem>>
        %dma_start3A_187 = arith.constant 0 : i32
        %dma_start3A_188 = arith.constant 0 : i32
        %dma_start3A_189 = tpu.memref_slice %arg2[%dma_start3A_187, %dma_start3A_188] : memref<10000x128xbf16, #tpu.memory_space<hbm>> -> memref<10000x128xbf16, #tpu.memory_space<hbm>>
        tpu.enqueue_indirect_dma source(%dma_start3A_189 : memref<10000x128xbf16, #tpu.memory_space<hbm>>) target(%dma_start3A_183 : memref<125x128xbf16, #tpu.memory_space<vmem>>) offsets(%dma_start3A_186 : memref<125xi32, #tpu.memory_space<vmem>>) semaphore(%arg15 : memref<!tpu.dma_semaphore, #tpu.memory_space<semaphore_mem>>)
      } else {
      }
      %mul3A_155 = arith.constant 4 : i32
      %mul3A_156 = arith.muli %mul3A_155, %scan3A_93 : i32
      %add3A_157 = arith.constant 3 : i32
      %add3A_158 = arith.addi %mul3A_156, %add3A_157 : i32
      %dma_wait3A_159 = arith.constant 0 : i32
      %dma_wait3A_160 = arith.constant 0 : i32
      %dma_wait3A_161 = tpu.memref_slice %arg11[%dma_wait3A_159, %dma_wait3A_160] : memref<128x128xbf16, #tpu.memory_space<vmem>> -> memref<125x128xbf16, #tpu.memory_space<vmem>>
      %dma_wait3A_162 = arith.constant 0 : i32
      %dma_wait3A_163 = tpu.memref_slice %arg6[%add3A_158, %dma_wait3A_162] : memref<40x125xi32, #tpu.memory_space<vmem>> -> memref<1x125xi32, #tpu.memory_space<vmem>>
      %dma_wait3A_164 = tpu.memref_squeeze %dma_wait3A_163 : memref<1x125xi32, #tpu.memory_space<vmem>> -> memref<125xi32, #tpu.memory_space<vmem>>
      %dma_wait3A_165 = arith.constant 0 : i32
      %dma_wait3A_166 = arith.constant 0 : i32
      %dma_wait3A_167 = tpu.memref_slice %arg2[%dma_wait3A_165, %dma_wait3A_166] : memref<10000x128xbf16, #tpu.memory_space<hbm>> -> memref<10000x128xbf16, #tpu.memory_space<hbm>>
      tpu.wait_indirect_dma semaphore(%arg17 : memref<!tpu.dma_semaphore, #tpu.memory_space<semaphore_mem>>) src(%dma_wait3A_167 : memref<10000x128xbf16, #tpu.memory_space<hbm>>) dst(%dma_wait3A_161 : memref<125x128xbf16, #tpu.memory_space<vmem>>)
      "tpu.region"() ({
        %run_scoped3A_177 = tpu.sem_alloc : memref<!tpu.dma_semaphore, #tpu.memory_space<semaphore_mem>>
        %dma_start3A_178 = arith.constant 0 : i32
        %dma_start3A_179 = arith.constant 0 : i32
        %dma_start3A_180 = tpu.memref_slice %arg11[%dma_start3A_178, %dma_start3A_179] : memref<128x128xbf16, #tpu.memory_space<vmem>> -> memref<125x128xbf16, #tpu.memory_space<vmem>>
        %dma_start3A_181 = arith.constant 0 : i32
        %dma_start3A_182 = tpu.memref_slice %arg7[%add3A_158, %dma_start3A_181] : memref<40x125xi32, #tpu.memory_space<vmem>> -> memref<1x125xi32, #tpu.memory_space<vmem>>
        %dma_start3A_183 = tpu.memref_squeeze %dma_start3A_182 : memref<1x125xi32, #tpu.memory_space<vmem>> -> memref<125xi32, #tpu.memory_space<vmem>>
        %dma_start3A_184 = arith.constant 0 : i32
        %dma_start3A_185 = arith.constant 0 : i32
        %dma_start3A_186 = tpu.memref_slice %arg12[%dma_start3A_184, %dma_start3A_185] : memref<10240x128xbf16, #tpu.memory_space<vmem_shared>> -> memref<10240x128xbf16, #tpu.memory_space<vmem_shared>>
        tpu.enqueue_indirect_dma source(%dma_start3A_180 : memref<125x128xbf16, #tpu.memory_space<vmem>>) target(%dma_start3A_186 : memref<10240x128xbf16, #tpu.memory_space<vmem_shared>>) offsets(%dma_start3A_183 : memref<125xi32, #tpu.memory_space<vmem>>) semaphore(%run_scoped3A_177 : memref<!tpu.dma_semaphore, #tpu.memory_space<semaphore_mem>>) {add = true}
        %dma_wait3A_187 = arith.constant 0 : i32
        %dma_wait3A_188 = arith.constant 0 : i32
        %dma_wait3A_189 = tpu.memref_slice %arg11[%dma_wait3A_187, %dma_wait3A_188] : memref<128x128xbf16, #tpu.memory_space<vmem>> -> memref<125x128xbf16, #tpu.memory_space<vmem>>
        %dma_wait3A_190 = arith.constant 0 : i32
        %dma_wait3A_191 = tpu.memref_slice %arg7[%add3A_158, %dma_wait3A_190] : memref<40x125xi32, #tpu.memory_space<vmem>> -> memref<1x125xi32, #tpu.memory_space<vmem>>
        %dma_wait3A_192 = tpu.memref_squeeze %dma_wait3A_191 : memref<1x125xi32, #tpu.memory_space<vmem>> -> memref<125xi32, #tpu.memory_space<vmem>>
        %dma_wait3A_193 = arith.constant 0 : i32
        %dma_wait3A_194 = arith.constant 0 : i32
        %dma_wait3A_195 = tpu.memref_slice %arg12[%dma_wait3A_193, %dma_wait3A_194] : memref<10240x128xbf16, #tpu.memory_space<vmem_shared>> -> memref<10240x128xbf16, #tpu.memory_space<vmem_shared>>
        tpu.wait_indirect_dma semaphore(%run_scoped3A_177 : memref<!tpu.dma_semaphore, #tpu.memory_space<semaphore_mem>>) src(%dma_wait3A_189 : memref<125x128xbf16, #tpu.memory_space<vmem>>) dst(%dma_wait3A_195 : memref<10240x128xbf16, #tpu.memory_space<vmem_shared>>)
        tpu.yield
      }) : () -> ()
      %add3A_168 = arith.constant 4 : i32
      %add3A_169 = arith.addi %add3A_158, %add3A_168 : i32
      %sub3A_170 = arith.constant 1 : i32
      %sub3A_171 = arith.subi %add3A_169, %sub3A_170 : i32
      %lt3A_172 = arith.constant 40 : i32
      %lt3A_173 = arith.cmpi slt, %sub3A_171, %lt3A_172 : i32
      %convert_element_type3A_174 = arith.extui %lt3A_173 : i1 to i32
      %cond3A_175 = arith.constant 0 : i32
      %cond3A_176 = arith.cmpi ne, %convert_element_type3A_174, %cond3A_175 : i32
      scf.if %cond3A_176 {
        %add3A_177 = arith.constant 4 : i32
        %add3A_178 = arith.addi %add3A_158, %add3A_177 : i32
        %sub3A_179 = arith.constant 1 : i32
        %sub3A_180 = arith.subi %add3A_178, %sub3A_179 : i32
        %dma_start3A_181 = arith.constant 0 : i32
        %dma_start3A_182 = arith.constant 0 : i32
        %dma_start3A_183 = tpu.memref_slice %arg10[%dma_start3A_181, %dma_start3A_182] : memref<128x128xbf16, #tpu.memory_space<vmem>> -> memref<125x128xbf16, #tpu.memory_space<vmem>>
        %dma_start3A_184 = arith.constant 0 : i32
        %dma_start3A_185 = tpu.memref_slice %arg6[%sub3A_180, %dma_start3A_184] : memref<40x125xi32, #tpu.memory_space<vmem>> -> memref<1x125xi32, #tpu.memory_space<vmem>>
        %dma_start3A_186 = tpu.memref_squeeze %dma_start3A_185 : memref<1x125xi32, #tpu.memory_space<vmem>> -> memref<125xi32, #tpu.memory_space<vmem>>
        %dma_start3A_187 = arith.constant 0 : i32
        %dma_start3A_188 = arith.constant 0 : i32
        %dma_start3A_189 = tpu.memref_slice %arg2[%dma_start3A_187, %dma_start3A_188] : memref<10000x128xbf16, #tpu.memory_space<hbm>> -> memref<10000x128xbf16, #tpu.memory_space<hbm>>
        tpu.enqueue_indirect_dma source(%dma_start3A_189 : memref<10000x128xbf16, #tpu.memory_space<hbm>>) target(%dma_start3A_183 : memref<125x128xbf16, #tpu.memory_space<vmem>>) offsets(%dma_start3A_186 : memref<125xi32, #tpu.memory_space<vmem>>) semaphore(%arg16 : memref<!tpu.dma_semaphore, #tpu.memory_space<semaphore_mem>>)
      } else {
      }
    }
    %scan3A_46 = arith.constant 10 : i32
    "tpu.region"() ({
      %run_scoped3A_93 = tpu.sem_alloc : memref<!tpu.dma_semaphore, #tpu.memory_space<semaphore_mem>>
      %dma_start3A_94 = arith.constant 40 : i32
      %dma_start3A_95 = arith.constant 0 : i32
      %dma_start3A_96 = tpu.memref_slice %arg3[%add3A, %dma_start3A_94, %dma_start3A_95] : memref<32x80x125xi32, #tpu.memory_space<hbm>> -> memref<1x40x125xi32, #tpu.memory_space<hbm>>
      %dma_start3A_97 = tpu.memref_squeeze %dma_start3A_96 : memref<1x40x125xi32, #tpu.memory_space<hbm>> -> memref<40x125xi32, #tpu.memory_space<hbm>>
      %dma_start3A_98 = arith.constant 40 : i32
      %dma_start3A_99 = arith.constant 0 : i32
      %dma_start3A_100 = tpu.memref_slice %arg3[%add3A, %dma_start3A_98, %dma_start3A_99] : memref<32x80x125xi32, #tpu.memory_space<hbm>> -> memref<1x40x125xi32, #tpu.memory_space<hbm>>
      %dma_start3A_101 = tpu.memref_squeeze %dma_start3A_100 : memref<1x40x125xi32, #tpu.memory_space<hbm>> -> memref<40x125xi32, #tpu.memory_space<hbm>>
      tpu.enqueue_dma source(%dma_start3A_101 : memref<40x125xi32, #tpu.memory_space<hbm>>) target(%arg6 : memref<40x125xi32, #tpu.memory_space<vmem>>) target_semaphore(%run_scoped3A_93 : memref<!tpu.dma_semaphore, #tpu.memory_space<semaphore_mem>>)
      %dma_wait3A = arith.constant 40 : i32
      %dma_wait3A_102 = arith.constant 0 : i32
      %dma_wait3A_103 = tpu.memref_slice %arg3[%add3A, %dma_wait3A, %dma_wait3A_102] : memref<32x80x125xi32, #tpu.memory_space<hbm>> -> memref<1x40x125xi32, #tpu.memory_space<hbm>>
      %dma_wait3A_104 = tpu.memref_squeeze %dma_wait3A_103 : memref<1x40x125xi32, #tpu.memory_space<hbm>> -> memref<40x125xi32, #tpu.memory_space<hbm>>
      %dma_wait3A_105 = arith.constant 40 : i32
      %dma_wait3A_106 = arith.constant 0 : i32
      %dma_wait3A_107 = tpu.memref_slice %arg3[%add3A, %dma_wait3A_105, %dma_wait3A_106] : memref<32x80x125xi32, #tpu.memory_space<hbm>> -> memref<1x40x125xi32, #tpu.memory_space<hbm>>
      %dma_wait3A_108 = tpu.memref_squeeze %dma_wait3A_107 : memref<1x40x125xi32, #tpu.memory_space<hbm>> -> memref<40x125xi32, #tpu.memory_space<hbm>>
      tpu.wait_dma2 semaphore(%run_scoped3A_93 : memref<!tpu.dma_semaphore, #tpu.memory_space<semaphore_mem>>) src(%dma_wait3A_108 : memref<40x125xi32, #tpu.memory_space<hbm>>) dst(%arg6 : memref<40x125xi32, #tpu.memory_space<vmem>>)
      tpu.yield
    }) : () -> ()
    "tpu.region"() ({
      %run_scoped3A_93 = tpu.sem_alloc : memref<!tpu.dma_semaphore, #tpu.memory_space<semaphore_mem>>
      %dma_start3A_94 = arith.constant 40 : i32
      %dma_start3A_95 = arith.constant 0 : i32
      %dma_start3A_96 = tpu.memref_slice %arg4[%add3A, %dma_start3A_94, %dma_start3A_95] : memref<32x80x125xi32, #tpu.memory_space<hbm>> -> memref<1x40x125xi32, #tpu.memory_space<hbm>>
      %dma_start3A_97 = tpu.memref_squeeze %dma_start3A_96 : memref<1x40x125xi32, #tpu.memory_space<hbm>> -> memref<40x125xi32, #tpu.memory_space<hbm>>
      %dma_start3A_98 = arith.constant 40 : i32
      %dma_start3A_99 = arith.constant 0 : i32
      %dma_start3A_100 = tpu.memref_slice %arg4[%add3A, %dma_start3A_98, %dma_start3A_99] : memref<32x80x125xi32, #tpu.memory_space<hbm>> -> memref<1x40x125xi32, #tpu.memory_space<hbm>>
      %dma_start3A_101 = tpu.memref_squeeze %dma_start3A_100 : memref<1x40x125xi32, #tpu.memory_space<hbm>> -> memref<40x125xi32, #tpu.memory_space<hbm>>
      tpu.enqueue_dma source(%dma_start3A_101 : memref<40x125xi32, #tpu.memory_space<hbm>>) target(%arg7 : memref<40x125xi32, #tpu.memory_space<vmem>>) target_semaphore(%run_scoped3A_93 : memref<!tpu.dma_semaphore, #tpu.memory_space<semaphore_mem>>)
      %dma_wait3A = arith.constant 40 : i32
      %dma_wait3A_102 = arith.constant 0 : i32
      %dma_wait3A_103 = tpu.memref_slice %arg4[%add3A, %dma_wait3A, %dma_wait3A_102] : memref<32x80x125xi32, #tpu.memory_space<hbm>> -> memref<1x40x125xi32, #tpu.memory_space<hbm>>
      %dma_wait3A_104 = tpu.memref_squeeze %dma_wait3A_103 : memref<1x40x125xi32, #tpu.memory_space<hbm>> -> memref<40x125xi32, #tpu.memory_space<hbm>>
      %dma_wait3A_105 = arith.constant 40 : i32
      %dma_wait3A_106 = arith.constant 0 : i32
      %dma_wait3A_107 = tpu.memref_slice %arg4[%add3A, %dma_wait3A_105, %dma_wait3A_106] : memref<32x80x125xi32, #tpu.memory_space<hbm>> -> memref<1x40x125xi32, #tpu.memory_space<hbm>>
      %dma_wait3A_108 = tpu.memref_squeeze %dma_wait3A_107 : memref<1x40x125xi32, #tpu.memory_space<hbm>> -> memref<40x125xi32, #tpu.memory_space<hbm>>
      tpu.wait_dma2 semaphore(%run_scoped3A_93 : memref<!tpu.dma_semaphore, #tpu.memory_space<semaphore_mem>>) src(%dma_wait3A_108 : memref<40x125xi32, #tpu.memory_space<hbm>>) dst(%arg7 : memref<40x125xi32, #tpu.memory_space<vmem>>)
      tpu.yield
    }) : () -> ()
    %dma_start3A_47 = arith.constant 0 : i32
    %dma_start3A_48 = arith.constant 0 : i32
    %dma_start3A_49 = arith.constant 0 : i32
    %dma_start3A_50 = tpu.memref_slice %arg8[%dma_start3A_48, %dma_start3A_49] : memref<128x128xbf16, #tpu.memory_space<vmem>> -> memref<125x128xbf16, #tpu.memory_space<vmem>>
    %dma_start3A_51 = arith.constant 0 : i32
    %dma_start3A_52 = tpu.memref_slice %arg6[%dma_start3A_47, %dma_start3A_51] : memref<40x125xi32, #tpu.memory_space<vmem>> -> memref<1x125xi32, #tpu.memory_space<vmem>>
    %dma_start3A_53 = tpu.memref_squeeze %dma_start3A_52 : memref<1x125xi32, #tpu.memory_space<vmem>> -> memref<125xi32, #tpu.memory_space<vmem>>
    %dma_start3A_54 = arith.constant 0 : i32
    %dma_start3A_55 = arith.constant 0 : i32
    %dma_start3A_56 = tpu.memref_slice %arg2[%dma_start3A_54, %dma_start3A_55] : memref<10000x128xbf16, #tpu.memory_space<hbm>> -> memref<10000x128xbf16, #tpu.memory_space<hbm>>
    tpu.enqueue_indirect_dma source(%dma_start3A_56 : memref<10000x128xbf16, #tpu.memory_space<hbm>>) target(%dma_start3A_50 : memref<125x128xbf16, #tpu.memory_space<vmem>>) offsets(%dma_start3A_53 : memref<125xi32, #tpu.memory_space<vmem>>) semaphore(%arg14 : memref<!tpu.dma_semaphore, #tpu.memory_space<semaphore_mem>>)
    %dma_start3A_57 = arith.constant 1 : i32
    %dma_start3A_58 = arith.constant 0 : i32
    %dma_start3A_59 = arith.constant 0 : i32
    %dma_start3A_60 = tpu.memref_slice %arg9[%dma_start3A_58, %dma_start3A_59] : memref<128x128xbf16, #tpu.memory_space<vmem>> -> memref<125x128xbf16, #tpu.memory_space<vmem>>
    %dma_start3A_61 = arith.constant 0 : i32
    %dma_start3A_62 = tpu.memref_slice %arg6[%dma_start3A_57, %dma_start3A_61] : memref<40x125xi32, #tpu.memory_space<vmem>> -> memref<1x125xi32, #tpu.memory_space<vmem>>
    %dma_start3A_63 = tpu.memref_squeeze %dma_start3A_62 : memref<1x125xi32, #tpu.memory_space<vmem>> -> memref<125xi32, #tpu.memory_space<vmem>>
    %dma_start3A_64 = arith.constant 0 : i32
    %dma_start3A_65 = arith.constant 0 : i32
    %dma_start3A_66 = tpu.memref_slice %arg2[%dma_start3A_64, %dma_start3A_65] : memref<10000x128xbf16, #tpu.memory_space<hbm>> -> memref<10000x128xbf16, #tpu.memory_space<hbm>>
    tpu.enqueue_indirect_dma source(%dma_start3A_66 : memref<10000x128xbf16, #tpu.memory_space<hbm>>) target(%dma_start3A_60 : memref<125x128xbf16, #tpu.memory_space<vmem>>) offsets(%dma_start3A_63 : memref<125xi32, #tpu.memory_space<vmem>>) semaphore(%arg15 : memref<!tpu.dma_semaphore, #tpu.memory_space<semaphore_mem>>)
    %dma_start3A_67 = arith.constant 2 : i32
    %dma_start3A_68 = arith.constant 0 : i32
    %dma_start3A_69 = arith.constant 0 : i32
    %dma_start3A_70 = tpu.memref_slice %arg10[%dma_start3A_68, %dma_start3A_69] : memref<128x128xbf16, #tpu.memory_space<vmem>> -> memref<125x128xbf16, #tpu.memory_space<vmem>>
    %dma_start3A_71 = arith.constant 0 : i32
    %dma_start3A_72 = tpu.memref_slice %arg6[%dma_start3A_67, %dma_start3A_71] : memref<40x125xi32, #tpu.memory_space<vmem>> -> memref<1x125xi32, #tpu.memory_space<vmem>>
    %dma_start3A_73 = tpu.memref_squeeze %dma_start3A_72 : memref<1x125xi32, #tpu.memory_space<vmem>> -> memref<125xi32, #tpu.memory_space<vmem>>
    %dma_start3A_74 = arith.constant 0 : i32
    %dma_start3A_75 = arith.constant 0 : i32
    %dma_start3A_76 = tpu.memref_slice %arg2[%dma_start3A_74, %dma_start3A_75] : memref<10000x128xbf16, #tpu.memory_space<hbm>> -> memref<10000x128xbf16, #tpu.memory_space<hbm>>
    tpu.enqueue_indirect_dma source(%dma_start3A_76 : memref<10000x128xbf16, #tpu.memory_space<hbm>>) target(%dma_start3A_70 : memref<125x128xbf16, #tpu.memory_space<vmem>>) offsets(%dma_start3A_73 : memref<125xi32, #tpu.memory_space<vmem>>) semaphore(%arg16 : memref<!tpu.dma_semaphore, #tpu.memory_space<semaphore_mem>>)
    %scan3A_77 = arith.constant 0 : i32
    %scan3A_78 = arith.constant 0 : i32
    %scan3A_79 = arith.constant 10 : i32
    %scan3A_80 = arith.addi %scan3A_78, %scan3A_79 : i32
    %scan3A_81 = arith.constant 1 : i32
    scf.for %scan3A_93 = %scan3A_78 to %scan3A_80 step %scan3A_81  : i32 {
      %mul3A_94 = arith.constant 4 : i32
      %mul3A_95 = arith.muli %mul3A_94, %scan3A_93 : i32
      %add3A_96 = arith.constant 0 : i32
      %add3A_97 = arith.addi %mul3A_95, %add3A_96 : i32
      %dma_wait3A = arith.constant 0 : i32
      %dma_wait3A_98 = arith.constant 0 : i32
      %dma_wait3A_99 = tpu.memref_slice %arg8[%dma_wait3A, %dma_wait3A_98] : memref<128x128xbf16, #tpu.memory_space<vmem>> -> memref<125x128xbf16, #tpu.memory_space<vmem>>
      %dma_wait3A_100 = arith.constant 0 : i32
      %dma_wait3A_101 = tpu.memref_slice %arg6[%add3A_97, %dma_wait3A_100] : memref<40x125xi32, #tpu.memory_space<vmem>> -> memref<1x125xi32, #tpu.memory_space<vmem>>
      %dma_wait3A_102 = tpu.memref_squeeze %dma_wait3A_101 : memref<1x125xi32, #tpu.memory_space<vmem>> -> memref<125xi32, #tpu.memory_space<vmem>>
      %dma_wait3A_103 = arith.constant 0 : i32
      %dma_wait3A_104 = arith.constant 0 : i32
      %dma_wait3A_105 = tpu.memref_slice %arg2[%dma_wait3A_103, %dma_wait3A_104] : memref<10000x128xbf16, #tpu.memory_space<hbm>> -> memref<10000x128xbf16, #tpu.memory_space<hbm>>
      tpu.wait_indirect_dma semaphore(%arg14 : memref<!tpu.dma_semaphore, #tpu.memory_space<semaphore_mem>>) src(%dma_wait3A_105 : memref<10000x128xbf16, #tpu.memory_space<hbm>>) dst(%dma_wait3A_99 : memref<125x128xbf16, #tpu.memory_space<vmem>>)
      "tpu.region"() ({
        %run_scoped3A_177 = tpu.sem_alloc : memref<!tpu.dma_semaphore, #tpu.memory_space<semaphore_mem>>
        %dma_start3A_178 = arith.constant 0 : i32
        %dma_start3A_179 = arith.constant 0 : i32
        %dma_start3A_180 = tpu.memref_slice %arg8[%dma_start3A_178, %dma_start3A_179] : memref<128x128xbf16, #tpu.memory_space<vmem>> -> memref<125x128xbf16, #tpu.memory_space<vmem>>
        %dma_start3A_181 = arith.constant 0 : i32
        %dma_start3A_182 = tpu.memref_slice %arg7[%add3A_97, %dma_start3A_181] : memref<40x125xi32, #tpu.memory_space<vmem>> -> memref<1x125xi32, #tpu.memory_space<vmem>>
        %dma_start3A_183 = tpu.memref_squeeze %dma_start3A_182 : memref<1x125xi32, #tpu.memory_space<vmem>> -> memref<125xi32, #tpu.memory_space<vmem>>
        %dma_start3A_184 = arith.constant 0 : i32
        %dma_start3A_185 = arith.constant 0 : i32
        %dma_start3A_186 = tpu.memref_slice %arg13[%dma_start3A_184, %dma_start3A_185] : memref<10240x128xbf16, #tpu.memory_space<vmem_shared>> -> memref<10240x128xbf16, #tpu.memory_space<vmem_shared>>
        tpu.enqueue_indirect_dma source(%dma_start3A_180 : memref<125x128xbf16, #tpu.memory_space<vmem>>) target(%dma_start3A_186 : memref<10240x128xbf16, #tpu.memory_space<vmem_shared>>) offsets(%dma_start3A_183 : memref<125xi32, #tpu.memory_space<vmem>>) semaphore(%run_scoped3A_177 : memref<!tpu.dma_semaphore, #tpu.memory_space<semaphore_mem>>) {add = true}
        %dma_wait3A_187 = arith.constant 0 : i32
        %dma_wait3A_188 = arith.constant 0 : i32
        %dma_wait3A_189 = tpu.memref_slice %arg8[%dma_wait3A_187, %dma_wait3A_188] : memref<128x128xbf16, #tpu.memory_space<vmem>> -> memref<125x128xbf16, #tpu.memory_space<vmem>>
        %dma_wait3A_190 = arith.constant 0 : i32
        %dma_wait3A_191 = tpu.memref_slice %arg7[%add3A_97, %dma_wait3A_190] : memref<40x125xi32, #tpu.memory_space<vmem>> -> memref<1x125xi32, #tpu.memory_space<vmem>>
        %dma_wait3A_192 = tpu.memref_squeeze %dma_wait3A_191 : memref<1x125xi32, #tpu.memory_space<vmem>> -> memref<125xi32, #tpu.memory_space<vmem>>
        %dma_wait3A_193 = arith.constant 0 : i32
        %dma_wait3A_194 = arith.constant 0 : i32
        %dma_wait3A_195 = tpu.memref_slice %arg13[%dma_wait3A_193, %dma_wait3A_194] : memref<10240x128xbf16, #tpu.memory_space<vmem_shared>> -> memref<10240x128xbf16, #tpu.memory_space<vmem_shared>>
        tpu.wait_indirect_dma semaphore(%run_scoped3A_177 : memref<!tpu.dma_semaphore, #tpu.memory_space<semaphore_mem>>) src(%dma_wait3A_189 : memref<125x128xbf16, #tpu.memory_space<vmem>>) dst(%dma_wait3A_195 : memref<10240x128xbf16, #tpu.memory_space<vmem_shared>>)
        tpu.yield
      }) : () -> ()
      %add3A_106 = arith.constant 4 : i32
      %add3A_107 = arith.addi %add3A_97, %add3A_106 : i32
      %sub3A = arith.constant 1 : i32
      %sub3A_108 = arith.subi %add3A_107, %sub3A : i32
      %lt3A = arith.constant 40 : i32
      %lt3A_109 = arith.cmpi slt, %sub3A_108, %lt3A : i32
      %convert_element_type3A = arith.extui %lt3A_109 : i1 to i32
      %cond3A = arith.constant 0 : i32
      %cond3A_110 = arith.cmpi ne, %convert_element_type3A, %cond3A : i32
      scf.if %cond3A_110 {
        %add3A_177 = arith.constant 4 : i32
        %add3A_178 = arith.addi %add3A_97, %add3A_177 : i32
        %sub3A_179 = arith.constant 1 : i32
        %sub3A_180 = arith.subi %add3A_178, %sub3A_179 : i32
        %dma_start3A_181 = arith.constant 0 : i32
        %dma_start3A_182 = arith.constant 0 : i32
        %dma_start3A_183 = tpu.memref_slice %arg11[%dma_start3A_181, %dma_start3A_182] : memref<128x128xbf16, #tpu.memory_space<vmem>> -> memref<125x128xbf16, #tpu.memory_space<vmem>>
        %dma_start3A_184 = arith.constant 0 : i32
        %dma_start3A_185 = tpu.memref_slice %arg6[%sub3A_180, %dma_start3A_184] : memref<40x125xi32, #tpu.memory_space<vmem>> -> memref<1x125xi32, #tpu.memory_space<vmem>>
        %dma_start3A_186 = tpu.memref_squeeze %dma_start3A_185 : memref<1x125xi32, #tpu.memory_space<vmem>> -> memref<125xi32, #tpu.memory_space<vmem>>
        %dma_start3A_187 = arith.constant 0 : i32
        %dma_start3A_188 = arith.constant 0 : i32
        %dma_start3A_189 = tpu.memref_slice %arg2[%dma_start3A_187, %dma_start3A_188] : memref<10000x128xbf16, #tpu.memory_space<hbm>> -> memref<10000x128xbf16, #tpu.memory_space<hbm>>
        tpu.enqueue_indirect_dma source(%dma_start3A_189 : memref<10000x128xbf16, #tpu.memory_space<hbm>>) target(%dma_start3A_183 : memref<125x128xbf16, #tpu.memory_space<vmem>>) offsets(%dma_start3A_186 : memref<125xi32, #tpu.memory_space<vmem>>) semaphore(%arg17 : memref<!tpu.dma_semaphore, #tpu.memory_space<semaphore_mem>>)
      } else {
      }
      %mul3A_111 = arith.constant 4 : i32
      %mul3A_112 = arith.muli %mul3A_111, %scan3A_93 : i32
      %add3A_113 = arith.constant 1 : i32
      %add3A_114 = arith.addi %mul3A_112, %add3A_113 : i32
      %dma_wait3A_115 = arith.constant 0 : i32
      %dma_wait3A_116 = arith.constant 0 : i32
      %dma_wait3A_117 = tpu.memref_slice %arg9[%dma_wait3A_115, %dma_wait3A_116] : memref<128x128xbf16, #tpu.memory_space<vmem>> -> memref<125x128xbf16, #tpu.memory_space<vmem>>
      %dma_wait3A_118 = arith.constant 0 : i32
      %dma_wait3A_119 = tpu.memref_slice %arg6[%add3A_114, %dma_wait3A_118] : memref<40x125xi32, #tpu.memory_space<vmem>> -> memref<1x125xi32, #tpu.memory_space<vmem>>
      %dma_wait3A_120 = tpu.memref_squeeze %dma_wait3A_119 : memref<1x125xi32, #tpu.memory_space<vmem>> -> memref<125xi32, #tpu.memory_space<vmem>>
      %dma_wait3A_121 = arith.constant 0 : i32
      %dma_wait3A_122 = arith.constant 0 : i32
      %dma_wait3A_123 = tpu.memref_slice %arg2[%dma_wait3A_121, %dma_wait3A_122] : memref<10000x128xbf16, #tpu.memory_space<hbm>> -> memref<10000x128xbf16, #tpu.memory_space<hbm>>
      tpu.wait_indirect_dma semaphore(%arg15 : memref<!tpu.dma_semaphore, #tpu.memory_space<semaphore_mem>>) src(%dma_wait3A_123 : memref<10000x128xbf16, #tpu.memory_space<hbm>>) dst(%dma_wait3A_117 : memref<125x128xbf16, #tpu.memory_space<vmem>>)
      "tpu.region"() ({
        %run_scoped3A_177 = tpu.sem_alloc : memref<!tpu.dma_semaphore, #tpu.memory_space<semaphore_mem>>
        %dma_start3A_178 = arith.constant 0 : i32
        %dma_start3A_179 = arith.constant 0 : i32
        %dma_start3A_180 = tpu.memref_slice %arg9[%dma_start3A_178, %dma_start3A_179] : memref<128x128xbf16, #tpu.memory_space<vmem>> -> memref<125x128xbf16, #tpu.memory_space<vmem>>
        %dma_start3A_181 = arith.constant 0 : i32
        %dma_start3A_182 = tpu.memref_slice %arg7[%add3A_114, %dma_start3A_181] : memref<40x125xi32, #tpu.memory_space<vmem>> -> memref<1x125xi32, #tpu.memory_space<vmem>>
        %dma_start3A_183 = tpu.memref_squeeze %dma_start3A_182 : memref<1x125xi32, #tpu.memory_space<vmem>> -> memref<125xi32, #tpu.memory_space<vmem>>
        %dma_start3A_184 = arith.constant 0 : i32
        %dma_start3A_185 = arith.constant 0 : i32
        %dma_start3A_186 = tpu.memref_slice %arg13[%dma_start3A_184, %dma_start3A_185] : memref<10240x128xbf16, #tpu.memory_space<vmem_shared>> -> memref<10240x128xbf16, #tpu.memory_space<vmem_shared>>
        tpu.enqueue_indirect_dma source(%dma_start3A_180 : memref<125x128xbf16, #tpu.memory_space<vmem>>) target(%dma_start3A_186 : memref<10240x128xbf16, #tpu.memory_space<vmem_shared>>) offsets(%dma_start3A_183 : memref<125xi32, #tpu.memory_space<vmem>>) semaphore(%run_scoped3A_177 : memref<!tpu.dma_semaphore, #tpu.memory_space<semaphore_mem>>) {add = true}
        %dma_wait3A_187 = arith.constant 0 : i32
        %dma_wait3A_188 = arith.constant 0 : i32
        %dma_wait3A_189 = tpu.memref_slice %arg9[%dma_wait3A_187, %dma_wait3A_188] : memref<128x128xbf16, #tpu.memory_space<vmem>> -> memref<125x128xbf16, #tpu.memory_space<vmem>>
        %dma_wait3A_190 = arith.constant 0 : i32
        %dma_wait3A_191 = tpu.memref_slice %arg7[%add3A_114, %dma_wait3A_190] : memref<40x125xi32, #tpu.memory_space<vmem>> -> memref<1x125xi32, #tpu.memory_space<vmem>>
        %dma_wait3A_192 = tpu.memref_squeeze %dma_wait3A_191 : memref<1x125xi32, #tpu.memory_space<vmem>> -> memref<125xi32, #tpu.memory_space<vmem>>
        %dma_wait3A_193 = arith.constant 0 : i32
        %dma_wait3A_194 = arith.constant 0 : i32
        %dma_wait3A_195 = tpu.memref_slice %arg13[%dma_wait3A_193, %dma_wait3A_194] : memref<10240x128xbf16, #tpu.memory_space<vmem_shared>> -> memref<10240x128xbf16, #tpu.memory_space<vmem_shared>>
        tpu.wait_indirect_dma semaphore(%run_scoped3A_177 : memref<!tpu.dma_semaphore, #tpu.memory_space<semaphore_mem>>) src(%dma_wait3A_189 : memref<125x128xbf16, #tpu.memory_space<vmem>>) dst(%dma_wait3A_195 : memref<10240x128xbf16, #tpu.memory_space<vmem_shared>>)
        tpu.yield
      }) : () -> ()
      %add3A_124 = arith.constant 4 : i32
      %add3A_125 = arith.addi %add3A_114, %add3A_124 : i32
      %sub3A_126 = arith.constant 1 : i32
      %sub3A_127 = arith.subi %add3A_125, %sub3A_126 : i32
      %lt3A_128 = arith.constant 40 : i32
      %lt3A_129 = arith.cmpi slt, %sub3A_127, %lt3A_128 : i32
      %convert_element_type3A_130 = arith.extui %lt3A_129 : i1 to i32
      %cond3A_131 = arith.constant 0 : i32
      %cond3A_132 = arith.cmpi ne, %convert_element_type3A_130, %cond3A_131 : i32
      scf.if %cond3A_132 {
        %add3A_177 = arith.constant 4 : i32
        %add3A_178 = arith.addi %add3A_114, %add3A_177 : i32
        %sub3A_179 = arith.constant 1 : i32
        %sub3A_180 = arith.subi %add3A_178, %sub3A_179 : i32
        %dma_start3A_181 = arith.constant 0 : i32
        %dma_start3A_182 = arith.constant 0 : i32
        %dma_start3A_183 = tpu.memref_slice %arg8[%dma_start3A_181, %dma_start3A_182] : memref<128x128xbf16, #tpu.memory_space<vmem>> -> memref<125x128xbf16, #tpu.memory_space<vmem>>
        %dma_start3A_184 = arith.constant 0 : i32
        %dma_start3A_185 = tpu.memref_slice %arg6[%sub3A_180, %dma_start3A_184] : memref<40x125xi32, #tpu.memory_space<vmem>> -> memref<1x125xi32, #tpu.memory_space<vmem>>
        %dma_start3A_186 = tpu.memref_squeeze %dma_start3A_185 : memref<1x125xi32, #tpu.memory_space<vmem>> -> memref<125xi32, #tpu.memory_space<vmem>>
        %dma_start3A_187 = arith.constant 0 : i32
        %dma_start3A_188 = arith.constant 0 : i32
        %dma_start3A_189 = tpu.memref_slice %arg2[%dma_start3A_187, %dma_start3A_188] : memref<10000x128xbf16, #tpu.memory_space<hbm>> -> memref<10000x128xbf16, #tpu.memory_space<hbm>>
        tpu.enqueue_indirect_dma source(%dma_start3A_189 : memref<10000x128xbf16, #tpu.memory_space<hbm>>) target(%dma_start3A_183 : memref<125x128xbf16, #tpu.memory_space<vmem>>) offsets(%dma_start3A_186 : memref<125xi32, #tpu.memory_space<vmem>>) semaphore(%arg14 : memref<!tpu.dma_semaphore, #tpu.memory_space<semaphore_mem>>)
      } else {
      }
      %mul3A_133 = arith.constant 4 : i32
      %mul3A_134 = arith.muli %mul3A_133, %scan3A_93 : i32
      %add3A_135 = arith.constant 2 : i32
      %add3A_136 = arith.addi %mul3A_134, %add3A_135 : i32
      %dma_wait3A_137 = arith.constant 0 : i32
      %dma_wait3A_138 = arith.constant 0 : i32
      %dma_wait3A_139 = tpu.memref_slice %arg10[%dma_wait3A_137, %dma_wait3A_138] : memref<128x128xbf16, #tpu.memory_space<vmem>> -> memref<125x128xbf16, #tpu.memory_space<vmem>>
      %dma_wait3A_140 = arith.constant 0 : i32
      %dma_wait3A_141 = tpu.memref_slice %arg6[%add3A_136, %dma_wait3A_140] : memref<40x125xi32, #tpu.memory_space<vmem>> -> memref<1x125xi32, #tpu.memory_space<vmem>>
      %dma_wait3A_142 = tpu.memref_squeeze %dma_wait3A_141 : memref<1x125xi32, #tpu.memory_space<vmem>> -> memref<125xi32, #tpu.memory_space<vmem>>
      %dma_wait3A_143 = arith.constant 0 : i32
      %dma_wait3A_144 = arith.constant 0 : i32
      %dma_wait3A_145 = tpu.memref_slice %arg2[%dma_wait3A_143, %dma_wait3A_144] : memref<10000x128xbf16, #tpu.memory_space<hbm>> -> memref<10000x128xbf16, #tpu.memory_space<hbm>>
      tpu.wait_indirect_dma semaphore(%arg16 : memref<!tpu.dma_semaphore, #tpu.memory_space<semaphore_mem>>) src(%dma_wait3A_145 : memref<10000x128xbf16, #tpu.memory_space<hbm>>) dst(%dma_wait3A_139 : memref<125x128xbf16, #tpu.memory_space<vmem>>)
      "tpu.region"() ({
        %run_scoped3A_177 = tpu.sem_alloc : memref<!tpu.dma_semaphore, #tpu.memory_space<semaphore_mem>>
        %dma_start3A_178 = arith.constant 0 : i32
        %dma_start3A_179 = arith.constant 0 : i32
        %dma_start3A_180 = tpu.memref_slice %arg10[%dma_start3A_178, %dma_start3A_179] : memref<128x128xbf16, #tpu.memory_space<vmem>> -> memref<125x128xbf16, #tpu.memory_space<vmem>>
        %dma_start3A_181 = arith.constant 0 : i32
        %dma_start3A_182 = tpu.memref_slice %arg7[%add3A_136, %dma_start3A_181] : memref<40x125xi32, #tpu.memory_space<vmem>> -> memref<1x125xi32, #tpu.memory_space<vmem>>
        %dma_start3A_183 = tpu.memref_squeeze %dma_start3A_182 : memref<1x125xi32, #tpu.memory_space<vmem>> -> memref<125xi32, #tpu.memory_space<vmem>>
        %dma_start3A_184 = arith.constant 0 : i32
        %dma_start3A_185 = arith.constant 0 : i32
        %dma_start3A_186 = tpu.memref_slice %arg13[%dma_start3A_184, %dma_start3A_185] : memref<10240x128xbf16, #tpu.memory_space<vmem_shared>> -> memref<10240x128xbf16, #tpu.memory_space<vmem_shared>>
        tpu.enqueue_indirect_dma source(%dma_start3A_180 : memref<125x128xbf16, #tpu.memory_space<vmem>>) target(%dma_start3A_186 : memref<10240x128xbf16, #tpu.memory_space<vmem_shared>>) offsets(%dma_start3A_183 : memref<125xi32, #tpu.memory_space<vmem>>) semaphore(%run_scoped3A_177 : memref<!tpu.dma_semaphore, #tpu.memory_space<semaphore_mem>>) {add = true}
        %dma_wait3A_187 = arith.constant 0 : i32
        %dma_wait3A_188 = arith.constant 0 : i32
        %dma_wait3A_189 = tpu.memref_slice %arg10[%dma_wait3A_187, %dma_wait3A_188] : memref<128x128xbf16, #tpu.memory_space<vmem>> -> memref<125x128xbf16, #tpu.memory_space<vmem>>
        %dma_wait3A_190 = arith.constant 0 : i32
        %dma_wait3A_191 = tpu.memref_slice %arg7[%add3A_136, %dma_wait3A_190] : memref<40x125xi32, #tpu.memory_space<vmem>> -> memref<1x125xi32, #tpu.memory_space<vmem>>
        %dma_wait3A_192 = tpu.memref_squeeze %dma_wait3A_191 : memref<1x125xi32, #tpu.memory_space<vmem>> -> memref<125xi32, #tpu.memory_space<vmem>>
        %dma_wait3A_193 = arith.constant 0 : i32
        %dma_wait3A_194 = arith.constant 0 : i32
        %dma_wait3A_195 = tpu.memref_slice %arg13[%dma_wait3A_193, %dma_wait3A_194] : memref<10240x128xbf16, #tpu.memory_space<vmem_shared>> -> memref<10240x128xbf16, #tpu.memory_space<vmem_shared>>
        tpu.wait_indirect_dma semaphore(%run_scoped3A_177 : memref<!tpu.dma_semaphore, #tpu.memory_space<semaphore_mem>>) src(%dma_wait3A_189 : memref<125x128xbf16, #tpu.memory_space<vmem>>) dst(%dma_wait3A_195 : memref<10240x128xbf16, #tpu.memory_space<vmem_shared>>)
        tpu.yield
      }) : () -> ()
      %add3A_146 = arith.constant 4 : i32
      %add3A_147 = arith.addi %add3A_136, %add3A_146 : i32
      %sub3A_148 = arith.constant 1 : i32
      %sub3A_149 = arith.subi %add3A_147, %sub3A_148 : i32
      %lt3A_150 = arith.constant 40 : i32
      %lt3A_151 = arith.cmpi slt, %sub3A_149, %lt3A_150 : i32
      %convert_element_type3A_152 = arith.extui %lt3A_151 : i1 to i32
      %cond3A_153 = arith.constant 0 : i32
      %cond3A_154 = arith.cmpi ne, %convert_element_type3A_152, %cond3A_153 : i32
      scf.if %cond3A_154 {
        %add3A_177 = arith.constant 4 : i32
        %add3A_178 = arith.addi %add3A_136, %add3A_177 : i32
        %sub3A_179 = arith.constant 1 : i32
        %sub3A_180 = arith.subi %add3A_178, %sub3A_179 : i32
        %dma_start3A_181 = arith.constant 0 : i32
        %dma_start3A_182 = arith.constant 0 : i32
        %dma_start3A_183 = tpu.memref_slice %arg9[%dma_start3A_181, %dma_start3A_182] : memref<128x128xbf16, #tpu.memory_space<vmem>> -> memref<125x128xbf16, #tpu.memory_space<vmem>>
        %dma_start3A_184 = arith.constant 0 : i32
        %dma_start3A_185 = tpu.memref_slice %arg6[%sub3A_180, %dma_start3A_184] : memref<40x125xi32, #tpu.memory_space<vmem>> -> memref<1x125xi32, #tpu.memory_space<vmem>>
        %dma_start3A_186 = tpu.memref_squeeze %dma_start3A_185 : memref<1x125xi32, #tpu.memory_space<vmem>> -> memref<125xi32, #tpu.memory_space<vmem>>
        %dma_start3A_187 = arith.constant 0 : i32
        %dma_start3A_188 = arith.constant 0 : i32
        %dma_start3A_189 = tpu.memref_slice %arg2[%dma_start3A_187, %dma_start3A_188] : memref<10000x128xbf16, #tpu.memory_space<hbm>> -> memref<10000x128xbf16, #tpu.memory_space<hbm>>
        tpu.enqueue_indirect_dma source(%dma_start3A_189 : memref<10000x128xbf16, #tpu.memory_space<hbm>>) target(%dma_start3A_183 : memref<125x128xbf16, #tpu.memory_space<vmem>>) offsets(%dma_start3A_186 : memref<125xi32, #tpu.memory_space<vmem>>) semaphore(%arg15 : memref<!tpu.dma_semaphore, #tpu.memory_space<semaphore_mem>>)
      } else {
      }
      %mul3A_155 = arith.constant 4 : i32
      %mul3A_156 = arith.muli %mul3A_155, %scan3A_93 : i32
      %add3A_157 = arith.constant 3 : i32
      %add3A_158 = arith.addi %mul3A_156, %add3A_157 : i32
      %dma_wait3A_159 = arith.constant 0 : i32
      %dma_wait3A_160 = arith.constant 0 : i32
      %dma_wait3A_161 = tpu.memref_slice %arg11[%dma_wait3A_159, %dma_wait3A_160] : memref<128x128xbf16, #tpu.memory_space<vmem>> -> memref<125x128xbf16, #tpu.memory_space<vmem>>
      %dma_wait3A_162 = arith.constant 0 : i32
      %dma_wait3A_163 = tpu.memref_slice %arg6[%add3A_158, %dma_wait3A_162] : memref<40x125xi32, #tpu.memory_space<vmem>> -> memref<1x125xi32, #tpu.memory_space<vmem>>
      %dma_wait3A_164 = tpu.memref_squeeze %dma_wait3A_163 : memref<1x125xi32, #tpu.memory_space<vmem>> -> memref<125xi32, #tpu.memory_space<vmem>>
      %dma_wait3A_165 = arith.constant 0 : i32
      %dma_wait3A_166 = arith.constant 0 : i32
      %dma_wait3A_167 = tpu.memref_slice %arg2[%dma_wait3A_165, %dma_wait3A_166] : memref<10000x128xbf16, #tpu.memory_space<hbm>> -> memref<10000x128xbf16, #tpu.memory_space<hbm>>
      tpu.wait_indirect_dma semaphore(%arg17 : memref<!tpu.dma_semaphore, #tpu.memory_space<semaphore_mem>>) src(%dma_wait3A_167 : memref<10000x128xbf16, #tpu.memory_space<hbm>>) dst(%dma_wait3A_161 : memref<125x128xbf16, #tpu.memory_space<vmem>>)
      "tpu.region"() ({
        %run_scoped3A_177 = tpu.sem_alloc : memref<!tpu.dma_semaphore, #tpu.memory_space<semaphore_mem>>
        %dma_start3A_178 = arith.constant 0 : i32
        %dma_start3A_179 = arith.constant 0 : i32
        %dma_start3A_180 = tpu.memref_slice %arg11[%dma_start3A_178, %dma_start3A_179] : memref<128x128xbf16, #tpu.memory_space<vmem>> -> memref<125x128xbf16, #tpu.memory_space<vmem>>
        %dma_start3A_181 = arith.constant 0 : i32
        %dma_start3A_182 = tpu.memref_slice %arg7[%add3A_158, %dma_start3A_181] : memref<40x125xi32, #tpu.memory_space<vmem>> -> memref<1x125xi32, #tpu.memory_space<vmem>>
        %dma_start3A_183 = tpu.memref_squeeze %dma_start3A_182 : memref<1x125xi32, #tpu.memory_space<vmem>> -> memref<125xi32, #tpu.memory_space<vmem>>
        %dma_start3A_184 = arith.constant 0 : i32
        %dma_start3A_185 = arith.constant 0 : i32
        %dma_start3A_186 = tpu.memref_slice %arg13[%dma_start3A_184, %dma_start3A_185] : memref<10240x128xbf16, #tpu.memory_space<vmem_shared>> -> memref<10240x128xbf16, #tpu.memory_space<vmem_shared>>
        tpu.enqueue_indirect_dma source(%dma_start3A_180 : memref<125x128xbf16, #tpu.memory_space<vmem>>) target(%dma_start3A_186 : memref<10240x128xbf16, #tpu.memory_space<vmem_shared>>) offsets(%dma_start3A_183 : memref<125xi32, #tpu.memory_space<vmem>>) semaphore(%run_scoped3A_177 : memref<!tpu.dma_semaphore, #tpu.memory_space<semaphore_mem>>) {add = true}
        %dma_wait3A_187 = arith.constant 0 : i32
        %dma_wait3A_188 = arith.constant 0 : i32
        %dma_wait3A_189 = tpu.memref_slice %arg11[%dma_wait3A_187, %dma_wait3A_188] : memref<128x128xbf16, #tpu.memory_space<vmem>> -> memref<125x128xbf16, #tpu.memory_space<vmem>>
        %dma_wait3A_190 = arith.constant 0 : i32
        %dma_wait3A_191 = tpu.memref_slice %arg7[%add3A_158, %dma_wait3A_190] : memref<40x125xi32, #tpu.memory_space<vmem>> -> memref<1x125xi32, #tpu.memory_space<vmem>>
        %dma_wait3A_192 = tpu.memref_squeeze %dma_wait3A_191 : memref<1x125xi32, #tpu.memory_space<vmem>> -> memref<125xi32, #tpu.memory_space<vmem>>
        %dma_wait3A_193 = arith.constant 0 : i32
        %dma_wait3A_194 = arith.constant 0 : i32
        %dma_wait3A_195 = tpu.memref_slice %arg13[%dma_wait3A_193, %dma_wait3A_194] : memref<10240x128xbf16, #tpu.memory_space<vmem_shared>> -> memref<10240x128xbf16, #tpu.memory_space<vmem_shared>>
        tpu.wait_indirect_dma semaphore(%run_scoped3A_177 : memref<!tpu.dma_semaphore, #tpu.memory_space<semaphore_mem>>) src(%dma_wait3A_189 : memref<125x128xbf16, #tpu.memory_space<vmem>>) dst(%dma_wait3A_195 : memref<10240x128xbf16, #tpu.memory_space<vmem_shared>>)
        tpu.yield
      }) : () -> ()
      %add3A_168 = arith.constant 4 : i32
      %add3A_169 = arith.addi %add3A_158, %add3A_168 : i32
      %sub3A_170 = arith.constant 1 : i32
      %sub3A_171 = arith.subi %add3A_169, %sub3A_170 : i32
      %lt3A_172 = arith.constant 40 : i32
      %lt3A_173 = arith.cmpi slt, %sub3A_171, %lt3A_172 : i32
      %convert_element_type3A_174 = arith.extui %lt3A_173 : i1 to i32
      %cond3A_175 = arith.constant 0 : i32
      %cond3A_176 = arith.cmpi ne, %convert_element_type3A_174, %cond3A_175 : i32
      scf.if %cond3A_176 {
        %add3A_177 = arith.constant 4 : i32
        %add3A_178 = arith.addi %add3A_158, %add3A_177 : i32
        %sub3A_179 = arith.constant 1 : i32
        %sub3A_180 = arith.subi %add3A_178, %sub3A_179 : i32
        %dma_start3A_181 = arith.constant 0 : i32
        %dma_start3A_182 = arith.constant 0 : i32
        %dma_start3A_183 = tpu.memref_slice %arg10[%dma_start3A_181, %dma_start3A_182] : memref<128x128xbf16, #tpu.memory_space<vmem>> -> memref<125x128xbf16, #tpu.memory_space<vmem>>
        %dma_start3A_184 = arith.constant 0 : i32
        %dma_start3A_185 = tpu.memref_slice %arg6[%sub3A_180, %dma_start3A_184] : memref<40x125xi32, #tpu.memory_space<vmem>> -> memref<1x125xi32, #tpu.memory_space<vmem>>
        %dma_start3A_186 = tpu.memref_squeeze %dma_start3A_185 : memref<1x125xi32, #tpu.memory_space<vmem>> -> memref<125xi32, #tpu.memory_space<vmem>>
        %dma_start3A_187 = arith.constant 0 : i32
        %dma_start3A_188 = arith.constant 0 : i32
        %dma_start3A_189 = tpu.memref_slice %arg2[%dma_start3A_187, %dma_start3A_188] : memref<10000x128xbf16, #tpu.memory_space<hbm>> -> memref<10000x128xbf16, #tpu.memory_space<hbm>>
        tpu.enqueue_indirect_dma source(%dma_start3A_189 : memref<10000x128xbf16, #tpu.memory_space<hbm>>) target(%dma_start3A_183 : memref<125x128xbf16, #tpu.memory_space<vmem>>) offsets(%dma_start3A_186 : memref<125xi32, #tpu.memory_space<vmem>>) semaphore(%arg16 : memref<!tpu.dma_semaphore, #tpu.memory_space<semaphore_mem>>)
      } else {
      }
    }
    %scan3A_82 = arith.constant 10 : i32
    %barrier3A_83 = arith.constant 0 : index
    tpu.barrier barrier_id(%barrier3A_83)
    %mul3A_84 = arith.constant 640 : i32
    %mul3A_85 = arith.muli %arg1, %mul3A_84 : i32
    %mul3A_86 = arith.constant 640 : i32
    %mul3A_87 = arith.muli %arg1, %mul3A_86 : i32
    %run_scoped3A = arith.constant 0 : i32
    "tpu.region"() ({
      %run_scoped3A_93 = tpu.sem_alloc : memref<!tpu.dma_semaphore, #tpu.memory_space<semaphore_mem>>
      %dma_start3A_94 = arith.constant 0 : i32
      %dma_start3A_95 = tpu.memref_slice %arg5[%arg0, %run_scoped3A, %mul3A_87, %dma_start3A_94] : memref<2x2x10240x128xbf16, #tpu.memory_space<hbm>> -> memref<1x1x640x128xbf16, #tpu.memory_space<hbm>>
      %dma_start3A_96 = tpu.memref_squeeze %dma_start3A_95 : memref<1x1x640x128xbf16, #tpu.memory_space<hbm>> -> memref<640x128xbf16, #tpu.memory_space<hbm>>
      %dma_start3A_97 = arith.constant 0 : i32
      %dma_start3A_98 = tpu.memref_slice %arg12[%mul3A_85, %dma_start3A_97] : memref<10240x128xbf16, #tpu.memory_space<vmem_shared>> -> memref<640x128xbf16, #tpu.memory_space<vmem_shared>>
      tpu.enqueue_dma source(%dma_start3A_98 : memref<640x128xbf16, #tpu.memory_space<vmem_shared>>) target(%dma_start3A_96 : memref<640x128xbf16, #tpu.memory_space<hbm>>) target_semaphore(%run_scoped3A_93 : memref<!tpu.dma_semaphore, #tpu.memory_space<semaphore_mem>>)
      %dma_wait3A = arith.constant 0 : i32
      %dma_wait3A_99 = tpu.memref_slice %arg5[%arg0, %run_scoped3A, %mul3A_87, %dma_wait3A] : memref<2x2x10240x128xbf16, #tpu.memory_space<hbm>> -> memref<1x1x640x128xbf16, #tpu.memory_space<hbm>>
      %dma_wait3A_100 = tpu.memref_squeeze %dma_wait3A_99 : memref<1x1x640x128xbf16, #tpu.memory_space<hbm>> -> memref<640x128xbf16, #tpu.memory_space<hbm>>
      %dma_wait3A_101 = arith.constant 0 : i32
      %dma_wait3A_102 = tpu.memref_slice %arg12[%mul3A_85, %dma_wait3A_101] : memref<10240x128xbf16, #tpu.memory_space<vmem_shared>> -> memref<640x128xbf16, #tpu.memory_space<vmem_shared>>
      tpu.wait_dma2 semaphore(%run_scoped3A_93 : memref<!tpu.dma_semaphore, #tpu.memory_space<semaphore_mem>>) src(%dma_wait3A_102 : memref<640x128xbf16, #tpu.memory_space<vmem_shared>>) dst(%dma_wait3A_100 : memref<640x128xbf16, #tpu.memory_space<hbm>>)
      tpu.yield
    }) : () -> ()
    %mul3A_88 = arith.constant 640 : i32
    %mul3A_89 = arith.muli %arg1, %mul3A_88 : i32
    %mul3A_90 = arith.constant 640 : i32
    %mul3A_91 = arith.muli %arg1, %mul3A_90 : i32
    %run_scoped3A_92 = arith.constant 1 : i32
    "tpu.region"() ({
      %run_scoped3A_93 = tpu.sem_alloc : memref<!tpu.dma_semaphore, #tpu.memory_space<semaphore_mem>>
      %dma_start3A_94 = arith.constant 0 : i32
      %dma_start3A_95 = tpu.memref_slice %arg5[%arg0, %run_scoped3A_92, %mul3A_91, %dma_start3A_94] : memref<2x2x10240x128xbf16, #tpu.memory_space<hbm>> -> memref<1x1x640x128xbf16, #tpu.memory_space<hbm>>
      %dma_start3A_96 = tpu.memref_squeeze %dma_start3A_95 : memref<1x1x640x128xbf16, #tpu.memory_space<hbm>> -> memref<640x128xbf16, #tpu.memory_space<hbm>>
      %dma_start3A_97 = arith.constant 0 : i32
      %dma_start3A_98 = tpu.memref_slice %arg13[%mul3A_89, %dma_start3A_97] : memref<10240x128xbf16, #tpu.memory_space<vmem_shared>> -> memref<640x128xbf16, #tpu.memory_space<vmem_shared>>
      tpu.enqueue_dma source(%dma_start3A_98 : memref<640x128xbf16, #tpu.memory_space<vmem_shared>>) target(%dma_start3A_96 : memref<640x128xbf16, #tpu.memory_space<hbm>>) target_semaphore(%run_scoped3A_93 : memref<!tpu.dma_semaphore, #tpu.memory_space<semaphore_mem>>)
      %dma_wait3A = arith.constant 0 : i32
      %dma_wait3A_99 = tpu.memref_slice %arg5[%arg0, %run_scoped3A_92, %mul3A_91, %dma_wait3A] : memref<2x2x10240x128xbf16, #tpu.memory_space<hbm>> -> memref<1x1x640x128xbf16, #tpu.memory_space<hbm>>
      %dma_wait3A_100 = tpu.memref_squeeze %dma_wait3A_99 : memref<1x1x640x128xbf16, #tpu.memory_space<hbm>> -> memref<640x128xbf16, #tpu.memory_space<hbm>>
      %dma_wait3A_101 = arith.constant 0 : i32
      %dma_wait3A_102 = tpu.memref_slice %arg13[%mul3A_89, %dma_wait3A_101] : memref<10240x128xbf16, #tpu.memory_space<vmem_shared>> -> memref<640x128xbf16, #tpu.memory_space<vmem_shared>>
      tpu.wait_dma2 semaphore(%run_scoped3A_93 : memref<!tpu.dma_semaphore, #tpu.memory_space<semaphore_mem>>) src(%dma_wait3A_102 : memref<640x128xbf16, #tpu.memory_space<vmem_shared>>) dst(%dma_wait3A_100 : memref<640x128xbf16, #tpu.memory_space<hbm>>)
      tpu.yield
    }) : () -> ()
    return
  }
}

module attributes {stable_mosaic.version = 14 : i64} {
  func.func @_tc_scale_matmul_body(%arg0: i32, %arg1: memref<1000x2xf32, #tpu.memory_space<vmem>>, %arg2: memref<1000x128xf32, #tpu.memory_space<vmem>>, %arg3: memref<128x128xf32, #tpu.memory_space<vmem>>, %arg4: memref<1000x128xbf16, #tpu.memory_space<vmem>>) attributes {dimension_semantics = [#tpu.dimension_semantics<arbitrary>], iteration_bounds = array<i64: 10>, scalar_prefetch = 0 : i64, scratch_operands = 0 : i64, tpu.core_type = #tpu.core_type<tc>, window_params = [{transform_indices = @transform_0, window_bounds = array<i64: 1000, 2>}, {transform_indices = @transform_1, window_bounds = array<i64: 1000, 128>}, {pipeline_mode = #tpu.pipeline_mode<synchronous>, transform_indices = @transform_2, window_bounds = array<i64: 128, 128>}, {transform_indices = @transform_3, window_bounds = array<i64: 1000, 128>}]} {
    %get3A = arith.constant 0 : index
    %get3A_0 = arith.constant 0 : index
    %get3A_1 = vector.load %arg2[%get3A, %get3A_0] : memref<1000x128xf32, #tpu.memory_space<vmem>>, vector<1000x128xf32>
    %get3A_2 = arith.constant 0 : index
    %get3A_3 = arith.constant 0 : index
    %get3A_4 = vector.load %arg3[%get3A_2, %get3A_3] : memref<128x128xf32, #tpu.memory_space<vmem>>, vector<128x128xf32>
    %dot_general3A = arith.constant dense<0.000000e+00> : vector<1000x128xf32>
    %dot_general3A_5 = tpu.matmul %get3A_1, %get3A_4, %dot_general3A {dimension_numbers = #tpu.dot_dimension_numbers<[1], [0], [0], [1], [0, 0, 1, 1], [], []>, transpose_lhs_hint = false} : vector<1000x128xf32>, vector<128x128xf32>, vector<1000x128xf32> -> vector<1000x128xf32>
    %get3A_6 = arith.constant 0 : index
    %get3A_7 = arith.constant 0 : index
    %get3A_8 = vector.load %arg1[%get3A_6, %get3A_7] : memref<1000x2xf32, #tpu.memory_space<vmem>>, vector<1000x2xf32>
    %slice3A = vector.extract_strided_slice %get3A_8 {offsets = [0, 0], sizes = [1000, 1], strides = [1, 1]} : vector<1000x2xf32> to vector<1000x1xf32>
    %squeeze3A = vector.shape_cast %slice3A : vector<1000x1xf32> to vector<1000xf32>
    %slice3A_9 = vector.extract_strided_slice %get3A_8 {offsets = [0, 1], sizes = [1000, 1], strides = [1, 1]} : vector<1000x2xf32> to vector<1000x1xf32>
    %squeeze3A_10 = vector.shape_cast %slice3A_9 : vector<1000x1xf32> to vector<1000xf32>
    %add3A = arith.addf %squeeze3A, %squeeze3A_10 : vector<1000xf32>
    %add3A_11 = arith.constant 1.000000e+00 : f32
    %add3A_12 = vector.broadcast %add3A_11 : f32 to vector<1000xf32>
    %add3A_13 = arith.addf %add3A, %add3A_12 : vector<1000xf32>
    %rsqrt3A = math.rsqrt %add3A_13 : vector<1000xf32>
    %broadcast_in_dim3A = vector.shape_cast %rsqrt3A : vector<1000xf32> to vector<1000x1xf32>
    %mul3A = vector.broadcast %broadcast_in_dim3A : vector<1000x1xf32> to vector<1000x128xf32>
    %mul3A_14 = arith.mulf %mul3A, %dot_general3A_5 : vector<1000x128xf32>
    %convert_element_type3A = arith.truncf %mul3A_14 : vector<1000x128xf32> to vector<1000x128xbf16>
    %swap3A = arith.constant 0 : index
    %swap3A_15 = arith.constant 0 : index
    %swap3A_16 = vector.load %arg4[%swap3A, %swap3A_15] : memref<1000x128xbf16, #tpu.memory_space<vmem>>, vector<1000x128xbf16>
    tpu.vector_store %arg4[%swap3A, %swap3A_15], %convert_element_type3A {strides = array<i32>} : memref<1000x128xbf16, #tpu.memory_space<vmem>>, vector<1000x128xbf16>,
    return
  }
  func.func @transform_0(%arg0: i32) -> (i32, i32) {
    %c0_i32 = arith.constant 0 : i32
    %c0_i32_0 = arith.constant 0 : i32
    return %arg0, %c0_i32 : i32, i32
  }
  func.func @transform_1(%arg0: i32) -> (i32, i32) {
    %c0_i32 = arith.constant 0 : i32
    %c0_i32_0 = arith.constant 0 : i32
    return %arg0, %c0_i32 : i32, i32
  }
  func.func @transform_2(%arg0: i32) -> (i32, i32) {
    %c0_i32 = arith.constant 0 : i32
    %c0_i32_0 = arith.constant 0 : i32
    %c0_i32_1 = arith.constant 0 : i32
    return %c0_i32, %c0_i32_0 : i32, i32
  }
  func.func @transform_3(%arg0: i32) -> (i32, i32) {
    %c0_i32 = arith.constant 0 : i32
    %c0_i32_0 = arith.constant 0 : i32
    return %arg0, %c0_i32 : i32, i32
  }
}

module attributes {stable_mosaic.version = 14 : i64} {
  func.func @_tc_mid_body(%arg0: i32, %arg1: memref<1000x2xf32, #tpu.memory_space<vmem>>, %arg2: memref<2x2x1000x128xbf16, #tpu.memory_space<vmem>>, %arg3: memref<1000x128xbf16, #tpu.memory_space<vmem>>, %arg4: memref<1x128xf32, #tpu.memory_space<vmem>>, %arg5: memref<128x128xf32, #tpu.memory_space<vmem>>, %arg6: memref<1000x128xbf16, #tpu.memory_space<vmem>>) attributes {dimension_semantics = [#tpu.dimension_semantics<arbitrary>], iteration_bounds = array<i64: 10>, scalar_prefetch = 0 : i64, scratch_operands = 0 : i64, tpu.core_type = #tpu.core_type<tc>, window_params = [{transform_indices = @transform_0, window_bounds = array<i64: 1000, 2>}, {transform_indices = @transform_1, window_bounds = array<i64: 2, 2, 1000, 128>}, {transform_indices = @transform_2, window_bounds = array<i64: 1000, 128>}, {pipeline_mode = #tpu.pipeline_mode<synchronous>, transform_indices = @transform_3, window_bounds = array<i64: 1, 128>}, {pipeline_mode = #tpu.pipeline_mode<synchronous>, transform_indices = @transform_4, window_bounds = array<i64: 128, 128>}, {transform_indices = @transform_5, window_bounds = array<i64: 1000, 128>}]} {
    %get3A = arith.constant 0 : index
    %get3A_0 = arith.constant 0 : index
    %get3A_1 = vector.load %arg1[%get3A, %get3A_0] : memref<1000x2xf32, #tpu.memory_space<vmem>>, vector<1000x2xf32>
    %slice3A = vector.extract_strided_slice %get3A_1 {offsets = [0, 0], sizes = [1000, 1], strides = [1, 1]} : vector<1000x2xf32> to vector<1000x1xf32>
    %squeeze3A = vector.shape_cast %slice3A : vector<1000x1xf32> to vector<1000xf32>
    %slice3A_2 = vector.extract_strided_slice %get3A_1 {offsets = [0, 1], sizes = [1000, 1], strides = [1, 1]} : vector<1000x2xf32> to vector<1000x1xf32>
    %squeeze3A_3 = vector.shape_cast %slice3A_2 : vector<1000x1xf32> to vector<1000xf32>
    %add3A = arith.addf %squeeze3A, %squeeze3A_3 : vector<1000xf32>
    %add3A_4 = arith.constant 1.000000e+00 : f32
    %add3A_5 = vector.broadcast %add3A_4 : f32 to vector<1000xf32>
    %add3A_6 = arith.addf %add3A, %add3A_5 : vector<1000xf32>
    %rsqrt3A = math.rsqrt %add3A_6 : vector<1000xf32>
    %broadcast_in_dim3A = vector.shape_cast %rsqrt3A : vector<1000xf32> to vector<1000x1xf32>
    %get3A_7 = arith.constant 0 : index
    %get3A_8 = arith.constant 0 : index
    %get3A_9 = arith.constant 0 : index
    %get3A_10 = arith.constant 0 : index
    %get3A_11 = vector.load %arg2[%get3A_7, %get3A_8, %get3A_9, %get3A_10] : memref<2x2x1000x128xbf16, #tpu.memory_space<vmem>>, vector<1x1x1000x128xbf16>
    %get3A_12 = vector.shape_cast %get3A_11 : vector<1x1x1000x128xbf16> to vector<1000x128xbf16>
    %convert_element_type3A = arith.extf %get3A_12 : vector<1000x128xbf16> to vector<1000x128xf32>
    %get3A_13 = arith.constant 0 : index
    %get3A_14 = arith.constant 1 : index
    %get3A_15 = arith.constant 0 : index
    %get3A_16 = arith.constant 0 : index
    %get3A_17 = vector.load %arg2[%get3A_13, %get3A_14, %get3A_15, %get3A_16] : memref<2x2x1000x128xbf16, #tpu.memory_space<vmem>>, vector<1x1x1000x128xbf16>
    %get3A_18 = vector.shape_cast %get3A_17 : vector<1x1x1000x128xbf16> to vector<1000x128xbf16>
    %convert_element_type3A_19 = arith.extf %get3A_18 : vector<1000x128xbf16> to vector<1000x128xf32>
    %add3A_20 = arith.addf %convert_element_type3A, %convert_element_type3A_19 : vector<1000x128xf32>
    %get3A_21 = arith.constant 1 : index
    %get3A_22 = arith.constant 0 : index
    %get3A_23 = arith.constant 0 : index
    %get3A_24 = arith.constant 0 : index
    %get3A_25 = vector.load %arg2[%get3A_21, %get3A_22, %get3A_23, %get3A_24] : memref<2x2x1000x128xbf16, #tpu.memory_space<vmem>>, vector<1x1x1000x128xbf16>
    %get3A_26 = vector.shape_cast %get3A_25 : vector<1x1x1000x128xbf16> to vector<1000x128xbf16>
    %convert_element_type3A_27 = arith.extf %get3A_26 : vector<1000x128xbf16> to vector<1000x128xf32>
    %add3A_28 = arith.addf %add3A_20, %convert_element_type3A_27 : vector<1000x128xf32>
    %get3A_29 = arith.constant 1 : index
    %get3A_30 = arith.constant 1 : index
    %get3A_31 = arith.constant 0 : index
    %get3A_32 = arith.constant 0 : index
    %get3A_33 = vector.load %arg2[%get3A_29, %get3A_30, %get3A_31, %get3A_32] : memref<2x2x1000x128xbf16, #tpu.memory_space<vmem>>, vector<1x1x1000x128xbf16>
    %get3A_34 = vector.shape_cast %get3A_33 : vector<1x1x1000x128xbf16> to vector<1000x128xbf16>
    %convert_element_type3A_35 = arith.extf %get3A_34 : vector<1000x128xbf16> to vector<1000x128xf32>
    %add3A_36 = arith.addf %add3A_28, %convert_element_type3A_35 : vector<1000x128xf32>
    %get3A_37 = arith.constant 0 : index
    %get3A_38 = arith.constant 0 : index
    %get3A_39 = vector.load %arg3[%get3A_37, %get3A_38] : memref<1000x128xbf16, #tpu.memory_space<vmem>>, vector<1000x128xbf16>
    %convert_element_type3A_40 = arith.extf %get3A_39 : vector<1000x128xbf16> to vector<1000x128xf32>
    %add3A_41 = arith.addf %add3A_36, %convert_element_type3A_40 : vector<1000x128xf32>
    %mul3A = vector.broadcast %broadcast_in_dim3A : vector<1000x1xf32> to vector<1000x128xf32>
    %mul3A_42 = arith.mulf %mul3A, %add3A_41 : vector<1000x128xf32>
    %get3A_43 = arith.constant 0 : index
    %get3A_44 = arith.constant 0 : index
    %get3A_45 = vector.load %arg4[%get3A_43, %get3A_44] : memref<1x128xf32, #tpu.memory_space<vmem>>, vector<1x128xf32>
    %add3A_46 = vector.broadcast %get3A_45 : vector<1x128xf32> to vector<1000x128xf32>
    %add3A_47 = arith.addf %mul3A_42, %add3A_46 : vector<1000x128xf32>
    %max3A = arith.constant 0.000000e+00 : f32
    %max3A_48 = vector.broadcast %max3A : f32 to vector<1000x128xf32>
    %max3A_49 = arith.maximumf %add3A_47, %max3A_48 : vector<1000x128xf32>
    %get3A_50 = arith.constant 0 : index
    %get3A_51 = arith.constant 0 : index
    %get3A_52 = vector.load %arg5[%get3A_50, %get3A_51] : memref<128x128xf32, #tpu.memory_space<vmem>>, vector<128x128xf32>
    %dot_general3A = arith.constant dense<0.000000e+00> : vector<1000x128xf32>
    %dot_general3A_53 = tpu.matmul %max3A_49, %get3A_52, %dot_general3A {dimension_numbers = #tpu.dot_dimension_numbers<[1], [0], [0], [1], [0, 0, 1, 1], [], []>, transpose_lhs_hint = false} : vector<1000x128xf32>, vector<128x128xf32>, vector<1000x128xf32> -> vector<1000x128xf32>
    %get3A_54 = arith.constant 0 : index
    %get3A_55 = arith.constant 0 : index
    %get3A_56 = vector.load %arg1[%get3A_54, %get3A_55] : memref<1000x2xf32, #tpu.memory_space<vmem>>, vector<1000x2xf32>
    %slice3A_57 = vector.extract_strided_slice %get3A_56 {offsets = [0, 0], sizes = [1000, 1], strides = [1, 1]} : vector<1000x2xf32> to vector<1000x1xf32>
    %squeeze3A_58 = vector.shape_cast %slice3A_57 : vector<1000x1xf32> to vector<1000xf32>
    %slice3A_59 = vector.extract_strided_slice %get3A_56 {offsets = [0, 1], sizes = [1000, 1], strides = [1, 1]} : vector<1000x2xf32> to vector<1000x1xf32>
    %squeeze3A_60 = vector.shape_cast %slice3A_59 : vector<1000x1xf32> to vector<1000xf32>
    %add3A_61 = arith.addf %squeeze3A_58, %squeeze3A_60 : vector<1000xf32>
    %add3A_62 = arith.constant 1.000000e+00 : f32
    %add3A_63 = vector.broadcast %add3A_62 : f32 to vector<1000xf32>
    %add3A_64 = arith.addf %add3A_61, %add3A_63 : vector<1000xf32>
    %rsqrt3A_65 = math.rsqrt %add3A_64 : vector<1000xf32>
    %broadcast_in_dim3A_66 = vector.shape_cast %rsqrt3A_65 : vector<1000xf32> to vector<1000x1xf32>
    %mul3A_67 = vector.broadcast %broadcast_in_dim3A_66 : vector<1000x1xf32> to vector<1000x128xf32>
    %mul3A_68 = arith.mulf %mul3A_67, %dot_general3A_53 : vector<1000x128xf32>
    %convert_element_type3A_69 = arith.truncf %mul3A_68 : vector<1000x128xf32> to vector<1000x128xbf16>
    %swap3A = arith.constant 0 : index
    %swap3A_70 = arith.constant 0 : index
    %swap3A_71 = vector.load %arg6[%swap3A, %swap3A_70] : memref<1000x128xbf16, #tpu.memory_space<vmem>>, vector<1000x128xbf16>
    tpu.vector_store %arg6[%swap3A, %swap3A_70], %convert_element_type3A_69 {strides = array<i32>} : memref<1000x128xbf16, #tpu.memory_space<vmem>>, vector<1000x128xbf16>,
    return
  }
  func.func @transform_0(%arg0: i32) -> (i32, i32) {
    %c0_i32 = arith.constant 0 : i32
    %c0_i32_0 = arith.constant 0 : i32
    return %arg0, %c0_i32 : i32, i32
  }
  func.func @transform_1(%arg0: i32) -> (i32, i32, i32, i32) {
    %c0_i32 = arith.constant 0 : i32
    %c0_i32_0 = arith.constant 0 : i32
    %c0_i32_1 = arith.constant 0 : i32
    %c0_i32_2 = arith.constant 0 : i32
    return %c0_i32, %c0_i32_0, %arg0, %c0_i32_1 : i32, i32, i32, i32
  }
  func.func @transform_2(%arg0: i32) -> (i32, i32) {
    %c0_i32 = arith.constant 0 : i32
    %c0_i32_0 = arith.constant 0 : i32
    return %arg0, %c0_i32 : i32, i32
  }
  func.func @transform_3(%arg0: i32) -> (i32, i32) {
    %c0_i32 = arith.constant 0 : i32
    %c0_i32_0 = arith.constant 0 : i32
    %c0_i32_1 = arith.constant 0 : i32
    return %c0_i32, %c0_i32_0 : i32, i32
  }
  func.func @transform_4(%arg0: i32) -> (i32, i32) {
    %c0_i32 = arith.constant 0 : i32
    %c0_i32_0 = arith.constant 0 : i32
    %c0_i32_1 = arith.constant 0 : i32
    return %c0_i32, %c0_i32_0 : i32, i32
  }
  func.func @transform_5(%arg0: i32) -> (i32, i32) {
    %c0_i32 = arith.constant 0 : i32
    %c0_i32_0 = arith.constant 0 : i32
    return %arg0, %c0_i32 : i32, i32
  }
}

module attributes {stable_mosaic.version = 14 : i64} {
  func.func @_tc_final_body(%arg0: i32, %arg1: memref<1000x2xf32, #tpu.memory_space<vmem>>, %arg2: memref<2x2x1000x128xbf16, #tpu.memory_space<vmem>>, %arg3: memref<1000x128xbf16, #tpu.memory_space<vmem>>, %arg4: memref<1x128xf32, #tpu.memory_space<vmem>>, %arg5: memref<128x4xf32, #tpu.memory_space<vmem>>, %arg6: memref<1x4xf32, #tpu.memory_space<vmem>>, %arg7: memref<1000x4xf32, #tpu.memory_space<vmem>>) attributes {dimension_semantics = [#tpu.dimension_semantics<arbitrary>], iteration_bounds = array<i64: 10>, scalar_prefetch = 0 : i64, scratch_operands = 0 : i64, tpu.core_type = #tpu.core_type<tc>, window_params = [{transform_indices = @transform_0, window_bounds = array<i64: 1000, 2>}, {transform_indices = @transform_1, window_bounds = array<i64: 2, 2, 1000, 128>}, {transform_indices = @transform_2, window_bounds = array<i64: 1000, 128>}, {pipeline_mode = #tpu.pipeline_mode<synchronous>, transform_indices = @transform_3, window_bounds = array<i64: 1, 128>}, {pipeline_mode = #tpu.pipeline_mode<synchronous>, transform_indices = @transform_4, window_bounds = array<i64: 128, 4>}, {pipeline_mode = #tpu.pipeline_mode<synchronous>, transform_indices = @transform_5, window_bounds = array<i64: 1, 4>}, {transform_indices = @transform_6, window_bounds = array<i64: 1000, 4>}]} {
    %get3A = arith.constant 0 : index
    %get3A_0 = arith.constant 0 : index
    %get3A_1 = vector.load %arg1[%get3A, %get3A_0] : memref<1000x2xf32, #tpu.memory_space<vmem>>, vector<1000x2xf32>
    %slice3A = vector.extract_strided_slice %get3A_1 {offsets = [0, 0], sizes = [1000, 1], strides = [1, 1]} : vector<1000x2xf32> to vector<1000x1xf32>
    %squeeze3A = vector.shape_cast %slice3A : vector<1000x1xf32> to vector<1000xf32>
    %slice3A_2 = vector.extract_strided_slice %get3A_1 {offsets = [0, 1], sizes = [1000, 1], strides = [1, 1]} : vector<1000x2xf32> to vector<1000x1xf32>
    %squeeze3A_3 = vector.shape_cast %slice3A_2 : vector<1000x1xf32> to vector<1000xf32>
    %add3A = arith.addf %squeeze3A, %squeeze3A_3 : vector<1000xf32>
    %add3A_4 = arith.constant 1.000000e+00 : f32
    %add3A_5 = vector.broadcast %add3A_4 : f32 to vector<1000xf32>
    %add3A_6 = arith.addf %add3A, %add3A_5 : vector<1000xf32>
    %rsqrt3A = math.rsqrt %add3A_6 : vector<1000xf32>
    %broadcast_in_dim3A = vector.shape_cast %rsqrt3A : vector<1000xf32> to vector<1000x1xf32>
    %get3A_7 = arith.constant 0 : index
    %get3A_8 = arith.constant 0 : index
    %get3A_9 = arith.constant 0 : index
    %get3A_10 = arith.constant 0 : index
    %get3A_11 = vector.load %arg2[%get3A_7, %get3A_8, %get3A_9, %get3A_10] : memref<2x2x1000x128xbf16, #tpu.memory_space<vmem>>, vector<1x1x1000x128xbf16>
    %get3A_12 = vector.shape_cast %get3A_11 : vector<1x1x1000x128xbf16> to vector<1000x128xbf16>
    %convert_element_type3A = arith.extf %get3A_12 : vector<1000x128xbf16> to vector<1000x128xf32>
    %get3A_13 = arith.constant 0 : index
    %get3A_14 = arith.constant 1 : index
    %get3A_15 = arith.constant 0 : index
    %get3A_16 = arith.constant 0 : index
    %get3A_17 = vector.load %arg2[%get3A_13, %get3A_14, %get3A_15, %get3A_16] : memref<2x2x1000x128xbf16, #tpu.memory_space<vmem>>, vector<1x1x1000x128xbf16>
    %get3A_18 = vector.shape_cast %get3A_17 : vector<1x1x1000x128xbf16> to vector<1000x128xbf16>
    %convert_element_type3A_19 = arith.extf %get3A_18 : vector<1000x128xbf16> to vector<1000x128xf32>
    %add3A_20 = arith.addf %convert_element_type3A, %convert_element_type3A_19 : vector<1000x128xf32>
    %get3A_21 = arith.constant 1 : index
    %get3A_22 = arith.constant 0 : index
    %get3A_23 = arith.constant 0 : index
    %get3A_24 = arith.constant 0 : index
    %get3A_25 = vector.load %arg2[%get3A_21, %get3A_22, %get3A_23, %get3A_24] : memref<2x2x1000x128xbf16, #tpu.memory_space<vmem>>, vector<1x1x1000x128xbf16>
    %get3A_26 = vector.shape_cast %get3A_25 : vector<1x1x1000x128xbf16> to vector<1000x128xbf16>
    %convert_element_type3A_27 = arith.extf %get3A_26 : vector<1000x128xbf16> to vector<1000x128xf32>
    %add3A_28 = arith.addf %add3A_20, %convert_element_type3A_27 : vector<1000x128xf32>
    %get3A_29 = arith.constant 1 : index
    %get3A_30 = arith.constant 1 : index
    %get3A_31 = arith.constant 0 : index
    %get3A_32 = arith.constant 0 : index
    %get3A_33 = vector.load %arg2[%get3A_29, %get3A_30, %get3A_31, %get3A_32] : memref<2x2x1000x128xbf16, #tpu.memory_space<vmem>>, vector<1x1x1000x128xbf16>
    %get3A_34 = vector.shape_cast %get3A_33 : vector<1x1x1000x128xbf16> to vector<1000x128xbf16>
    %convert_element_type3A_35 = arith.extf %get3A_34 : vector<1000x128xbf16> to vector<1000x128xf32>
    %add3A_36 = arith.addf %add3A_28, %convert_element_type3A_35 : vector<1000x128xf32>
    %get3A_37 = arith.constant 0 : index
    %get3A_38 = arith.constant 0 : index
    %get3A_39 = vector.load %arg3[%get3A_37, %get3A_38] : memref<1000x128xbf16, #tpu.memory_space<vmem>>, vector<1000x128xbf16>
    %convert_element_type3A_40 = arith.extf %get3A_39 : vector<1000x128xbf16> to vector<1000x128xf32>
    %add3A_41 = arith.addf %add3A_36, %convert_element_type3A_40 : vector<1000x128xf32>
    %mul3A = vector.broadcast %broadcast_in_dim3A : vector<1000x1xf32> to vector<1000x128xf32>
    %mul3A_42 = arith.mulf %mul3A, %add3A_41 : vector<1000x128xf32>
    %get3A_43 = arith.constant 0 : index
    %get3A_44 = arith.constant 0 : index
    %get3A_45 = vector.load %arg4[%get3A_43, %get3A_44] : memref<1x128xf32, #tpu.memory_space<vmem>>, vector<1x128xf32>
    %add3A_46 = vector.broadcast %get3A_45 : vector<1x128xf32> to vector<1000x128xf32>
    %add3A_47 = arith.addf %mul3A_42, %add3A_46 : vector<1000x128xf32>
    %max3A = arith.constant 0.000000e+00 : f32
    %max3A_48 = vector.broadcast %max3A : f32 to vector<1000x128xf32>
    %max3A_49 = arith.maximumf %add3A_47, %max3A_48 : vector<1000x128xf32>
    %get3A_50 = arith.constant 0 : index
    %get3A_51 = arith.constant 0 : index
    %get3A_52 = vector.load %arg5[%get3A_50, %get3A_51] : memref<128x4xf32, #tpu.memory_space<vmem>>, vector<128x4xf32>
    %dot_general3A = arith.constant dense<0.000000e+00> : vector<1000x4xf32>
    %dot_general3A_53 = tpu.matmul %max3A_49, %get3A_52, %dot_general3A {dimension_numbers = #tpu.dot_dimension_numbers<[1], [0], [0], [1], [0, 0, 1, 1], [], []>, transpose_lhs_hint = false} : vector<1000x128xf32>, vector<128x4xf32>, vector<1000x4xf32> -> vector<1000x4xf32>
    %get3A_54 = arith.constant 0 : index
    %get3A_55 = arith.constant 0 : index
    %get3A_56 = vector.load %arg6[%get3A_54, %get3A_55] : memref<1x4xf32, #tpu.memory_space<vmem>>, vector<1x4xf32>
    %add3A_57 = vector.broadcast %get3A_56 : vector<1x4xf32> to vector<1000x4xf32>
    %add3A_58 = arith.addf %dot_general3A_53, %add3A_57 : vector<1000x4xf32>
    %swap3A = arith.constant 0 : index
    %swap3A_59 = arith.constant 0 : index
    %swap3A_60 = vector.load %arg7[%swap3A, %swap3A_59] : memref<1000x4xf32, #tpu.memory_space<vmem>>, vector<1000x4xf32>
    tpu.vector_store %arg7[%swap3A, %swap3A_59], %add3A_58 {strides = array<i32>} : memref<1000x4xf32, #tpu.memory_space<vmem>>, vector<1000x4xf32>,
    return
  }
  func.func @transform_0(%arg0: i32) -> (i32, i32) {
    %c0_i32 = arith.constant 0 : i32
    %c0_i32_0 = arith.constant 0 : i32
    return %arg0, %c0_i32 : i32, i32
  }
  func.func @transform_1(%arg0: i32) -> (i32, i32, i32, i32) {
    %c0_i32 = arith.constant 0 : i32
    %c0_i32_0 = arith.constant 0 : i32
    %c0_i32_1 = arith.constant 0 : i32
    %c0_i32_2 = arith.constant 0 : i32
    return %c0_i32, %c0_i32_0, %arg0, %c0_i32_1 : i32, i32, i32, i32
  }
  func.func @transform_2(%arg0: i32) -> (i32, i32) {
    %c0_i32 = arith.constant 0 : i32
    %c0_i32_0 = arith.constant 0 : i32
    return %arg0, %c0_i32 : i32, i32
  }
  func.func @transform_3(%arg0: i32) -> (i32, i32) {
    %c0_i32 = arith.constant 0 : i32
    %c0_i32_0 = arith.constant 0 : i32
    %c0_i32_1 = arith.constant 0 : i32
    return %c0_i32, %c0_i32_0 : i32, i32
  }
  func.func @transform_4(%arg0: i32) -> (i32, i32) {
    %c0_i32 = arith.constant 0 : i32
    %c0_i32_0 = arith.constant 0 : i32
    %c0_i32_1 = arith.constant 0 : i32
    return %c0_i32, %c0_i32_0 : i32, i32
  }
  func.func @transform_5(%arg0: i32) -> (i32, i32) {
    %c0_i32 = arith.constant 0 : i32
    %c0_i32_0 = arith.constant 0 : i32
    %c0_i32_1 = arith.constant 0 : i32
    return %c0_i32, %c0_i32_0 : i32, i32
  }
  func.func @transform_6(%arg0: i32) -> (i32, i32) {
    %c0_i32 = arith.constant 0 : i32
    %c0_i32_0 = arith.constant 0 : i32
    return %arg0, %c0_i32 : i32, i32
  }
}

</mosaic_0001>

<sc_bundles>
// kernel: kernel.11.cloned.1.call-start
scs
__scs_entry_jumppad:
0x0: {  	(pc) =	sbr.rel $0x88, $3  }
0x1: {  	(tag) =	ssettag $0x0;
	lr =	simm.s32 $0x1  }
0x2: {  	[smem:$0x3F99] =	sst lr;
	_ =	strace $0xD0000000  }
0x3: {  	_ = 	snop  }
0x4: {  	_ = 	snop  }
0x5: {  	_ = 	snop  }
0x6: {  	_ = 	snop  }
0x7: {  	_ = 	snop  }
__scs_overlays_trampoline_lowered:
0x8: {  	[smem:$0x3FA8] =	sst s0  }
0x9: {  	[smem:$0x3FA9] =	sst s1  }
0xa: {  	[smem:$0x3FAA] =	sst s2  }
0xb: {  	[smem:$0x3FAB] =	sst s3  }
0xc: {  	[smem:$0x3FAC] =	sst s4  }
0xd: {  	[smem:$0x3FAD] =	sst s5  }
0xe: {  	[smem:$0x3FAE] =	sst s6  }
0xf: {  	[smem:$0x3FAF] =	sst s7  }
0x10: {  	[smem:$0x3FB0] =	sst s8  }
0x11: {  	[smem:$0x3FB1] =	sst s9;
	s0 =	simm.s32 @!p0 $0x0  }
0x12: {  	s1 =	sld [smem:$0x3F97];
	s0 =	simm.s32 @p0 $0x1  }
0x13: {  	[smem:$0x3FB2] =	sst s0;
	s0 =	simm.s32 @!p1 $0x0  }
0x14: {  	s2 =	sld [smem:$0x3F96];
	s0 =	simm.s32 @p1 $0x1  }
0x15: {  	[smem:$0x3FB3] =	sst s0;
	s0 =	simm.s32 @!p2 $0x0  }
0x16: {  	s3 =	sld [smem:$0x3FDB];
	s0 =	simm.s32 @p2 $0x1  }
0x17: {  	s4 =	simm.s32 $0x1BF5;
	[smem:$0x3FB5] =	sst s0  }
0x18: {  	s0 =	sld [smem:$0x3F98];
	_ =	swait.ge [sflag:s4], $0x0  }
0x19: {  	s7 =	sld [smem:$0x3F99]  }
0x1a: {  	s8 =	sadd.s32 $0xFFFFE003, lr  }
0x1b: {  	s9 =	sadd.s32 $0xFFFFFEF7, lr;
	s5 =	simm.s32 $0xFFFFFFFF;
	p2 =	slt.u32 s8, $0xFFFFF086  }
0x1c: {  	p1 =	slt.u32 s9, $0xF7A;
	s5 =	simm.s32 @!p2 $0x0  }
0x1d: {  	s5 =	simm.s32 @p1 $0x1;
	p0 =	seq.s32 s7, s2  }
0x1e: {  	s7 =	smul.u32 @!p0 $0xF7A, s2;
	p2 =	seq.s32 @!p0 s5, $0x0  }
0x1f: {  	s9 =	smul.u32 $0xF7A, s1;
	s8 =	simm.s32 @!p0 $0x1BF5;
	p2 =	por !p2, p0  }
0x20: {  	[sflag:s8] =	ssyncset.s32 @!p0 $0xFFFFF086;
	s6 =	sadd.s32 @!p0 s3, s7;
	s7 =	simm.s32 @!p0 $0x108  }
0x21: {  	s3 =	sadd.s32 s3, s9;
	s6 =	sadd.s32 @!p0 $0x88, s6;
	s7 =	simm.s32 @p2 $0x1082  }
0x22: {  	[simem:s7], [sflag:s8] =	dma.local @!p0 [hbm:s6], $0xF7A  }
0x23: {  	s9 =	sor.u32 $0xD0000000, s2;
	s6 =	simm.s32 $0x108;
	_ =	swait.ge @!p0 [sflag:s8], $0x0  }
0x24: {  	s3 =	sadd.s32 $0x88, s3;
	s6 =	simm.s32 @!p1 $0x1082;
	[sflag:s4] =	ssyncset.s32 $0xFFFFF086  }
0x25: {  	[simem:s6], [sflag:s4] =	dma.local [hbm:s3], $0xF7A  }
0x26: {  	[smem:$0x3F99] =	sst s1;
	(tag) =	ssettag s2;
	_ =	strace s9  }
0x27: {  	s1 =	sld [smem:$0x3FA9]  }
0x28: {  	s2 =	sld [smem:$0x3FAA]  }
0x29: {  	s4 =	sld [smem:$0x3FAC]  }
0x2a: {  	p0 =	seq.s32 s5, $0x0;
	s5 =	sld [smem:$0x3FAD]  }
0x2b: {  	s6 =	sld [smem:$0x3FAE]  }
0x2c: {  	s7 =	sld [smem:$0x3FAF]  }
0x2d: {  	s3 =	simm.s32 $0x108;
	s8 =	sld [smem:$0x3FB0]  }
0x2e: {  	s3 =	simm.s32 @!p0 $0x1082;
	s9 =	sld [smem:$0x3FB1]  }
0x2f: {  	lr =	sadd.s32 s0, s3;
	s0 =	sld [smem:$0x3FA8]  }
0x30: {  	s3 =	sld [smem:$0x3FAB]  }
0x31: {  	[smem:$0x3FB4] =	sst s10  }
0x32: {  	s10 =	sld [smem:$0x3FB2];
	_ =	sdelay $0x3  }
0x33: {  	p0 =	seq.s32 s10, $0x1;
	s10 =	sld [smem:$0x3FB4];
	_ =	sdelay $0x3  }
0x34: {  	[smem:$0x3FB4] =	sst s10  }
0x35: {  	s10 =	sld [smem:$0x3FB3];
	_ =	sdelay $0x3  }
0x36: {  	p1 =	seq.s32 s10, $0x1;
	s10 =	sld [smem:$0x3FB4];
	_ =	sdelay $0x3  }
0x37: {  	[smem:$0x3FB4] =	sst s10  }
0x38: {  	s10 =	sld [smem:$0x3FB5]  }
0x39: {  	_ = 	snop;
	(pc) =	sbr.ind lr, $3  }
0x3a: {  	_ = 	snop  }
0x3b: {  	_ = 	snop  }
0x3c: {  	p2 =	seq.s32 s10, $0x1;
	s10 =	sld [smem:$0x3FB4]  }
0x3d: {  	_ =	shalt  }
0x3e: {  	_ =	shalt  }
0x3f: {  	_ =	shalt  }
0x40: {  	_ =	shalt  }
0x41: {  	_ =	shalt  }
0x42: {  	_ =	shalt  }
0x43: {  	_ =	shalt  }
0x44: {  	_ =	shalt  }
0x45: {  	_ =	shalt  }
0x46: {  	_ =	shalt  }
0x47: {  	_ =	shalt  }
0x48: {  	_ =	shalt  }
0x49: {  	_ =	shalt  }
0x4a: {  	_ =	shalt  }
0x4b: {  	_ =	shalt  }
0x4c: {  	_ =	shalt  }
0x4d: {  	_ =	shalt  }
0x4e: {  	_ =	shalt  }
0x4f: {  	_ =	shalt  }
0x50: {  	_ =	shalt  }
0x51: {  	_ =	shalt  }
0x52: {  	_ =	shalt  }
0x53: {  	_ =	shalt  }
0x54: {  	_ =	shalt  }
0x55: {  	_ =	shalt  }
0x56: {  	_ =	shalt  }
0x57: {  	_ =	shalt  }
0x58: {  	_ =	shalt  }
0x59: {  	_ =	shalt  }
0x5a: {  	_ =	shalt  }
0x5b: {  	_ =	shalt  }
0x5c: {  	_ =	shalt  }
0x5d: {  	_ =	shalt  }
0x5e: {  	_ =	shalt  }
0x5f: {  	_ =	shalt  }
0x60: {  	_ =	shalt  }
0x61: {  	_ =	shalt  }
0x62: {  	_ =	shalt  }
0x63: {  	_ =	shalt  }
0x64: {  	_ =	shalt  }
0x65: {  	_ =	shalt  }
0x66: {  	_ =	shalt  }
0x67: {  	_ =	shalt  }
0x68: {  	_ =	shalt  }
0x69: {  	_ =	shalt  }
0x6a: {  	_ =	shalt  }
0x6b: {  	_ =	shalt  }
0x6c: {  	_ =	shalt  }
0x6d: {  	_ =	shalt  }
0x6e: {  	_ =	shalt  }
0x6f: {  	_ =	shalt  }
0x70: {  	_ =	shalt  }
0x71: {  	_ =	shalt  }
0x72: {  	_ =	shalt  }
0x73: {  	_ =	shalt  }
0x74: {  	_ =	shalt  }
0x75: {  	_ =	shalt  }
0x76: {  	_ =	shalt  }
0x77: {  	_ =	shalt  }
0x78: {  	_ =	shalt  }
0x79: {  	_ =	shalt  }
0x7a: {  	_ =	shalt  }
0x7b: {  	_ =	shalt  }
0x7c: {  	_ =	shalt  }
0x7d: {  	_ =	shalt  }
0x7e: {  	_ =	shalt  }
0x7f: {  	_ =	shalt  }
0x80: {  	_ =	shalt  }
0x81: {  	_ =	shalt  }
0x82: {  	_ =	shalt  }
0x83: {  	_ =	shalt  }
0x84: {  	_ =	shalt  }
0x85: {  	_ =	shalt  }
0x86: {  	_ =	shalt  }
0x87: {  	_ =	shalt  }
.Lfunc_end0:
.L_simem_size_0:
called_computation.1_lowered:
.L_overlay_start_0:
0x88: {  	s2 =	sld [smem:$0x3FD9]  }
0x89: {  	s3 =	sld [smem:$0x3FFE];
	_ =	sdelay $0x1  }
0x8a: {  	s1 =	srdreg.scid  }
0x8b: {  	s0 =	sand.u32 $0x1, s1  }
0x8c: {  	s16 =	sshll.u32 s0, $0xA;
	s2 =	sadd.s32 s3, s2  }
0x8d: {  	s2 =	sadd.s32 s2, s16  }
0x8e: {  	[smem:$0x3FC0] =	sst s2  }
0x8f: {  	_ = 	snop  }
0x90: {  	(tm) =	ssettm $0x1  }
0x91: {  	s17 =	sld [smem:$0x3FFB];
	_ =	sdelay $0x3  }
0x92: {  	_ =	strace s17  }
0x93: {  	s2 =	sld [smem:$0x3FFC];
	_ =	sdelay $0x3  }
0x94: {  	_ =	strace s2  }
0x95: {  	s2 =	sld [smem:$0x3FFD];
	_ =	sdelay $0x3  }
0x96: {  	_ =	strace s2  }
0x97: {  	_ =	strace $0x8FFFFFFF  }
0x98: {  	s18 =	sld [smem:$0x3FDB];
	_ =	sdelay $0x1  }
0x99: {  	s19 =	simm.s32 $_scs_section_size  }
0x9a: {  	s4 =	simm.s32 $_size__tile_overlayer_lowered;
	s5 =	simm.s32 $_tile_overlayer_lowered  }
0x9b: {  	s22 =	simm.s32 $0x1BFF;
	s21 =	sshll.u32 s5, $0x1;
	s2 =	sadd.s32 s19, s18  }
0x9c: {  	s6 =	simm.s32 $0x0;
	s20 =	sshll.u32 s4, $0x1;
	s4 =	sadd.s32 s21, s2  }
0x9d: {  	[timem:s6], [sflag:s22] =	dma.local [hbm:s4], s20  }
0x9e: {  	_ =	swait.ge [sflag:s22], s20  }
0x9f: {  	s3 =	ssub.s32 $0x0, s20;
	[sflag:s22] =	ssyncset.done $0x0  }
0xa0: {  	[sflag:s22] =	ssyncadd.s32 s3;
	_ =	sdelay $0x1  }
0xa1: {  	s23 =	simm.s32 $0x1B8B  }
0xa2: {  	_ =	swait.ge [sflag:s23], $0x1  }
0xa3: {  	[sflag:s23] =	ssyncset.done $0x0  }
0xa4: {  	s25 =	simm.s32 $0x1B8E;
	s24 =	sld [smem:$0x3FFE];
	[sflag:s23] =	ssyncadd.s32 $0xFFFFFFFF  }
0xa5: {  	s26 =	simm.s32 $execute0_lowered;
	[smem:$0x3FD2] =	sst s25  }
0xa6: {  	s4 =	sshll.u32 s26, $0x1;
	_ =	strace $0x80000049;
	[dreg:$0x1] =	wrdreg $0xFFFFFFFF  }
0xa7: {  	s28 =	simm.s32 $_size_execute0_lowered;
	s2 =	sadd.s32 s2, s4;
	[dreg:$0x0] =	wrdreg $0x0  }
0xa8: {  	s4 =	sshll.u32 s28, $0x1;
	[dreg:$0x2] =	wrdreg s2  }
0xa9: {  	[dreg:$0x3] =	wrdreg s4  }
0xaa: {  	[dreg:$0x4] =	wrdreg $0xC0  }
0xab: {  	_ =	task [dreg:s6], $0x5FFFF  }
0xac: {  	[dreg:$0x1] =	wrdreg $0xFFFFFFFF  }
0xad: {  	[dreg:$0x0] =	wrdreg $0x60  }
0xae: {  	[dreg:$0x2] =	wrdreg s24  }
0xaf: {  	[dreg:$0x3] =	wrdreg $0xA8000  }
0xb0: {  	[dreg:$0x4] =	wrdreg $0x148000  }
0xb1: {  	[dreg:$0x5] =	wrdreg $0x9  }
0xb2: {  	_ =	task.clear_ibuf [dreg:s6], $0x6FFFF;
	_ =	strace $0x90000049  }
0xb3: {  	s29 =	simm.s32 $0x9;
	_ =	strace $0x8000004B  }
0xb4: {  	_ =	swait.ge [sflag:s29], $0x1  }
0xb5: {  	[sflag:s29] =	ssyncadd.s32 $0xFFFFFFFF  }
0xb6: {  	_ =	strace $0x9000004B  }
0xb7: {  	_ =	sfence  }
0xb8: {  	s30 =	sld [smem:$0x0];
	_ =	sdelay $0x2  }
0xb9: {  	s31 =	sshll.u32 s1, $0xD;
	s1 =	sshrl.u32 s1, $0x2  }
0xba: {  	s3 =	sand.u32 $0x4000, s31;
	s1 =	sadd.s32 s1, s30  }
0xbb: {  	s0 =	sor.u32 s3, s0;
	s1 =	sshll.u32 s1, $0x11  }
0xbc: {  	s0 =	sor.u32 s1, s0  }
0xbd: {  	s0 =	sadd.s32 $0x8F2B, s0  }
0xbe: {  	[sflag:s0] =	ssyncadd.remote.s32 $0x1  }
0xbf: {  	_ =	sfence.sel $0xFFFF  }
0xc0: {  	[dreg:$0x0] =	wrdreg $0xFFFFFFFF;
	(pc) =	sbr.abs _section_cstart, $3  }
0xc1: {  	[dreg:$0x1] =	wrdreg $0xFFFFFFFF  }
0xc2: {  	_ =	task.clear_ibuf [dreg:s6], $0x2FFFF;
	_ =	strace $0x9FFFFFFF  }
0xc3: {  	(tm) =	ssettm $0x7FFFFFFF  }
tec
execute0_lowered:
.L_overlay_start_1:
0x0: {  	(tag) =	ssettag $0x1  }
0x1: {  	s0 =	rddreg [dreg:$0x0]  }
0x2: {  	s2 =	rddreg [dreg:$0x1]  }
0x3: {  	s3 =	rddreg [dreg:$0x2];
	s1 =	srdreg.scid  }
0x4: {  	s5 =	stileid.u32;
	s4 =	simm.s32 $0x0;
	s28 =	simm.s32 $0x80  }
0x5: {  	s29 =	simm.s32 $0x4800;
	s30 =	simm.s32 $0x100;
	s31 =	simm.s32 $0x6800  }
0x6: {  	s12 =	simm.s32 $0x2680;
	s14 =	simm.s32 $0x2700;
	s15 =	simm.s32 $0x2780  }
0x7: {  	s1 =	sand.u32 $0x1, s1;
	s6 =	smul.u32 $0x14000, s5;
	[smem:$0x7FF] =	sst s4  }
0x8: {  	s8 =	sshll.u32 s5, $0x1;
	s5 =	sadd.s32 $0x1FA00, s0;
	s9 =	sadd.s32 $0x15A00, s0  }
0x9: {  	s7 =	smul.u32 $0x280000, s1;
	s8 =	sor.u32 s1, s8;
	s1 =	ssub.s32 $0x2, s1  }
0xa: {  	s10 =	sadd.s32 $0xBA00, s0;
	s8 =	smul.u32 $0x2800, s8;
	s16 =	sshrl.u32 s1, $0x1  }
0xb: {  	_ =	strace $0x8000004A;
	s7 =	sadd.s32 s6, s7;
	s1 =	ssub.s32 s1, s16  }
0xc: {  	s6 =	sshrl.u32 s6, $0x1;
	s7 =	sshrl.u32 s7, $0x4;
	s8 =	sshrl.u32 s8, $0x3  }
0xd: {  	s11 =	sadd.s32 s6, s2;
	s13 =	sadd.s32 s6, s3;
	s21 =	sadd.s32 $0x2000, s6  }
0xe: {  	s1 =	smax.u32 s1, $0x1;
	s23 =	sadd.s32 $0x4000, s6;
	s25 =	sadd.s32 $0x6000, s6  }
0xf: {  	s26 =	sadd.s32 $0x8000, s6;
	s17 =	sadd.s32 s9, s8;
	[dreg:$0xa] =	wrdreg s1  }
0x10: {  	s18 =	sadd.s32 $0x280, s8;
	s8 =	sadd.s32 s10, s8;
	[dreg:$0x4] =	wrdreg s17  }
0x11: {  	s6 =	simm.s32 $0x2;
	s22 =	sadd.s32 s21, s2;
	[dreg:$0x5] =	wrdreg s8  }
0x12: {  	s0 =	sadd.s32 s7, s0;
	s24 =	sadd.s32 s23, s2;
	[dreg:$0xb] =	wrdreg s22  }
0x13: {  	s1 =	sadd.s32 s23, s3;
	s23 =	simm.s32 $0x2800;
	[dreg:$0xd] =	wrdreg s24  }
0x14: {  	s19 =	sadd.s32 s9, s18;
	s7 =	sadd.s32 s10, s18;
	[dreg:$0xe] =	wrdreg s1  }
0x15: {  	s20 =	sadd.s32 $0x33400, s0;
	s0 =	sadd.s32 $0x47400, s0;
	[dreg:$0x6] =	wrdreg s19  }
0x16: {  	s22 =	sadd.s32 s26, s3;
	s24 =	simm.s32 $0x5;
	[dreg:$0x7] =	wrdreg s7  }
0x17: {  	s1 =	simm.s32 $0x8800;
	s8 =	simm.s32 $0x4;
	[dreg:$0x8] =	wrdreg s20  }
0x18: {  	s9 =	simm.s32 $0x2600;
	s10 =	simm.s32 $0x1380;
	[dreg:$0x9] =	wrdreg s0  }
0x19: {  	s0 =	sadd.s32 s21, s3;
	s19 =	sadd.s32 s25, s2;
	s20 =	sadd.s32 s25, s3  }
0x1a: {  	s21 =	sadd.s32 s26, s2;
	s25 =	simm.s32 $0x1400;
	s26 =	simm.s32 $0x7D  }
0x1b: {  	v0 =	vimm.bf16 $0.0e+00;
	s7 =	simm.s32 $0x3;
	[dreg:$0xc] =	wrdreg s0;
	s0 =	simm.s32 $0x1  }
.LBB2_1:
0x1c: {  	s17 =	simm.s32 $0x100;
	s16 =	simm.s32 $0x0  }
.LBB2_2:
0x1d: {  	p0 =	sne.s32 s17, $0x7F00;
	[tilespmem:s16+$0x2830] =	vst v0;
	s18 =	smov.u32 s17;
	s17 =	sadd.s32 $0x100, s17  }
.Ltmp0:
0x1e: {  	[tilespmem:s16+$0x2820] =	vst v0;
	(pc) =	sbr.rel @p0 .LBB2_2-.Ltmp0, $3  }
0x1f: {  	[tilespmem:s16+$0x2800] =	vst v0  }
0x20: {  	[tilespmem:s16+$0x2810] =	vst v0;
	_ =	sdelay $0x1  }
0x21: {  	s16 =	sshra.s32 s18, $0x2  }
0x22: {  	[tilespmem:s16+$0x2830] =	vst v0  }
0x23: {  	[tilespmem:s16+$0x2820] =	vst v0  }
0x24: {  	[tilespmem:s16+$0x2800] =	vst v0  }
0x25: {  	[tilespmem:s16+$0x2810] =	vst v0  }
0x26: {  	[spmem:s11] =	stream.linear.scatter [tilespmem:s23], [sflag:$0x5], $0x2000, $0x38;
	[tilespmem:$0x1E800] =	vst v63  }
0x27: {  	_ =	swait.ge [sflag:s24], $0x2000  }
0x28: {  	[sflag:s24] =	ssyncset.done $0x0  }
0x29: {  	[sflag:s24] =	ssyncadd.s32 $0xFFFFE000  }
0x2a: {  	[spmem:s13] =	stream.linear.scatter [tilespmem:s23], [sflag:$0x5], $0x2000, $0x38;
	[tilespmem:$0x1E800] =	vst v63  }
0x2b: {  	_ =	swait.ge [sflag:s24], $0x2000  }
0x2c: {  	[sflag:s24] =	ssyncset.done $0x0  }
0x2d: {  	s18 =	rddreg [dreg:$0xb];
	[sflag:s24] =	ssyncadd.s32 $0xFFFFE000  }
0x2e: {  	[spmem:s18] =	stream.linear.scatter [tilespmem:s23], [sflag:$0x5], $0x2000, $0x38;
	[tilespmem:$0x1E800] =	vst v63  }
0x2f: {  	_ =	swait.ge [sflag:s24], $0x2000  }
0x30: {  	[sflag:s24] =	ssyncset.done $0x0  }
0x31: {  	s17 =	rddreg [dreg:$0xc];
	[sflag:s24] =	ssyncadd.s32 $0xFFFFE000  }
0x32: {  	[spmem:s17] =	stream.linear.scatter [tilespmem:s23], [sflag:$0x5], $0x2000, $0x38;
	[tilespmem:$0x1E800] =	vst v63  }
0x33: {  	_ =	swait.ge [sflag:s24], $0x2000  }
0x34: {  	[sflag:s24] =	ssyncset.done $0x0  }
0x35: {  	s18 =	rddreg [dreg:$0xd];
	[sflag:s24] =	ssyncadd.s32 $0xFFFFE000  }
0x36: {  	[spmem:s18] =	stream.linear.scatter [tilespmem:s23], [sflag:$0x5], $0x2000, $0x38;
	[tilespmem:$0x1E800] =	vst v63  }
0x37: {  	_ =	swait.ge [sflag:s24], $0x2000  }
0x38: {  	[sflag:s24] =	ssyncset.done $0x0  }
0x39: {  	s17 =	rddreg [dreg:$0xe];
	[sflag:s24] =	ssyncadd.s32 $0xFFFFE000  }
0x3a: {  	[spmem:s17] =	stream.linear.scatter [tilespmem:s23], [sflag:$0x5], $0x2000, $0x38;
	[tilespmem:$0x1E800] =	vst v63  }
0x3b: {  	_ =	swait.ge [sflag:s24], $0x2000  }
0x3c: {  	[sflag:s24] =	ssyncset.done $0x0  }
0x3d: {  	[sflag:s24] =	ssyncadd.s32 $0xFFFFE000  }
0x3e: {  	[spmem:s19] =	stream.linear.scatter [tilespmem:s23], [sflag:$0x5], $0x2000, $0x38;
	[tilespmem:$0x1E800] =	vst v63  }
0x3f: {  	_ =	swait.ge [sflag:s24], $0x2000  }
0x40: {  	[sflag:s24] =	ssyncset.done $0x0  }
0x41: {  	[sflag:s24] =	ssyncadd.s32 $0xFFFFE000  }
0x42: {  	[spmem:s20] =	stream.linear.scatter [tilespmem:s23], [sflag:$0x5], $0x2000, $0x38;
	[tilespmem:$0x1E800] =	vst v63  }
0x43: {  	_ =	swait.ge [sflag:s24], $0x2000  }
0x44: {  	[sflag:s24] =	ssyncset.done $0x0  }
0x45: {  	[sflag:s24] =	ssyncadd.s32 $0xFFFFE000  }
0x46: {  	[spmem:s21] =	stream.linear.scatter [tilespmem:s23], [sflag:$0x5], $0x2000, $0x38;
	[tilespmem:$0x1E800] =	vst v63  }
0x47: {  	_ =	swait.ge [sflag:s24], $0x2000  }
0x48: {  	[sflag:s24] =	ssyncset.done $0x0  }
0x49: {  	[sflag:s24] =	ssyncadd.s32 $0xFFFFE000  }
0x4a: {  	[spmem:s22] =	stream.linear.scatter [tilespmem:s23], [sflag:$0x5], $0x2000, $0x38;
	[tilespmem:$0x1E800] =	vst v63  }
0x4b: {  	_ =	swait.ge [sflag:s24], $0x2000  }
0x4c: {  	[sflag:s24] =	ssyncset.done $0x0  }
0x4d: {  	[sflag:s24] =	ssyncadd.s32 $0xFFFFE000  }
0x4e: {  	[bflag:$0x0] =	sbarrier.arrive $0xFFFF  }
0x4f: {  	s16 =	simm.s32 $0x0;
	s17 =	rddreg [dreg:$0x4]  }
0x50: {  	[tilespmem:s16], [sflag:$0x5] =	stream.linear.gather [hbm4b:s17+s16], $0x1400, $0x38;
	[tilespmem:$0x1E800] =	vst v63  }
0x51: {  	_ =	swait.ge [sflag:s24], $0x1400  }
0x52: {  	[sflag:s24] =	ssyncset.done $0x0  }
0x53: {  	s18 =	rddreg [dreg:$0x5];
	[sflag:s24] =	ssyncadd.s32 $0xFFFFEC00  }
0x54: {  	[tilespmem:s25], [sflag:$0x5] =	stream.linear.gather [hbm4b:s18+s16], $0x1400, $0x38;
	[tilespmem:$0x1E800] =	vst v63  }
0x55: {  	_ =	swait.ge [sflag:s24], $0x1400  }
0x56: {  	[sflag:s24] =	ssyncset.done $0x0  }
0x57: {  	[sflag:s24] =	ssyncadd.s32 $0xFFFFEC00  }
0x58: {  	[tilespmem:s23], [sflag:$0x1] =	stream.indirect.gather [hbm4b:s5+s26], $0x40, s16, s26, $0xb8;
	[tilespmem:$0x1E800] =	vst v63  }
0x59: {  	_ = 	snop  }
0x5a: {  	[tilespmem:s29], [sflag:$0x2] =	stream.indirect.gather [hbm4b:s5+s26], $0x40, s28, s26, $0xb8;
	[tilespmem:$0x1E800] =	vst v63  }
0x5b: {  	_ = 	snop  }
0x5c: {  	[tilespmem:s31], [sflag:$0x3] =	stream.indirect.gather [hbm4b:s5+s26], $0x40, s30, s26, $0xb8;
	[tilespmem:$0x1E800] =	vst v63  }
0x5d: {  	_ =	swait.ge [sflag:s0], $0x1F40  }
0x5e: {  	[sflag:s0] =	ssyncset.done $0x0  }
0x5f: {  	s18 =	simm.s32 $0x1400;
	[sflag:s0] =	ssyncadd.s32 $0xFFFFE0C0  }
0x60: {  	[spmem:s2] =	stream.indirect.scatter.add.bf16 [tilespmem:s23], [sflag:$0x5], $0x40, s18, s26, $0xb8;
	[tilespmem:$0x1E800] =	vst v63  }
0x61: {  	_ =	swait.ge [sflag:s24], $0x1F40  }
0x62: {  	[sflag:s24] =	ssyncset.done $0x0  }
0x63: {  	s17 =	simm.s32 $0x180;
	[sflag:s24] =	ssyncadd.s32 $0xFFFFE0C0  }
0x64: {  	[tilespmem:s1], [sflag:$0x4] =	stream.indirect.gather [hbm4b:s5+s26], $0x40, s17, s26, $0xb8;
	[tilespmem:$0x1E800] =	vst v63  }
0x65: {  	_ =	swait.ge [sflag:s6], $0x1F40  }
0x66: {  	[sflag:s6] =	ssyncset.done $0x0  }
0x67: {  	s18 =	simm.s32 $0x1480;
	[sflag:s6] =	ssyncadd.s32 $0xFFFFE0C0  }
0x68: {  	[spmem:s2] =	stream.indirect.scatter.add.bf16 [tilespmem:s29], [sflag:$0x5], $0x40, s18, s26, $0xb8;
	[tilespmem:$0x1E800] =	vst v63  }
0x69: {  	_ =	swait.ge [sflag:s24], $0x1F40  }
0x6a: {  	[sflag:s24] =	ssyncset.done $0x0  }
0x6b: {  	s17 =	simm.s32 $0x200;
	[sflag:s24] =	ssyncadd.s32 $0xFFFFE0C0  }
0x6c: {  	[tilespmem:s23], [sflag:$0x1] =	stream.indirect.gather [hbm4b:s5+s26], $0x40, s17, s26, $0xb8;
	[tilespmem:$0x1E800] =	vst v63  }
0x6d: {  	_ =	swait.ge [sflag:s7], $0x1F40  }
0x6e: {  	[sflag:s7] =	ssyncset.done $0x0  }
0x6f: {  	s18 =	simm.s32 $0x1500;
	[sflag:s7] =	ssyncadd.s32 $0xFFFFE0C0  }
0x70: {  	[spmem:s2] =	stream.indirect.scatter.add.bf16 [tilespmem:s31], [sflag:$0x5], $0x40, s18, s26, $0xb8;
	[tilespmem:$0x1E800] =	vst v63  }
0x71: {  	_ =	swait.ge [sflag:s24], $0x1F40  }
0x72: {  	[sflag:s24] =	ssyncset.done $0x0  }
0x73: {  	s17 =	simm.s32 $0x280;
	[sflag:s24] =	ssyncadd.s32 $0xFFFFE0C0  }
0x74: {  	[tilespmem:s29], [sflag:$0x2] =	stream.indirect.gather [hbm4b:s5+s26], $0x40, s17, s26, $0xb8;
	[tilespmem:$0x1E800] =	vst v63  }
0x75: {  	_ =	swait.ge [sflag:s8], $0x1F40  }
0x76: {  	[sflag:s8] =	ssyncset.done $0x0  }
0x77: {  	s18 =	simm.s32 $0x1580;
	[sflag:s8] =	ssyncadd.s32 $0xFFFFE0C0  }
0x78: {  	[spmem:s2] =	stream.indirect.scatter.add.bf16 [tilespmem:s1], [sflag:$0x5], $0x40, s18, s26, $0xb8;
	[tilespmem:$0x1E800] =	vst v63  }
0x79: {  	_ =	swait.ge [sflag:s24], $0x1F40  }
0x7a: {  	[sflag:s24] =	ssyncset.done $0x0  }
0x7b: {  	s16 =	simm.s32 $0x800;
	s17 =	simm.s32 $0x300;
	[sflag:s24] =	ssyncadd.s32 $0xFFFFE0C0  }
.LBB2_4:
0x7c: {  	[tilespmem:s31], [sflag:$0x3] =	stream.indirect.gather [hbm4b:s5+s26], $0x40, s17, s26, $0xb8;
	[tilespmem:$0x1E800] =	vst v63  }
0x7d: {  	s17 =	smov.u32 s16  }
0x7e: {  	p0 =	sne.s32 s16, $0x4000;
	s16 =	sadd.s32 $0x800, s16;
	_ =	swait.ge [sflag:s0], $0x1F40  }
0x7f: {  	s17 =	sshra.s32 s17, $0x2;
	[sflag:s0] =	ssyncset.done $0x0  }
0x80: {  	s18 =	sadd.s32 $0x1400, s17;
	[sflag:s0] =	ssyncadd.s32 $0xFFFFE0C0  }
0x81: {  	[spmem:s2] =	stream.indirect.scatter.add.bf16 [tilespmem:s23], [sflag:$0x5], $0x40, s18, s26, $0xb8;
	[tilespmem:$0x1E800] =	vst v63  }
0x82: {  	_ =	swait.ge [sflag:s24], $0x1F40  }
0x83: {  	[sflag:s24] =	ssyncset.done $0x0  }
0x84: {  	s18 =	sadd.s32 $0x180, s17;
	[sflag:s24] =	ssyncadd.s32 $0xFFFFE0C0  }
0x85: {  	[tilespmem:s1], [sflag:$0x4] =	stream.indirect.gather [hbm4b:s5+s26], $0x40, s18, s26, $0xb8;
	[tilespmem:$0x1E800] =	vst v63  }
0x86: {  	_ =	swait.ge [sflag:s6], $0x1F40  }
0x87: {  	[sflag:s6] =	ssyncset.done $0x0  }
0x88: {  	s18 =	sadd.s32 $0x1480, s17;
	[sflag:s6] =	ssyncadd.s32 $0xFFFFE0C0  }
0x89: {  	[spmem:s2] =	stream.indirect.scatter.add.bf16 [tilespmem:s29], [sflag:$0x5], $0x40, s18, s26, $0xb8;
	[tilespmem:$0x1E800] =	vst v63  }
0x8a: {  	_ =	swait.ge [sflag:s24], $0x1F40  }
0x8b: {  	[sflag:s24] =	ssyncset.done $0x0  }
0x8c: {  	s18 =	sadd.s32 $0x200, s17;
	[sflag:s24] =	ssyncadd.s32 $0xFFFFE0C0  }
0x8d: {  	[tilespmem:s23], [sflag:$0x1] =	stream.indirect.gather [hbm4b:s5+s26], $0x40, s18, s26, $0xb8;
	[tilespmem:$0x1E800] =	vst v63  }
0x8e: {  	_ =	swait.ge [sflag:s7], $0x1F40  }
0x8f: {  	[sflag:s7] =	ssyncset.done $0x0  }
0x90: {  	s18 =	sadd.s32 $0x1500, s17;
	[sflag:s7] =	ssyncadd.s32 $0xFFFFE0C0  }
0x91: {  	[spmem:s2] =	stream.indirect.scatter.add.bf16 [tilespmem:s31], [sflag:$0x5], $0x40, s18, s26, $0xb8;
	[tilespmem:$0x1E800] =	vst v63  }
0x92: {  	_ =	swait.ge [sflag:s24], $0x1F40  }
0x93: {  	[sflag:s24] =	ssyncset.done $0x0  }
0x94: {  	s18 =	sadd.s32 $0x280, s17;
	[sflag:s24] =	ssyncadd.s32 $0xFFFFE0C0  }
0x95: {  	[tilespmem:s29], [sflag:$0x2] =	stream.indirect.gather [hbm4b:s5+s26], $0x40, s18, s26, $0xb8;
	[tilespmem:$0x1E800] =	vst v63  }
0x96: {  	_ =	swait.ge [sflag:s8], $0x1F40  }
0x97: {  	[sflag:s8] =	ssyncset.done $0x0  }
.Ltmp1:
0x98: {  	s18 =	sadd.s32 $0x1580, s17;
	[sflag:s8] =	ssyncadd.s32 $0xFFFFE0C0;
	(pc) =	sbr.rel @p0 .LBB2_4-.Ltmp1, $4  }
0x99: {  	[spmem:s2] =	stream.indirect.scatter.add.bf16 [tilespmem:s1], [sflag:$0x5], $0x40, s18, s26, $0xb8;
	[tilespmem:$0x1E800] =	vst v63  }
0x9a: {  	_ =	swait.ge [sflag:s24], $0x1F40  }
0x9b: {  	[sflag:s24] =	ssyncset.done $0x0  }
0x9c: {  	s17 =	sadd.s32 $0x300, s17;
	[sflag:s24] =	ssyncadd.s32 $0xFFFFE0C0  }
0x9d: {  	[tilespmem:s31], [sflag:$0x3] =	stream.indirect.gather [hbm4b:s5+s26], $0x40, s17, s26, $0xb8;
	[tilespmem:$0x1E800] =	vst v63  }
0x9e: {  	_ =	swait.ge [sflag:s0], $0x1F40  }
0x9f: {  	[sflag:s0] =	ssyncset.done $0x0  }
0xa0: {  	[sflag:s0] =	ssyncadd.s32 $0xFFFFE0C0  }
0xa1: {  	[spmem:s2] =	stream.indirect.scatter.add.bf16 [tilespmem:s23], [sflag:$0x5], $0x40, s9, s26, $0xb8;
	[tilespmem:$0x1E800] =	vst v63  }
0xa2: {  	_ =	swait.ge [sflag:s24], $0x1F40  }
0xa3: {  	[sflag:s24] =	ssyncset.done $0x0  }
0xa4: {  	[sflag:s24] =	ssyncadd.s32 $0xFFFFE0C0  }
0xa5: {  	[tilespmem:s1], [sflag:$0x4] =	stream.indirect.gather [hbm4b:s5+s26], $0x40, s10, s26, $0xb8;
	[tilespmem:$0x1E800] =	vst v63  }
0xa6: {  	_ =	swait.ge [sflag:s6], $0x1F40  }
0xa7: {  	[sflag:s6] =	ssyncset.done $0x0  }
0xa8: {  	[sflag:s6] =	ssyncadd.s32 $0xFFFFE0C0  }
0xa9: {  	[spmem:s2] =	stream.indirect.scatter.add.bf16 [tilespmem:s29], [sflag:$0x5], $0x40, s12, s26, $0xb8;
	[tilespmem:$0x1E800] =	vst v63  }
0xaa: {  	_ =	swait.ge [sflag:s24], $0x1F40  }
0xab: {  	[sflag:s24] =	ssyncset.done $0x0  }
0xac: {  	[sflag:s24] =	ssyncadd.s32 $0xFFFFE0C0  }
0xad: {  	_ =	swait.ge [sflag:s7], $0x1F40  }
0xae: {  	[sflag:s7] =	ssyncset.done $0x0  }
0xaf: {  	[sflag:s7] =	ssyncadd.s32 $0xFFFFE0C0  }
0xb0: {  	[spmem:s2] =	stream.indirect.scatter.add.bf16 [tilespmem:s31], [sflag:$0x5], $0x40, s14, s26, $0xb8;
	[tilespmem:$0x1E800] =	vst v63  }
0xb1: {  	_ =	swait.ge [sflag:s24], $0x1F40  }
0xb2: {  	[sflag:s24] =	ssyncset.done $0x0  }
0xb3: {  	[sflag:s24] =	ssyncadd.s32 $0xFFFFE0C0  }
0xb4: {  	_ =	swait.ge [sflag:s8], $0x1F40  }
0xb5: {  	[sflag:s8] =	ssyncset.done $0x0  }
0xb6: {  	[sflag:s8] =	ssyncadd.s32 $0xFFFFE0C0  }
0xb7: {  	[spmem:s2] =	stream.indirect.scatter.add.bf16 [tilespmem:s1], [sflag:$0x5], $0x40, s15, s26, $0xb8;
	[tilespmem:$0x1E800] =	vst v63  }
0xb8: {  	_ =	swait.ge [sflag:s24], $0x1F40  }
0xb9: {  	[sflag:s24] =	ssyncset.done $0x0  }
0xba: {  	s16 =	simm.s32 $0x0;
	s18 =	rddreg [dreg:$0x6];
	[sflag:s24] =	ssyncadd.s32 $0xFFFFE0C0  }
0xbb: {  	[tilespmem:s16], [sflag:$0x5] =	stream.linear.gather [hbm4b:s18+s16], $0x1400, $0x38;
	[tilespmem:$0x1E800] =	vst v63  }
0xbc: {  	_ =	swait.ge [sflag:s24], $0x1400  }
0xbd: {  	[sflag:s24] =	ssyncset.done $0x0  }
0xbe: {  	s18 =	rddreg [dreg:$0x7];
	[sflag:s24] =	ssyncadd.s32 $0xFFFFEC00  }
0xbf: {  	[tilespmem:s25], [sflag:$0x5] =	stream.linear.gather [hbm4b:s18+s16], $0x1400, $0x38;
	[tilespmem:$0x1E800] =	vst v63  }
0xc0: {  	_ =	swait.ge [sflag:s24], $0x1400  }
0xc1: {  	[sflag:s24] =	ssyncset.done $0x0  }
0xc2: {  	[sflag:s24] =	ssyncadd.s32 $0xFFFFEC00  }
0xc3: {  	[tilespmem:s23], [sflag:$0x1] =	stream.indirect.gather [hbm4b:s5+s26], $0x40, s16, s26, $0xb8;
	[tilespmem:$0x1E800] =	vst v63  }
0xc4: {  	_ = 	snop  }
0xc5: {  	[tilespmem:s29], [sflag:$0x2] =	stream.indirect.gather [hbm4b:s5+s26], $0x40, s28, s26, $0xb8;
	[tilespmem:$0x1E800] =	vst v63  }
0xc6: {  	_ = 	snop  }
0xc7: {  	[tilespmem:s31], [sflag:$0x3] =	stream.indirect.gather [hbm4b:s5+s26], $0x40, s30, s26, $0xb8;
	[tilespmem:$0x1E800] =	vst v63  }
0xc8: {  	_ =	swait.ge [sflag:s0], $0x1F40  }
0xc9: {  	[sflag:s0] =	ssyncset.done $0x0  }
0xca: {  	s18 =	simm.s32 $0x1400;
	[sflag:s0] =	ssyncadd.s32 $0xFFFFE0C0  }
0xcb: {  	[spmem:s3] =	stream.indirect.scatter.add.bf16 [tilespmem:s23], [sflag:$0x5], $0x40, s18, s26, $0xb8;
	[tilespmem:$0x1E800] =	vst v63  }
0xcc: {  	_ =	swait.ge [sflag:s24], $0x1F40  }
0xcd: {  	[sflag:s24] =	ssyncset.done $0x0  }
0xce: {  	s17 =	simm.s32 $0x180;
	[sflag:s24] =	ssyncadd.s32 $0xFFFFE0C0  }
0xcf: {  	[tilespmem:s1], [sflag:$0x4] =	stream.indirect.gather [hbm4b:s5+s26], $0x40, s17, s26, $0xb8;
	[tilespmem:$0x1E800] =	vst v63  }
0xd0: {  	_ =	swait.ge [sflag:s6], $0x1F40  }
0xd1: {  	[sflag:s6] =	ssyncset.done $0x0  }
0xd2: {  	s18 =	simm.s32 $0x1480;
	[sflag:s6] =	ssyncadd.s32 $0xFFFFE0C0  }
0xd3: {  	[spmem:s3] =	stream.indirect.scatter.add.bf16 [tilespmem:s29], [sflag:$0x5], $0x40, s18, s26, $0xb8;
	[tilespmem:$0x1E800] =	vst v63  }
0xd4: {  	_ =	swait.ge [sflag:s24], $0x1F40  }
0xd5: {  	[sflag:s24] =	ssyncset.done $0x0  }
0xd6: {  	s17 =	simm.s32 $0x200;
	[sflag:s24] =	ssyncadd.s32 $0xFFFFE0C0  }
0xd7: {  	[tilespmem:s23], [sflag:$0x1] =	stream.indirect.gather [hbm4b:s5+s26], $0x40, s17, s26, $0xb8;
	[tilespmem:$0x1E800] =	vst v63  }
0xd8: {  	_ =	swait.ge [sflag:s7], $0x1F40  }
0xd9: {  	[sflag:s7] =	ssyncset.done $0x0  }
0xda: {  	s18 =	simm.s32 $0x1500;
	[sflag:s7] =	ssyncadd.s32 $0xFFFFE0C0  }
0xdb: {  	[spmem:s3] =	stream.indirect.scatter.add.bf16 [tilespmem:s31], [sflag:$0x5], $0x40, s18, s26, $0xb8;
	[tilespmem:$0x1E800] =	vst v63  }
0xdc: {  	_ =	swait.ge [sflag:s24], $0x1F40  }
0xdd: {  	[sflag:s24] =	ssyncset.done $0x0  }
0xde: {  	s17 =	simm.s32 $0x280;
	[sflag:s24] =	ssyncadd.s32 $0xFFFFE0C0  }
0xdf: {  	[tilespmem:s29], [sflag:$0x2] =	stream.indirect.gather [hbm4b:s5+s26], $0x40, s17, s26, $0xb8;
	[tilespmem:$0x1E800] =	vst v63  }
0xe0: {  	_ =	swait.ge [sflag:s8], $0x1F40  }
0xe1: {  	[sflag:s8] =	ssyncset.done $0x0  }
0xe2: {  	s18 =	simm.s32 $0x1580;
	[sflag:s8] =	ssyncadd.s32 $0xFFFFE0C0  }
0xe3: {  	[spmem:s3] =	stream.indirect.scatter.add.bf16 [tilespmem:s1], [sflag:$0x5], $0x40, s18, s26, $0xb8;
	[tilespmem:$0x1E800] =	vst v63  }
0xe4: {  	_ =	swait.ge [sflag:s24], $0x1F40  }
0xe5: {  	[sflag:s24] =	ssyncset.done $0x0  }
0xe6: {  	s16 =	simm.s32 $0x800;
	s17 =	simm.s32 $0x300;
	[sflag:s24] =	ssyncadd.s32 $0xFFFFE0C0  }
.LBB2_6:
0xe7: {  	[tilespmem:s31], [sflag:$0x3] =	stream.indirect.gather [hbm4b:s5+s26], $0x40, s17, s26, $0xb8;
	[tilespmem:$0x1E800] =	vst v63  }
0xe8: {  	s17 =	smov.u32 s16  }
0xe9: {  	p0 =	sne.s32 s16, $0x4000;
	s16 =	sadd.s32 $0x800, s16;
	_ =	swait.ge [sflag:s0], $0x1F40  }
0xea: {  	s17 =	sshra.s32 s17, $0x2;
	[sflag:s0] =	ssyncset.done $0x0  }
0xeb: {  	s18 =	sadd.s32 $0x1400, s17;
	[sflag:s0] =	ssyncadd.s32 $0xFFFFE0C0  }
0xec: {  	[spmem:s3] =	stream.indirect.scatter.add.bf16 [tilespmem:s23], [sflag:$0x5], $0x40, s18, s26, $0xb8;
	[tilespmem:$0x1E800] =	vst v63  }
0xed: {  	_ =	swait.ge [sflag:s24], $0x1F40  }
0xee: {  	[sflag:s24] =	ssyncset.done $0x0  }
0xef: {  	s18 =	sadd.s32 $0x180, s17;
	[sflag:s24] =	ssyncadd.s32 $0xFFFFE0C0  }
0xf0: {  	[tilespmem:s1], [sflag:$0x4] =	stream.indirect.gather [hbm4b:s5+s26], $0x40, s18, s26, $0xb8;
	[tilespmem:$0x1E800] =	vst v63  }
0xf1: {  	_ =	swait.ge [sflag:s6], $0x1F40  }
0xf2: {  	[sflag:s6] =	ssyncset.done $0x0  }
0xf3: {  	s18 =	sadd.s32 $0x1480, s17;
	[sflag:s6] =	ssyncadd.s32 $0xFFFFE0C0  }
0xf4: {  	[spmem:s3] =	stream.indirect.scatter.add.bf16 [tilespmem:s29], [sflag:$0x5], $0x40, s18, s26, $0xb8;
	[tilespmem:$0x1E800] =	vst v63  }
0xf5: {  	_ =	swait.ge [sflag:s24], $0x1F40  }
0xf6: {  	[sflag:s24] =	ssyncset.done $0x0  }
0xf7: {  	s18 =	sadd.s32 $0x200, s17;
	[sflag:s24] =	ssyncadd.s32 $0xFFFFE0C0  }
0xf8: {  	[tilespmem:s23], [sflag:$0x1] =	stream.indirect.gather [hbm4b:s5+s26], $0x40, s18, s26, $0xb8;
	[tilespmem:$0x1E800] =	vst v63  }
0xf9: {  	_ =	swait.ge [sflag:s7], $0x1F40  }
0xfa: {  	[sflag:s7] =	ssyncset.done $0x0  }
0xfb: {  	s18 =	sadd.s32 $0x1500, s17;
	[sflag:s7] =	ssyncadd.s32 $0xFFFFE0C0  }
0xfc: {  	[spmem:s3] =	stream.indirect.scatter.add.bf16 [tilespmem:s31], [sflag:$0x5], $0x40, s18, s26, $0xb8;
	[tilespmem:$0x1E800] =	vst v63  }
0xfd: {  	_ =	swait.ge [sflag:s24], $0x1F40  }
0xfe: {  	[sflag:s24] =	ssyncset.done $0x0  }
0xff: {  	s18 =	sadd.s32 $0x280, s17;
	[sflag:s24] =	ssyncadd.s32 $0xFFFFE0C0  }
0x100: {  	[tilespmem:s29], [sflag:$0x2] =	stream.indirect.gather [hbm4b:s5+s26], $0x40, s18, s26, $0xb8;
	[tilespmem:$0x1E800] =	vst v63  }
0x101: {  	_ =	swait.ge [sflag:s8], $0x1F40  }
0x102: {  	[sflag:s8] =	ssyncset.done $0x0  }
.Ltmp2:
0x103: {  	s18 =	sadd.s32 $0x1580, s17;
	[sflag:s8] =	ssyncadd.s32 $0xFFFFE0C0;
	(pc) =	sbr.rel @p0 .LBB2_6-.Ltmp2, $4  }
0x104: {  	[spmem:s3] =	stream.indirect.scatter.add.bf16 [tilespmem:s1], [sflag:$0x5], $0x40, s18, s26, $0xb8;
	[tilespmem:$0x1E800] =	vst v63  }
0x105: {  	_ =	swait.ge [sflag:s24], $0x1F40  }
0x106: {  	[sflag:s24] =	ssyncset.done $0x0  }
0x107: {  	s17 =	sadd.s32 $0x300, s17;
	[sflag:s24] =	ssyncadd.s32 $0xFFFFE0C0  }
0x108: {  	[tilespmem:s31], [sflag:$0x3] =	stream.indirect.gather [hbm4b:s5+s26], $0x40, s17, s26, $0xb8;
	[tilespmem:$0x1E800] =	vst v63  }
0x109: {  	_ =	swait.ge [sflag:s0], $0x1F40  }
0x10a: {  	[sflag:s0] =	ssyncset.done $0x0  }
0x10b: {  	[sflag:s0] =	ssyncadd.s32 $0xFFFFE0C0  }
0x10c: {  	[spmem:s3] =	stream.indirect.scatter.add.bf16 [tilespmem:s23], [sflag:$0x5], $0x40, s9, s26, $0xb8;
	[tilespmem:$0x1E800] =	vst v63  }
0x10d: {  	_ =	swait.ge [sflag:s24], $0x1F40  }
0x10e: {  	[sflag:s24] =	ssyncset.done $0x0  }
0x10f: {  	[sflag:s24] =	ssyncadd.s32 $0xFFFFE0C0  }
0x110: {  	[tilespmem:s1], [sflag:$0x4] =	stream.indirect.gather [hbm4b:s5+s26], $0x40, s10, s26, $0xb8;
	[tilespmem:$0x1E800] =	vst v63  }
0x111: {  	_ =	swait.ge [sflag:s6], $0x1F40  }
0x112: {  	[sflag:s6] =	ssyncset.done $0x0  }
0x113: {  	[sflag:s6] =	ssyncadd.s32 $0xFFFFE0C0  }
0x114: {  	[spmem:s3] =	stream.indirect.scatter.add.bf16 [tilespmem:s29], [sflag:$0x5], $0x40, s12, s26, $0xb8;
	[tilespmem:$0x1E800] =	vst v63  }
0x115: {  	_ =	swait.ge [sflag:s24], $0x1F40  }
0x116: {  	[sflag:s24] =	ssyncset.done $0x0  }
0x117: {  	[sflag:s24] =	ssyncadd.s32 $0xFFFFE0C0  }
0x118: {  	_ =	swait.ge [sflag:s7], $0x1F40  }
0x119: {  	[sflag:s7] =	ssyncset.done $0x0  }
0x11a: {  	[sflag:s7] =	ssyncadd.s32 $0xFFFFE0C0  }
0x11b: {  	[spmem:s3] =	stream.indirect.scatter.add.bf16 [tilespmem:s31], [sflag:$0x5], $0x40, s14, s26, $0xb8;
	[tilespmem:$0x1E800] =	vst v63  }
0x11c: {  	_ =	swait.ge [sflag:s24], $0x1F40  }
0x11d: {  	[sflag:s24] =	ssyncset.done $0x0  }
0x11e: {  	[sflag:s24] =	ssyncadd.s32 $0xFFFFE0C0  }
0x11f: {  	_ =	swait.ge [sflag:s8], $0x1F40  }
0x120: {  	[sflag:s8] =	ssyncset.done $0x0  }
0x121: {  	[sflag:s8] =	ssyncadd.s32 $0xFFFFE0C0  }
0x122: {  	[spmem:s3] =	stream.indirect.scatter.add.bf16 [tilespmem:s1], [sflag:$0x5], $0x40, s15, s26, $0xb8;
	[tilespmem:$0x1E800] =	vst v63  }
0x123: {  	_ =	swait.ge [sflag:s24], $0x1F40  }
0x124: {  	[sflag:s24] =	ssyncset.done $0x0  }
0x125: {  	s16 =	stileid.u32;
	[sflag:s24] =	ssyncadd.s32 $0xFFFFE0C0  }
0x126: {  	s16 =	sshll.u32 s16, $0x6;
	[bflag:$0x0] =	sbarrier.arrive $0xFFFF  }
0x127: {  	s17 =	sshrl.u32 s11, $0x3;
	s16 =	sor.u32 $0x1C05, s16;
	s18 =	rddreg [dreg:$0x8]  }
0x128: {  	[hbm:s18], [sflag:s16] =	dma.local [spmem:s17], $0x1400  }
0x129: {  	_ =	swait.ge [sflag:s24], $0x1400  }
0x12a: {  	[sflag:s24] =	ssyncset.done $0x0  }
0x12b: {  	s17 =	sshrl.u32 s13, $0x3;
	s18 =	rddreg [dreg:$0x9];
	[sflag:s24] =	ssyncadd.s32 $0xFFFFEC00  }
0x12c: {  	[hbm:s18], [sflag:s16] =	dma.local [spmem:s17], $0x1400  }
0x12d: {  	_ =	swait.ge [sflag:s24], $0x1400  }
0x12e: {  	s4 =	sadd.s32 $0x1, s4;
	s18 =	rddreg [dreg:$0xa]  }
0x12f: {  	p0 =	sne.s32 s4, s18  }
.Ltmp3:
0x130: {  	_ = 	snop;
	(pc) =	sbr.rel @p0 .LBB2_1-.Ltmp3, $3  }
0x131: {  	_ =	sdelay $0x1  }
0x132: {  	[sflag:s24] =	ssyncset.done $0x0  }
0x133: {  	[sflag:s24] =	ssyncadd.s32 $0xFFFFEC00  }
0x134: {  	_ =	sfence.sel $0x180000  }
0x135: {  	[bflag:$0x0] =	sbarrier.arrive $0xFFFF  }
0x136: {  	_ =	strace $0x9000004A  }
0x137: {  	s0 =	stileid.u32;
	[bflag:$0x2] =	sbarrier.arrive $0xFFFF  }
0x138: {  	p0 =	sne.s32 s0, $0x0;
	s0 =	rddreg [dreg:$0x3]  }
0x139: {  	s0 =	sadd.s32 @!p0 $0x100000, s0  }
0x13a: {  	[sflag:s0] =	ssyncadd.tile.s32 @!p0 $0x1;
	_ =	shalt  }
.Lfunc_end2:
_tile_overlayer_lowered:
.L_overlay_start_2:
0x13b: {  	(tag) =	ssettag $0x2  }
0x13c: {  	s0 =	rddreg [dreg:$0x0];
	s2 =	stileid.u32  }
0x13d: {  	s1 =	rddreg [dreg:$0x1];
	p0 =	sne.s32 s2, $0x0  }
0x13e: {  	s3 =	rddreg [dreg:$0x2];
	[bflag:$0x3] =	sbarrier.arrive $0xFFFF;
	s2 =	simm.s32 @!p0 $0x1C05  }
0x13f: {  	[timem:s3], [sflag:s2] =	dma.local @!p0 [hbm:s0], s1  }
0x140: {  	s0 =	simm.s32 @!p0 $0x5  }
0x141: {  	_ =	swait.ge @!p0 [sflag:s0], s1  }
0x142: {  	s1 =	ssub.s32 @!p0 $0x0, s1;
	[sflag:s0] =	ssyncset.done @!p0 $0x0  }
0x143: {  	[sflag:s0] =	ssyncadd.s32 @!p0 s1  }
0x144: {  	[bflag:$0x3] =	sbarrier.arrive $0xFFFF  }
0x145: {  	_ =	shalt  }

// kernel: kernel.14.cloned.1.call-start
scs
__scs_entry_jumppad:
0x0: {  	(pc) =	sbr.rel $0x88, $3  }
0x1: {  	(tag) =	ssettag $0x0;
	lr =	simm.s32 $0x1  }
0x2: {  	[smem:$0x3F99] =	sst lr;
	_ =	strace $0xD0000000  }
0x3: {  	_ = 	snop  }
0x4: {  	_ = 	snop  }
0x5: {  	_ = 	snop  }
0x6: {  	_ = 	snop  }
0x7: {  	_ = 	snop  }
__scs_overlays_trampoline_lowered:
0x8: {  	[smem:$0x3FA8] =	sst s0  }
0x9: {  	[smem:$0x3FA9] =	sst s1  }
0xa: {  	[smem:$0x3FAA] =	sst s2  }
0xb: {  	[smem:$0x3FAB] =	sst s3  }
0xc: {  	[smem:$0x3FAC] =	sst s4  }
0xd: {  	[smem:$0x3FAD] =	sst s5  }
0xe: {  	[smem:$0x3FAE] =	sst s6  }
0xf: {  	[smem:$0x3FAF] =	sst s7  }
0x10: {  	[smem:$0x3FB0] =	sst s8  }
0x11: {  	[smem:$0x3FB1] =	sst s9;
	s0 =	simm.s32 @!p0 $0x0  }
0x12: {  	s1 =	sld [smem:$0x3F97];
	s0 =	simm.s32 @p0 $0x1  }
0x13: {  	[smem:$0x3FB2] =	sst s0;
	s0 =	simm.s32 @!p1 $0x0  }
0x14: {  	s2 =	sld [smem:$0x3F96];
	s0 =	simm.s32 @p1 $0x1  }
0x15: {  	[smem:$0x3FB3] =	sst s0;
	s0 =	simm.s32 @!p2 $0x0  }
0x16: {  	s3 =	sld [smem:$0x3FDB];
	s0 =	simm.s32 @p2 $0x1  }
0x17: {  	s4 =	simm.s32 $0x1BF5;
	[smem:$0x3FB5] =	sst s0  }
0x18: {  	s0 =	sld [smem:$0x3F98];
	_ =	swait.ge [sflag:s4], $0x0  }
0x19: {  	s7 =	sld [smem:$0x3F99]  }
0x1a: {  	s8 =	sadd.s32 $0xFFFFE003, lr  }
0x1b: {  	s9 =	sadd.s32 $0xFFFFFEF7, lr;
	s5 =	simm.s32 $0xFFFFFFFF;
	p2 =	slt.u32 s8, $0xFFFFF086  }
0x1c: {  	p1 =	slt.u32 s9, $0xF7A;
	s5 =	simm.s32 @!p2 $0x0  }
0x1d: {  	s5 =	simm.s32 @p1 $0x1;
	p0 =	seq.s32 s7, s2  }
0x1e: {  	s7 =	smul.u32 @!p0 $0xF7A, s2;
	p2 =	seq.s32 @!p0 s5, $0x0  }
0x1f: {  	s9 =	smul.u32 $0xF7A, s1;
	s8 =	simm.s32 @!p0 $0x1BF5;
	p2 =	por !p2, p0  }
0x20: {  	[sflag:s8] =	ssyncset.s32 @!p0 $0xFFFFF086;
	s6 =	sadd.s32 @!p0 s3, s7;
	s7 =	simm.s32 @!p0 $0x108  }
0x21: {  	s3 =	sadd.s32 s3, s9;
	s6 =	sadd.s32 @!p0 $0x88, s6;
	s7 =	simm.s32 @p2 $0x1082  }
0x22: {  	[simem:s7], [sflag:s8] =	dma.local @!p0 [hbm:s6], $0xF7A  }
0x23: {  	s9 =	sor.u32 $0xD0000000, s2;
	s6 =	simm.s32 $0x108;
	_ =	swait.ge @!p0 [sflag:s8], $0x0  }
0x24: {  	s3 =	sadd.s32 $0x88, s3;
	s6 =	simm.s32 @!p1 $0x1082;
	[sflag:s4] =	ssyncset.s32 $0xFFFFF086  }
0x25: {  	[simem:s6], [sflag:s4] =	dma.local [hbm:s3], $0xF7A  }
0x26: {  	[smem:$0x3F99] =	sst s1;
	(tag) =	ssettag s2;
	_ =	strace s9  }
0x27: {  	s1 =	sld [smem:$0x3FA9]  }
0x28: {  	s2 =	sld [smem:$0x3FAA]  }
0x29: {  	s4 =	sld [smem:$0x3FAC]  }
0x2a: {  	p0 =	seq.s32 s5, $0x0;
	s5 =	sld [smem:$0x3FAD]  }
0x2b: {  	s6 =	sld [smem:$0x3FAE]  }
0x2c: {  	s7 =	sld [smem:$0x3FAF]  }
0x2d: {  	s3 =	simm.s32 $0x108;
	s8 =	sld [smem:$0x3FB0]  }
0x2e: {  	s3 =	simm.s32 @!p0 $0x1082;
	s9 =	sld [smem:$0x3FB1]  }
0x2f: {  	lr =	sadd.s32 s0, s3;
	s0 =	sld [smem:$0x3FA8]  }
0x30: {  	s3 =	sld [smem:$0x3FAB]  }
0x31: {  	[smem:$0x3FB4] =	sst s10  }
0x32: {  	s10 =	sld [smem:$0x3FB2];
	_ =	sdelay $0x3  }
0x33: {  	p0 =	seq.s32 s10, $0x1;
	s10 =	sld [smem:$0x3FB4];
	_ =	sdelay $0x3  }
0x34: {  	[smem:$0x3FB4] =	sst s10  }
0x35: {  	s10 =	sld [smem:$0x3FB3];
	_ =	sdelay $0x3  }
0x36: {  	p1 =	seq.s32 s10, $0x1;
	s10 =	sld [smem:$0x3FB4];
	_ =	sdelay $0x3  }
0x37: {  	[smem:$0x3FB4] =	sst s10  }
0x38: {  	s10 =	sld [smem:$0x3FB5]  }
0x39: {  	_ = 	snop;
	(pc) =	sbr.ind lr, $3  }
0x3a: {  	_ = 	snop  }
0x3b: {  	_ = 	snop  }
0x3c: {  	p2 =	seq.s32 s10, $0x1;
	s10 =	sld [smem:$0x3FB4]  }
0x3d: {  	_ =	shalt  }
0x3e: {  	_ =	shalt  }
0x3f: {  	_ =	shalt  }
0x40: {  	_ =	shalt  }
0x41: {  	_ =	shalt  }
0x42: {  	_ =	shalt  }
0x43: {  	_ =	shalt  }
0x44: {  	_ =	shalt  }
0x45: {  	_ =	shalt  }
0x46: {  	_ =	shalt  }
0x47: {  	_ =	shalt  }
0x48: {  	_ =	shalt  }
0x49: {  	_ =	shalt  }
0x4a: {  	_ =	shalt  }
0x4b: {  	_ =	shalt  }
0x4c: {  	_ =	shalt  }
0x4d: {  	_ =	shalt  }
0x4e: {  	_ =	shalt  }
0x4f: {  	_ =	shalt  }
0x50: {  	_ =	shalt  }
0x51: {  	_ =	shalt  }
0x52: {  	_ =	shalt  }
0x53: {  	_ =	shalt  }
0x54: {  	_ =	shalt  }
0x55: {  	_ =	shalt  }
0x56: {  	_ =	shalt  }
0x57: {  	_ =	shalt  }
0x58: {  	_ =	shalt  }
0x59: {  	_ =	shalt  }
0x5a: {  	_ =	shalt  }
0x5b: {  	_ =	shalt  }
0x5c: {  	_ =	shalt  }
0x5d: {  	_ =	shalt  }
0x5e: {  	_ =	shalt  }
0x5f: {  	_ =	shalt  }
0x60: {  	_ =	shalt  }
0x61: {  	_ =	shalt  }
0x62: {  	_ =	shalt  }
0x63: {  	_ =	shalt  }
0x64: {  	_ =	shalt  }
0x65: {  	_ =	shalt  }
0x66: {  	_ =	shalt  }
0x67: {  	_ =	shalt  }
0x68: {  	_ =	shalt  }
0x69: {  	_ =	shalt  }
0x6a: {  	_ =	shalt  }
0x6b: {  	_ =	shalt  }
0x6c: {  	_ =	shalt  }
0x6d: {  	_ =	shalt  }
0x6e: {  	_ =	shalt  }
0x6f: {  	_ =	shalt  }
0x70: {  	_ =	shalt  }
0x71: {  	_ =	shalt  }
0x72: {  	_ =	shalt  }
0x73: {  	_ =	shalt  }
0x74: {  	_ =	shalt  }
0x75: {  	_ =	shalt  }
0x76: {  	_ =	shalt  }
0x77: {  	_ =	shalt  }
0x78: {  	_ =	shalt  }
0x79: {  	_ =	shalt  }
0x7a: {  	_ =	shalt  }
0x7b: {  	_ =	shalt  }
0x7c: {  	_ =	shalt  }
0x7d: {  	_ =	shalt  }
0x7e: {  	_ =	shalt  }
0x7f: {  	_ =	shalt  }
0x80: {  	_ =	shalt  }
0x81: {  	_ =	shalt  }
0x82: {  	_ =	shalt  }
0x83: {  	_ =	shalt  }
0x84: {  	_ =	shalt  }
0x85: {  	_ =	shalt  }
0x86: {  	_ =	shalt  }
0x87: {  	_ =	shalt  }
.Lfunc_end0:
.L_simem_size_0:
called_computation.2_lowered:
.L_overlay_start_0:
0x88: {  	s2 =	sld [smem:$0x3FD9]  }
0x89: {  	s3 =	sld [smem:$0x3FFE];
	_ =	sdelay $0x1  }
0x8a: {  	s1 =	srdreg.scid  }
0x8b: {  	s0 =	sand.u32 $0x1, s1  }
0x8c: {  	s16 =	sshll.u32 s0, $0xA;
	s2 =	sadd.s32 s3, s2  }
0x8d: {  	s2 =	sadd.s32 s2, s16  }
0x8e: {  	[smem:$0x3FC0] =	sst s2  }
0x8f: {  	_ = 	snop  }
0x90: {  	(tm) =	ssettm $0x1  }
0x91: {  	s17 =	sld [smem:$0x3FFB];
	_ =	sdelay $0x3  }
0x92: {  	_ =	strace s17  }
0x93: {  	s2 =	sld [smem:$0x3FFC];
	_ =	sdelay $0x3  }
0x94: {  	_ =	strace s2  }
0x95: {  	s2 =	sld [smem:$0x3FFD];
	_ =	sdelay $0x3  }
0x96: {  	_ =	strace s2  }
0x97: {  	_ =	strace $0x8FFFFFFF  }
0x98: {  	s18 =	sld [smem:$0x3FDB];
	_ =	sdelay $0x1  }
0x99: {  	s19 =	simm.s32 $_scs_section_size  }
0x9a: {  	s4 =	simm.s32 $_size__tile_overlayer_lowered;
	s5 =	simm.s32 $_tile_overlayer_lowered  }
0x9b: {  	s22 =	simm.s32 $0x1BFF;
	s21 =	sshll.u32 s5, $0x1;
	s2 =	sadd.s32 s19, s18  }
0x9c: {  	s6 =	simm.s32 $0x0;
	s20 =	sshll.u32 s4, $0x1;
	s4 =	sadd.s32 s21, s2  }
0x9d: {  	[timem:s6], [sflag:s22] =	dma.local [hbm:s4], s20  }
0x9e: {  	_ =	swait.ge [sflag:s22], s20  }
0x9f: {  	s3 =	ssub.s32 $0x0, s20;
	[sflag:s22] =	ssyncset.done $0x0  }
0xa0: {  	[sflag:s22] =	ssyncadd.s32 s3;
	_ =	sdelay $0x1  }
0xa1: {  	s23 =	simm.s32 $0x1B8B  }
0xa2: {  	_ =	swait.ge [sflag:s23], $0x1  }
0xa3: {  	[sflag:s23] =	ssyncset.done $0x0  }
0xa4: {  	s25 =	simm.s32 $0x1B8E;
	s24 =	sld [smem:$0x3FFE];
	[sflag:s23] =	ssyncadd.s32 $0xFFFFFFFF  }
0xa5: {  	s26 =	simm.s32 $execute0_lowered;
	[smem:$0x3FD2] =	sst s25  }
0xa6: {  	s4 =	sshll.u32 s26, $0x1;
	_ =	strace $0x8000004C;
	[dreg:$0x1] =	wrdreg $0xFFFFFFFF  }
0xa7: {  	s28 =	simm.s32 $_size_execute0_lowered;
	s2 =	sadd.s32 s2, s4;
	[dreg:$0x0] =	wrdreg $0x0  }
0xa8: {  	s4 =	sshll.u32 s28, $0x1;
	[dreg:$0x2] =	wrdreg s2  }
0xa9: {  	[dreg:$0x3] =	wrdreg s4  }
0xaa: {  	[dreg:$0x4] =	wrdreg $0xC0  }
0xab: {  	_ =	task [dreg:s6], $0x5FFFF  }
0xac: {  	[dreg:$0x1] =	wrdreg $0xFFFFFFFF  }
0xad: {  	[dreg:$0x0] =	wrdreg $0x60  }
0xae: {  	[dreg:$0x2] =	wrdreg s24  }
0xaf: {  	[dreg:$0x3] =	wrdreg $0xA8000  }
0xb0: {  	[dreg:$0x4] =	wrdreg $0x148000  }
0xb1: {  	[dreg:$0x5] =	wrdreg $0x9  }
0xb2: {  	_ =	task.clear_ibuf [dreg:s6], $0x6FFFF;
	_ =	strace $0x9000004C  }
0xb3: {  	s29 =	simm.s32 $0x9;
	_ =	strace $0x8000004E  }
0xb4: {  	_ =	swait.ge [sflag:s29], $0x1  }
0xb5: {  	[sflag:s29] =	ssyncadd.s32 $0xFFFFFFFF  }
0xb6: {  	_ =	strace $0x9000004E  }
0xb7: {  	_ =	sfence  }
0xb8: {  	s30 =	sld [smem:$0x0];
	_ =	sdelay $0x2  }
0xb9: {  	s31 =	sshll.u32 s1, $0xD;
	s1 =	sshrl.u32 s1, $0x2  }
0xba: {  	s3 =	sand.u32 $0x4000, s31;
	s1 =	sadd.s32 s1, s30  }
0xbb: {  	s0 =	sor.u32 s3, s0;
	s1 =	sshll.u32 s1, $0x11  }
0xbc: {  	s0 =	sor.u32 s1, s0  }
0xbd: {  	s0 =	sadd.s32 $0x8F2B, s0  }
0xbe: {  	[sflag:s0] =	ssyncadd.remote.s32 $0x1  }
0xbf: {  	_ =	sfence.sel $0xFFFF  }
0xc0: {  	[dreg:$0x0] =	wrdreg $0xFFFFFFFF;
	(pc) =	sbr.abs _section_cstart, $3  }
0xc1: {  	[dreg:$0x1] =	wrdreg $0xFFFFFFFF  }
0xc2: {  	_ =	task.clear_ibuf [dreg:s6], $0x2FFFF;
	_ =	strace $0x9FFFFFFF  }
0xc3: {  	(tm) =	ssettm $0x7FFFFFFF  }
tec
execute0_lowered:
.L_overlay_start_1:
0x0: {  	(tag) =	ssettag $0x1  }
0x1: {  	s0 =	rddreg [dreg:$0x0]  }
0x2: {  	s2 =	rddreg [dreg:$0x1]  }
0x3: {  	s3 =	rddreg [dreg:$0x2];
	s1 =	srdreg.scid  }
0x4: {  	s5 =	stileid.u32;
	s4 =	simm.s32 $0x0;
	s28 =	simm.s32 $0x80  }
0x5: {  	s29 =	simm.s32 $0x4800;
	s30 =	simm.s32 $0x100;
	s31 =	simm.s32 $0x6800  }
0x6: {  	s12 =	simm.s32 $0x2680;
	s14 =	simm.s32 $0x2700;
	s15 =	simm.s32 $0x2780  }
0x7: {  	s1 =	sand.u32 $0x1, s1;
	s6 =	smul.u32 $0x14000, s5;
	[smem:$0x7FF] =	sst s4  }
0x8: {  	s8 =	sshll.u32 s5, $0x1;
	s5 =	sadd.s32 $0x1FA00, s0;
	s9 =	sadd.s32 $0x15A00, s0  }
0x9: {  	s7 =	smul.u32 $0x280000, s1;
	s8 =	sor.u32 s1, s8;
	s1 =	ssub.s32 $0x2, s1  }
0xa: {  	s10 =	sadd.s32 $0xBA00, s0;
	s8 =	smul.u32 $0x2800, s8;
	s16 =	sshrl.u32 s1, $0x1  }
0xb: {  	_ =	strace $0x8000004D;
	s7 =	sadd.s32 s6, s7;
	s1 =	ssub.s32 s1, s16  }
0xc: {  	s6 =	sshrl.u32 s6, $0x1;
	s7 =	sshrl.u32 s7, $0x4;
	s8 =	sshrl.u32 s8, $0x3  }
0xd: {  	s11 =	sadd.s32 s6, s2;
	s13 =	sadd.s32 s6, s3;
	s21 =	sadd.s32 $0x2000, s6  }
0xe: {  	s1 =	smax.u32 s1, $0x1;
	s23 =	sadd.s32 $0x4000, s6;
	s25 =	sadd.s32 $0x6000, s6  }
0xf: {  	s26 =	sadd.s32 $0x8000, s6;
	s17 =	sadd.s32 s9, s8;
	[dreg:$0xa] =	wrdreg s1  }
0x10: {  	s18 =	sadd.s32 $0x280, s8;
	s8 =	sadd.s32 s10, s8;
	[dreg:$0x4] =	wrdreg s17  }
0x11: {  	s6 =	simm.s32 $0x2;
	s22 =	sadd.s32 s21, s2;
	[dreg:$0x5] =	wrdreg s8  }
0x12: {  	s0 =	sadd.s32 s7, s0;
	s24 =	sadd.s32 s23, s2;
	[dreg:$0xb] =	wrdreg s22  }
0x13: {  	s1 =	sadd.s32 s23, s3;
	s23 =	simm.s32 $0x2800;
	[dreg:$0xd] =	wrdreg s24  }
0x14: {  	s19 =	sadd.s32 s9, s18;
	s7 =	sadd.s32 s10, s18;
	[dreg:$0xe] =	wrdreg s1  }
0x15: {  	s20 =	sadd.s32 $0x33400, s0;
	s0 =	sadd.s32 $0x47400, s0;
	[dreg:$0x6] =	wrdreg s19  }
0x16: {  	s22 =	sadd.s32 s26, s3;
	s24 =	simm.s32 $0x5;
	[dreg:$0x7] =	wrdreg s7  }
0x17: {  	s1 =	simm.s32 $0x8800;
	s8 =	simm.s32 $0x4;
	[dreg:$0x8] =	wrdreg s20  }
0x18: {  	s9 =	simm.s32 $0x2600;
	s10 =	simm.s32 $0x1380;
	[dreg:$0x9] =	wrdreg s0  }
0x19: {  	s0 =	sadd.s32 s21, s3;
	s19 =	sadd.s32 s25, s2;
	s20 =	sadd.s32 s25, s3  }
0x1a: {  	s21 =	sadd.s32 s26, s2;
	s25 =	simm.s32 $0x1400;
	s26 =	simm.s32 $0x7D  }
0x1b: {  	v0 =	vimm.bf16 $0.0e+00;
	s7 =	simm.s32 $0x3;
	[dreg:$0xc] =	wrdreg s0;
	s0 =	simm.s32 $0x1  }
.LBB2_1:
0x1c: {  	s17 =	simm.s32 $0x100;
	s16 =	simm.s32 $0x0  }
.LBB2_2:
0x1d: {  	p0 =	sne.s32 s17, $0x7F00;
	[tilespmem:s16+$0x2830] =	vst v0;
	s18 =	smov.u32 s17;
	s17 =	sadd.s32 $0x100, s17  }
.Ltmp0:
0x1e: {  	[tilespmem:s16+$0x2820] =	vst v0;
	(pc) =	sbr.rel @p0 .LBB2_2-.Ltmp0, $3  }
0x1f: {  	[tilespmem:s16+$0x2800] =	vst v0  }
0x20: {  	[tilespmem:s16+$0x2810] =	vst v0;
	_ =	sdelay $0x1  }
0x21: {  	s16 =	sshra.s32 s18, $0x2  }
0x22: {  	[tilespmem:s16+$0x2830] =	vst v0  }
0x23: {  	[tilespmem:s16+$0x2820] =	vst v0  }
0x24: {  	[tilespmem:s16+$0x2800] =	vst v0  }
0x25: {  	[tilespmem:s16+$0x2810] =	vst v0  }
0x26: {  	[spmem:s11] =	stream.linear.scatter [tilespmem:s23], [sflag:$0x5], $0x2000, $0x38;
	[tilespmem:$0x1E800] =	vst v63  }
0x27: {  	_ =	swait.ge [sflag:s24], $0x2000  }
0x28: {  	[sflag:s24] =	ssyncset.done $0x0  }
0x29: {  	[sflag:s24] =	ssyncadd.s32 $0xFFFFE000  }
0x2a: {  	[spmem:s13] =	stream.linear.scatter [tilespmem:s23], [sflag:$0x5], $0x2000, $0x38;
	[tilespmem:$0x1E800] =	vst v63  }
0x2b: {  	_ =	swait.ge [sflag:s24], $0x2000  }
0x2c: {  	[sflag:s24] =	ssyncset.done $0x0  }
0x2d: {  	s18 =	rddreg [dreg:$0xb];
	[sflag:s24] =	ssyncadd.s32 $0xFFFFE000  }
0x2e: {  	[spmem:s18] =	stream.linear.scatter [tilespmem:s23], [sflag:$0x5], $0x2000, $0x38;
	[tilespmem:$0x1E800] =	vst v63  }
0x2f: {  	_ =	swait.ge [sflag:s24], $0x2000  }
0x30: {  	[sflag:s24] =	ssyncset.done $0x0  }
0x31: {  	s17 =	rddreg [dreg:$0xc];
	[sflag:s24] =	ssyncadd.s32 $0xFFFFE000  }
0x32: {  	[spmem:s17] =	stream.linear.scatter [tilespmem:s23], [sflag:$0x5], $0x2000, $0x38;
	[tilespmem:$0x1E800] =	vst v63  }
0x33: {  	_ =	swait.ge [sflag:s24], $0x2000  }
0x34: {  	[sflag:s24] =	ssyncset.done $0x0  }
0x35: {  	s18 =	rddreg [dreg:$0xd];
	[sflag:s24] =	ssyncadd.s32 $0xFFFFE000  }
0x36: {  	[spmem:s18] =	stream.linear.scatter [tilespmem:s23], [sflag:$0x5], $0x2000, $0x38;
	[tilespmem:$0x1E800] =	vst v63  }
0x37: {  	_ =	swait.ge [sflag:s24], $0x2000  }
0x38: {  	[sflag:s24] =	ssyncset.done $0x0  }
0x39: {  	s17 =	rddreg [dreg:$0xe];
	[sflag:s24] =	ssyncadd.s32 $0xFFFFE000  }
0x3a: {  	[spmem:s17] =	stream.linear.scatter [tilespmem:s23], [sflag:$0x5], $0x2000, $0x38;
	[tilespmem:$0x1E800] =	vst v63  }
0x3b: {  	_ =	swait.ge [sflag:s24], $0x2000  }
0x3c: {  	[sflag:s24] =	ssyncset.done $0x0  }
0x3d: {  	[sflag:s24] =	ssyncadd.s32 $0xFFFFE000  }
0x3e: {  	[spmem:s19] =	stream.linear.scatter [tilespmem:s23], [sflag:$0x5], $0x2000, $0x38;
	[tilespmem:$0x1E800] =	vst v63  }
0x3f: {  	_ =	swait.ge [sflag:s24], $0x2000  }
0x40: {  	[sflag:s24] =	ssyncset.done $0x0  }
0x41: {  	[sflag:s24] =	ssyncadd.s32 $0xFFFFE000  }
0x42: {  	[spmem:s20] =	stream.linear.scatter [tilespmem:s23], [sflag:$0x5], $0x2000, $0x38;
	[tilespmem:$0x1E800] =	vst v63  }
0x43: {  	_ =	swait.ge [sflag:s24], $0x2000  }
0x44: {  	[sflag:s24] =	ssyncset.done $0x0  }
0x45: {  	[sflag:s24] =	ssyncadd.s32 $0xFFFFE000  }
0x46: {  	[spmem:s21] =	stream.linear.scatter [tilespmem:s23], [sflag:$0x5], $0x2000, $0x38;
	[tilespmem:$0x1E800] =	vst v63  }
0x47: {  	_ =	swait.ge [sflag:s24], $0x2000  }
0x48: {  	[sflag:s24] =	ssyncset.done $0x0  }
0x49: {  	[sflag:s24] =	ssyncadd.s32 $0xFFFFE000  }
0x4a: {  	[spmem:s22] =	stream.linear.scatter [tilespmem:s23], [sflag:$0x5], $0x2000, $0x38;
	[tilespmem:$0x1E800] =	vst v63  }
0x4b: {  	_ =	swait.ge [sflag:s24], $0x2000  }
0x4c: {  	[sflag:s24] =	ssyncset.done $0x0  }
0x4d: {  	[sflag:s24] =	ssyncadd.s32 $0xFFFFE000  }
0x4e: {  	[bflag:$0x0] =	sbarrier.arrive $0xFFFF  }
0x4f: {  	s16 =	simm.s32 $0x0;
	s17 =	rddreg [dreg:$0x4]  }
0x50: {  	[tilespmem:s16], [sflag:$0x5] =	stream.linear.gather [hbm4b:s17+s16], $0x1400, $0x38;
	[tilespmem:$0x1E800] =	vst v63  }
0x51: {  	_ =	swait.ge [sflag:s24], $0x1400  }
0x52: {  	[sflag:s24] =	ssyncset.done $0x0  }
0x53: {  	s18 =	rddreg [dreg:$0x5];
	[sflag:s24] =	ssyncadd.s32 $0xFFFFEC00  }
0x54: {  	[tilespmem:s25], [sflag:$0x5] =	stream.linear.gather [hbm4b:s18+s16], $0x1400, $0x38;
	[tilespmem:$0x1E800] =	vst v63  }
0x55: {  	_ =	swait.ge [sflag:s24], $0x1400  }
0x56: {  	[sflag:s24] =	ssyncset.done $0x0  }
0x57: {  	[sflag:s24] =	ssyncadd.s32 $0xFFFFEC00  }
0x58: {  	[tilespmem:s23], [sflag:$0x1] =	stream.indirect.gather [hbm4b:s5+s26], $0x40, s16, s26, $0xb8;
	[tilespmem:$0x1E800] =	vst v63  }
0x59: {  	_ = 	snop  }
0x5a: {  	[tilespmem:s29], [sflag:$0x2] =	stream.indirect.gather [hbm4b:s5+s26], $0x40, s28, s26, $0xb8;
	[tilespmem:$0x1E800] =	vst v63  }
0x5b: {  	_ = 	snop  }
0x5c: {  	[tilespmem:s31], [sflag:$0x3] =	stream.indirect.gather [hbm4b:s5+s26], $0x40, s30, s26, $0xb8;
	[tilespmem:$0x1E800] =	vst v63  }
0x5d: {  	_ =	swait.ge [sflag:s0], $0x1F40  }
0x5e: {  	[sflag:s0] =	ssyncset.done $0x0  }
0x5f: {  	s18 =	simm.s32 $0x1400;
	[sflag:s0] =	ssyncadd.s32 $0xFFFFE0C0  }
0x60: {  	[spmem:s2] =	stream.indirect.scatter.add.bf16 [tilespmem:s23], [sflag:$0x5], $0x40, s18, s26, $0xb8;
	[tilespmem:$0x1E800] =	vst v63  }
0x61: {  	_ =	swait.ge [sflag:s24], $0x1F40  }
0x62: {  	[sflag:s24] =	ssyncset.done $0x0  }
0x63: {  	s17 =	simm.s32 $0x180;
	[sflag:s24] =	ssyncadd.s32 $0xFFFFE0C0  }
0x64: {  	[tilespmem:s1], [sflag:$0x4] =	stream.indirect.gather [hbm4b:s5+s26], $0x40, s17, s26, $0xb8;
	[tilespmem:$0x1E800] =	vst v63  }
0x65: {  	_ =	swait.ge [sflag:s6], $0x1F40  }
0x66: {  	[sflag:s6] =	ssyncset.done $0x0  }
0x67: {  	s18 =	simm.s32 $0x1480;
	[sflag:s6] =	ssyncadd.s32 $0xFFFFE0C0  }
0x68: {  	[spmem:s2] =	stream.indirect.scatter.add.bf16 [tilespmem:s29], [sflag:$0x5], $0x40, s18, s26, $0xb8;
	[tilespmem:$0x1E800] =	vst v63  }
0x69: {  	_ =	swait.ge [sflag:s24], $0x1F40  }
0x6a: {  	[sflag:s24] =	ssyncset.done $0x0  }
0x6b: {  	s17 =	simm.s32 $0x200;
	[sflag:s24] =	ssyncadd.s32 $0xFFFFE0C0  }
0x6c: {  	[tilespmem:s23], [sflag:$0x1] =	stream.indirect.gather [hbm4b:s5+s26], $0x40, s17, s26, $0xb8;
	[tilespmem:$0x1E800] =	vst v63  }
0x6d: {  	_ =	swait.ge [sflag:s7], $0x1F40  }
0x6e: {  	[sflag:s7] =	ssyncset.done $0x0  }
0x6f: {  	s18 =	simm.s32 $0x1500;
	[sflag:s7] =	ssyncadd.s32 $0xFFFFE0C0  }
0x70: {  	[spmem:s2] =	stream.indirect.scatter.add.bf16 [tilespmem:s31], [sflag:$0x5], $0x40, s18, s26, $0xb8;
	[tilespmem:$0x1E800] =	vst v63  }
0x71: {  	_ =	swait.ge [sflag:s24], $0x1F40  }
0x72: {  	[sflag:s24] =	ssyncset.done $0x0  }
0x73: {  	s17 =	simm.s32 $0x280;
	[sflag:s24] =	ssyncadd.s32 $0xFFFFE0C0  }
0x74: {  	[tilespmem:s29], [sflag:$0x2] =	stream.indirect.gather [hbm4b:s5+s26], $0x40, s17, s26, $0xb8;
	[tilespmem:$0x1E800] =	vst v63  }
0x75: {  	_ =	swait.ge [sflag:s8], $0x1F40  }
0x76: {  	[sflag:s8] =	ssyncset.done $0x0  }
0x77: {  	s18 =	simm.s32 $0x1580;
	[sflag:s8] =	ssyncadd.s32 $0xFFFFE0C0  }
0x78: {  	[spmem:s2] =	stream.indirect.scatter.add.bf16 [tilespmem:s1], [sflag:$0x5], $0x40, s18, s26, $0xb8;
	[tilespmem:$0x1E800] =	vst v63  }
0x79: {  	_ =	swait.ge [sflag:s24], $0x1F40  }
0x7a: {  	[sflag:s24] =	ssyncset.done $0x0  }
0x7b: {  	s16 =	simm.s32 $0x800;
	s17 =	simm.s32 $0x300;
	[sflag:s24] =	ssyncadd.s32 $0xFFFFE0C0  }
.LBB2_4:
0x7c: {  	[tilespmem:s31], [sflag:$0x3] =	stream.indirect.gather [hbm4b:s5+s26], $0x40, s17, s26, $0xb8;
	[tilespmem:$0x1E800] =	vst v63  }
0x7d: {  	s17 =	smov.u32 s16  }
0x7e: {  	p0 =	sne.s32 s16, $0x4000;
	s16 =	sadd.s32 $0x800, s16;
	_ =	swait.ge [sflag:s0], $0x1F40  }
0x7f: {  	s17 =	sshra.s32 s17, $0x2;
	[sflag:s0] =	ssyncset.done $0x0  }
0x80: {  	s18 =	sadd.s32 $0x1400, s17;
	[sflag:s0] =	ssyncadd.s32 $0xFFFFE0C0  }
0x81: {  	[spmem:s2] =	stream.indirect.scatter.add.bf16 [tilespmem:s23], [sflag:$0x5], $0x40, s18, s26, $0xb8;
	[tilespmem:$0x1E800] =	vst v63  }
0x82: {  	_ =	swait.ge [sflag:s24], $0x1F40  }
0x83: {  	[sflag:s24] =	ssyncset.done $0x0  }
0x84: {  	s18 =	sadd.s32 $0x180, s17;
	[sflag:s24] =	ssyncadd.s32 $0xFFFFE0C0  }
0x85: {  	[tilespmem:s1], [sflag:$0x4] =	stream.indirect.gather [hbm4b:s5+s26], $0x40, s18, s26, $0xb8;
	[tilespmem:$0x1E800] =	vst v63  }
0x86: {  	_ =	swait.ge [sflag:s6], $0x1F40  }
0x87: {  	[sflag:s6] =	ssyncset.done $0x0  }
0x88: {  	s18 =	sadd.s32 $0x1480, s17;
	[sflag:s6] =	ssyncadd.s32 $0xFFFFE0C0  }
0x89: {  	[spmem:s2] =	stream.indirect.scatter.add.bf16 [tilespmem:s29], [sflag:$0x5], $0x40, s18, s26, $0xb8;
	[tilespmem:$0x1E800] =	vst v63  }
0x8a: {  	_ =	swait.ge [sflag:s24], $0x1F40  }
0x8b: {  	[sflag:s24] =	ssyncset.done $0x0  }
0x8c: {  	s18 =	sadd.s32 $0x200, s17;
	[sflag:s24] =	ssyncadd.s32 $0xFFFFE0C0  }
0x8d: {  	[tilespmem:s23], [sflag:$0x1] =	stream.indirect.gather [hbm4b:s5+s26], $0x40, s18, s26, $0xb8;
	[tilespmem:$0x1E800] =	vst v63  }
0x8e: {  	_ =	swait.ge [sflag:s7], $0x1F40  }
0x8f: {  	[sflag:s7] =	ssyncset.done $0x0  }
0x90: {  	s18 =	sadd.s32 $0x1500, s17;
	[sflag:s7] =	ssyncadd.s32 $0xFFFFE0C0  }
0x91: {  	[spmem:s2] =	stream.indirect.scatter.add.bf16 [tilespmem:s31], [sflag:$0x5], $0x40, s18, s26, $0xb8;
	[tilespmem:$0x1E800] =	vst v63  }
0x92: {  	_ =	swait.ge [sflag:s24], $0x1F40  }
0x93: {  	[sflag:s24] =	ssyncset.done $0x0  }
0x94: {  	s18 =	sadd.s32 $0x280, s17;
	[sflag:s24] =	ssyncadd.s32 $0xFFFFE0C0  }
0x95: {  	[tilespmem:s29], [sflag:$0x2] =	stream.indirect.gather [hbm4b:s5+s26], $0x40, s18, s26, $0xb8;
	[tilespmem:$0x1E800] =	vst v63  }
0x96: {  	_ =	swait.ge [sflag:s8], $0x1F40  }
0x97: {  	[sflag:s8] =	ssyncset.done $0x0  }
.Ltmp1:
0x98: {  	s18 =	sadd.s32 $0x1580, s17;
	[sflag:s8] =	ssyncadd.s32 $0xFFFFE0C0;
	(pc) =	sbr.rel @p0 .LBB2_4-.Ltmp1, $4  }
0x99: {  	[spmem:s2] =	stream.indirect.scatter.add.bf16 [tilespmem:s1], [sflag:$0x5], $0x40, s18, s26, $0xb8;
	[tilespmem:$0x1E800] =	vst v63  }
0x9a: {  	_ =	swait.ge [sflag:s24], $0x1F40  }
0x9b: {  	[sflag:s24] =	ssyncset.done $0x0  }
0x9c: {  	s17 =	sadd.s32 $0x300, s17;
	[sflag:s24] =	ssyncadd.s32 $0xFFFFE0C0  }
0x9d: {  	[tilespmem:s31], [sflag:$0x3] =	stream.indirect.gather [hbm4b:s5+s26], $0x40, s17, s26, $0xb8;
	[tilespmem:$0x1E800] =	vst v63  }
0x9e: {  	_ =	swait.ge [sflag:s0], $0x1F40  }
0x9f: {  	[sflag:s0] =	ssyncset.done $0x0  }
0xa0: {  	[sflag:s0] =	ssyncadd.s32 $0xFFFFE0C0  }
0xa1: {  	[spmem:s2] =	stream.indirect.scatter.add.bf16 [tilespmem:s23], [sflag:$0x5], $0x40, s9, s26, $0xb8;
	[tilespmem:$0x1E800] =	vst v63  }
0xa2: {  	_ =	swait.ge [sflag:s24], $0x1F40  }
0xa3: {  	[sflag:s24] =	ssyncset.done $0x0  }
0xa4: {  	[sflag:s24] =	ssyncadd.s32 $0xFFFFE0C0  }
0xa5: {  	[tilespmem:s1], [sflag:$0x4] =	stream.indirect.gather [hbm4b:s5+s26], $0x40, s10, s26, $0xb8;
	[tilespmem:$0x1E800] =	vst v63  }
0xa6: {  	_ =	swait.ge [sflag:s6], $0x1F40  }
0xa7: {  	[sflag:s6] =	ssyncset.done $0x0  }
0xa8: {  	[sflag:s6] =	ssyncadd.s32 $0xFFFFE0C0  }
0xa9: {  	[spmem:s2] =	stream.indirect.scatter.add.bf16 [tilespmem:s29], [sflag:$0x5], $0x40, s12, s26, $0xb8;
	[tilespmem:$0x1E800] =	vst v63  }
0xaa: {  	_ =	swait.ge [sflag:s24], $0x1F40  }
0xab: {  	[sflag:s24] =	ssyncset.done $0x0  }
0xac: {  	[sflag:s24] =	ssyncadd.s32 $0xFFFFE0C0  }
0xad: {  	_ =	swait.ge [sflag:s7], $0x1F40  }
0xae: {  	[sflag:s7] =	ssyncset.done $0x0  }
0xaf: {  	[sflag:s7] =	ssyncadd.s32 $0xFFFFE0C0  }
0xb0: {  	[spmem:s2] =	stream.indirect.scatter.add.bf16 [tilespmem:s31], [sflag:$0x5], $0x40, s14, s26, $0xb8;
	[tilespmem:$0x1E800] =	vst v63  }
0xb1: {  	_ =	swait.ge [sflag:s24], $0x1F40  }
0xb2: {  	[sflag:s24] =	ssyncset.done $0x0  }
0xb3: {  	[sflag:s24] =	ssyncadd.s32 $0xFFFFE0C0  }
0xb4: {  	_ =	swait.ge [sflag:s8], $0x1F40  }
0xb5: {  	[sflag:s8] =	ssyncset.done $0x0  }
0xb6: {  	[sflag:s8] =	ssyncadd.s32 $0xFFFFE0C0  }
0xb7: {  	[spmem:s2] =	stream.indirect.scatter.add.bf16 [tilespmem:s1], [sflag:$0x5], $0x40, s15, s26, $0xb8;
	[tilespmem:$0x1E800] =	vst v63  }
0xb8: {  	_ =	swait.ge [sflag:s24], $0x1F40  }
0xb9: {  	[sflag:s24] =	ssyncset.done $0x0  }
0xba: {  	s16 =	simm.s32 $0x0;
	s18 =	rddreg [dreg:$0x6];
	[sflag:s24] =	ssyncadd.s32 $0xFFFFE0C0  }
0xbb: {  	[tilespmem:s16], [sflag:$0x5] =	stream.linear.gather [hbm4b:s18+s16], $0x1400, $0x38;
	[tilespmem:$0x1E800] =	vst v63  }
0xbc: {  	_ =	swait.ge [sflag:s24], $0x1400  }
0xbd: {  	[sflag:s24] =	ssyncset.done $0x0  }
0xbe: {  	s18 =	rddreg [dreg:$0x7];
	[sflag:s24] =	ssyncadd.s32 $0xFFFFEC00  }
0xbf: {  	[tilespmem:s25], [sflag:$0x5] =	stream.linear.gather [hbm4b:s18+s16], $0x1400, $0x38;
	[tilespmem:$0x1E800] =	vst v63  }
0xc0: {  	_ =	swait.ge [sflag:s24], $0x1400  }
0xc1: {  	[sflag:s24] =	ssyncset.done $0x0  }
0xc2: {  	[sflag:s24] =	ssyncadd.s32 $0xFFFFEC00  }
0xc3: {  	[tilespmem:s23], [sflag:$0x1] =	stream.indirect.gather [hbm4b:s5+s26], $0x40, s16, s26, $0xb8;
	[tilespmem:$0x1E800] =	vst v63  }
0xc4: {  	_ = 	snop  }
0xc5: {  	[tilespmem:s29], [sflag:$0x2] =	stream.indirect.gather [hbm4b:s5+s26], $0x40, s28, s26, $0xb8;
	[tilespmem:$0x1E800] =	vst v63  }
0xc6: {  	_ = 	snop  }
0xc7: {  	[tilespmem:s31], [sflag:$0x3] =	stream.indirect.gather [hbm4b:s5+s26], $0x40, s30, s26, $0xb8;
	[tilespmem:$0x1E800] =	vst v63  }
0xc8: {  	_ =	swait.ge [sflag:s0], $0x1F40  }
0xc9: {  	[sflag:s0] =	ssyncset.done $0x0  }
0xca: {  	s18 =	simm.s32 $0x1400;
	[sflag:s0] =	ssyncadd.s32 $0xFFFFE0C0  }
0xcb: {  	[spmem:s3] =	stream.indirect.scatter.add.bf16 [tilespmem:s23], [sflag:$0x5], $0x40, s18, s26, $0xb8;
	[tilespmem:$0x1E800] =	vst v63  }
0xcc: {  	_ =	swait.ge [sflag:s24], $0x1F40  }
0xcd: {  	[sflag:s24] =	ssyncset.done $0x0  }
0xce: {  	s17 =	simm.s32 $0x180;
	[sflag:s24] =	ssyncadd.s32 $0xFFFFE0C0  }
0xcf: {  	[tilespmem:s1], [sflag:$0x4] =	stream.indirect.gather [hbm4b:s5+s26], $0x40, s17, s26, $0xb8;
	[tilespmem:$0x1E800] =	vst v63  }
0xd0: {  	_ =	swait.ge [sflag:s6], $0x1F40  }
0xd1: {  	[sflag:s6] =	ssyncset.done $0x0  }
0xd2: {  	s18 =	simm.s32 $0x1480;
	[sflag:s6] =	ssyncadd.s32 $0xFFFFE0C0  }
0xd3: {  	[spmem:s3] =	stream.indirect.scatter.add.bf16 [tilespmem:s29], [sflag:$0x5], $0x40, s18, s26, $0xb8;
	[tilespmem:$0x1E800] =	vst v63  }
0xd4: {  	_ =	swait.ge [sflag:s24], $0x1F40  }
0xd5: {  	[sflag:s24] =	ssyncset.done $0x0  }
0xd6: {  	s17 =	simm.s32 $0x200;
	[sflag:s24] =	ssyncadd.s32 $0xFFFFE0C0  }
0xd7: {  	[tilespmem:s23], [sflag:$0x1] =	stream.indirect.gather [hbm4b:s5+s26], $0x40, s17, s26, $0xb8;
	[tilespmem:$0x1E800] =	vst v63  }
0xd8: {  	_ =	swait.ge [sflag:s7], $0x1F40  }
0xd9: {  	[sflag:s7] =	ssyncset.done $0x0  }
0xda: {  	s18 =	simm.s32 $0x1500;
	[sflag:s7] =	ssyncadd.s32 $0xFFFFE0C0  }
0xdb: {  	[spmem:s3] =	stream.indirect.scatter.add.bf16 [tilespmem:s31], [sflag:$0x5], $0x40, s18, s26, $0xb8;
	[tilespmem:$0x1E800] =	vst v63  }
0xdc: {  	_ =	swait.ge [sflag:s24], $0x1F40  }
0xdd: {  	[sflag:s24] =	ssyncset.done $0x0  }
0xde: {  	s17 =	simm.s32 $0x280;
	[sflag:s24] =	ssyncadd.s32 $0xFFFFE0C0  }
0xdf: {  	[tilespmem:s29], [sflag:$0x2] =	stream.indirect.gather [hbm4b:s5+s26], $0x40, s17, s26, $0xb8;
	[tilespmem:$0x1E800] =	vst v63  }
0xe0: {  	_ =	swait.ge [sflag:s8], $0x1F40  }
0xe1: {  	[sflag:s8] =	ssyncset.done $0x0  }
0xe2: {  	s18 =	simm.s32 $0x1580;
	[sflag:s8] =	ssyncadd.s32 $0xFFFFE0C0  }
0xe3: {  	[spmem:s3] =	stream.indirect.scatter.add.bf16 [tilespmem:s1], [sflag:$0x5], $0x40, s18, s26, $0xb8;
	[tilespmem:$0x1E800] =	vst v63  }
0xe4: {  	_ =	swait.ge [sflag:s24], $0x1F40  }
0xe5: {  	[sflag:s24] =	ssyncset.done $0x0  }
0xe6: {  	s16 =	simm.s32 $0x800;
	s17 =	simm.s32 $0x300;
	[sflag:s24] =	ssyncadd.s32 $0xFFFFE0C0  }
.LBB2_6:
0xe7: {  	[tilespmem:s31], [sflag:$0x3] =	stream.indirect.gather [hbm4b:s5+s26], $0x40, s17, s26, $0xb8;
	[tilespmem:$0x1E800] =	vst v63  }
0xe8: {  	s17 =	smov.u32 s16  }
0xe9: {  	p0 =	sne.s32 s16, $0x4000;
	s16 =	sadd.s32 $0x800, s16;
	_ =	swait.ge [sflag:s0], $0x1F40  }
0xea: {  	s17 =	sshra.s32 s17, $0x2;
	[sflag:s0] =	ssyncset.done $0x0  }
0xeb: {  	s18 =	sadd.s32 $0x1400, s17;
	[sflag:s0] =	ssyncadd.s32 $0xFFFFE0C0  }
0xec: {  	[spmem:s3] =	stream.indirect.scatter.add.bf16 [tilespmem:s23], [sflag:$0x5], $0x40, s18, s26, $0xb8;
	[tilespmem:$0x1E800] =	vst v63  }
0xed: {  	_ =	swait.ge [sflag:s24], $0x1F40  }
0xee: {  	[sflag:s24] =	ssyncset.done $0x0  }
0xef: {  	s18 =	sadd.s32 $0x180, s17;
	[sflag:s24] =	ssyncadd.s32 $0xFFFFE0C0  }
0xf0: {  	[tilespmem:s1], [sflag:$0x4] =	stream.indirect.gather [hbm4b:s5+s26], $0x40, s18, s26, $0xb8;
	[tilespmem:$0x1E800] =	vst v63  }
0xf1: {  	_ =	swait.ge [sflag:s6], $0x1F40  }
0xf2: {  	[sflag:s6] =	ssyncset.done $0x0  }
0xf3: {  	s18 =	sadd.s32 $0x1480, s17;
	[sflag:s6] =	ssyncadd.s32 $0xFFFFE0C0  }
0xf4: {  	[spmem:s3] =	stream.indirect.scatter.add.bf16 [tilespmem:s29], [sflag:$0x5], $0x40, s18, s26, $0xb8;
	[tilespmem:$0x1E800] =	vst v63  }
0xf5: {  	_ =	swait.ge [sflag:s24], $0x1F40  }
0xf6: {  	[sflag:s24] =	ssyncset.done $0x0  }
0xf7: {  	s18 =	sadd.s32 $0x200, s17;
	[sflag:s24] =	ssyncadd.s32 $0xFFFFE0C0  }
0xf8: {  	[tilespmem:s23], [sflag:$0x1] =	stream.indirect.gather [hbm4b:s5+s26], $0x40, s18, s26, $0xb8;
	[tilespmem:$0x1E800] =	vst v63  }
0xf9: {  	_ =	swait.ge [sflag:s7], $0x1F40  }
0xfa: {  	[sflag:s7] =	ssyncset.done $0x0  }
0xfb: {  	s18 =	sadd.s32 $0x1500, s17;
	[sflag:s7] =	ssyncadd.s32 $0xFFFFE0C0  }
0xfc: {  	[spmem:s3] =	stream.indirect.scatter.add.bf16 [tilespmem:s31], [sflag:$0x5], $0x40, s18, s26, $0xb8;
	[tilespmem:$0x1E800] =	vst v63  }
0xfd: {  	_ =	swait.ge [sflag:s24], $0x1F40  }
0xfe: {  	[sflag:s24] =	ssyncset.done $0x0  }
0xff: {  	s18 =	sadd.s32 $0x280, s17;
	[sflag:s24] =	ssyncadd.s32 $0xFFFFE0C0  }
0x100: {  	[tilespmem:s29], [sflag:$0x2] =	stream.indirect.gather [hbm4b:s5+s26], $0x40, s18, s26, $0xb8;
	[tilespmem:$0x1E800] =	vst v63  }
0x101: {  	_ =	swait.ge [sflag:s8], $0x1F40  }
0x102: {  	[sflag:s8] =	ssyncset.done $0x0  }
.Ltmp2:
0x103: {  	s18 =	sadd.s32 $0x1580, s17;
	[sflag:s8] =	ssyncadd.s32 $0xFFFFE0C0;
	(pc) =	sbr.rel @p0 .LBB2_6-.Ltmp2, $4  }
0x104: {  	[spmem:s3] =	stream.indirect.scatter.add.bf16 [tilespmem:s1], [sflag:$0x5], $0x40, s18, s26, $0xb8;
	[tilespmem:$0x1E800] =	vst v63  }
0x105: {  	_ =	swait.ge [sflag:s24], $0x1F40  }
0x106: {  	[sflag:s24] =	ssyncset.done $0x0  }
0x107: {  	s17 =	sadd.s32 $0x300, s17;
	[sflag:s24] =	ssyncadd.s32 $0xFFFFE0C0  }
0x108: {  	[tilespmem:s31], [sflag:$0x3] =	stream.indirect.gather [hbm4b:s5+s26], $0x40, s17, s26, $0xb8;
	[tilespmem:$0x1E800] =	vst v63  }
0x109: {  	_ =	swait.ge [sflag:s0], $0x1F40  }
0x10a: {  	[sflag:s0] =	ssyncset.done $0x0  }
0x10b: {  	[sflag:s0] =	ssyncadd.s32 $0xFFFFE0C0  }
0x10c: {  	[spmem:s3] =	stream.indirect.scatter.add.bf16 [tilespmem:s23], [sflag:$0x5], $0x40, s9, s26, $0xb8;
	[tilespmem:$0x1E800] =	vst v63  }
0x10d: {  	_ =	swait.ge [sflag:s24], $0x1F40  }
0x10e: {  	[sflag:s24] =	ssyncset.done $0x0  }
0x10f: {  	[sflag:s24] =	ssyncadd.s32 $0xFFFFE0C0  }
0x110: {  	[tilespmem:s1], [sflag:$0x4] =	stream.indirect.gather [hbm4b:s5+s26], $0x40, s10, s26, $0xb8;
	[tilespmem:$0x1E800] =	vst v63  }
0x111: {  	_ =	swait.ge [sflag:s6], $0x1F40  }
0x112: {  	[sflag:s6] =	ssyncset.done $0x0  }
0x113: {  	[sflag:s6] =	ssyncadd.s32 $0xFFFFE0C0  }
0x114: {  	[spmem:s3] =	stream.indirect.scatter.add.bf16 [tilespmem:s29], [sflag:$0x5], $0x40, s12, s26, $0xb8;
	[tilespmem:$0x1E800] =	vst v63  }
0x115: {  	_ =	swait.ge [sflag:s24], $0x1F40  }
0x116: {  	[sflag:s24] =	ssyncset.done $0x0  }
0x117: {  	[sflag:s24] =	ssyncadd.s32 $0xFFFFE0C0  }
0x118: {  	_ =	swait.ge [sflag:s7], $0x1F40  }
0x119: {  	[sflag:s7] =	ssyncset.done $0x0  }
0x11a: {  	[sflag:s7] =	ssyncadd.s32 $0xFFFFE0C0  }
0x11b: {  	[spmem:s3] =	stream.indirect.scatter.add.bf16 [tilespmem:s31], [sflag:$0x5], $0x40, s14, s26, $0xb8;
	[tilespmem:$0x1E800] =	vst v63  }
0x11c: {  	_ =	swait.ge [sflag:s24], $0x1F40  }
0x11d: {  	[sflag:s24] =	ssyncset.done $0x0  }
0x11e: {  	[sflag:s24] =	ssyncadd.s32 $0xFFFFE0C0  }
0x11f: {  	_ =	swait.ge [sflag:s8], $0x1F40  }
0x120: {  	[sflag:s8] =	ssyncset.done $0x0  }
0x121: {  	[sflag:s8] =	ssyncadd.s32 $0xFFFFE0C0  }
0x122: {  	[spmem:s3] =	stream.indirect.scatter.add.bf16 [tilespmem:s1], [sflag:$0x5], $0x40, s15, s26, $0xb8;
	[tilespmem:$0x1E800] =	vst v63  }
0x123: {  	_ =	swait.ge [sflag:s24], $0x1F40  }
0x124: {  	[sflag:s24] =	ssyncset.done $0x0  }
0x125: {  	s16 =	stileid.u32;
	[sflag:s24] =	ssyncadd.s32 $0xFFFFE0C0  }
0x126: {  	s16 =	sshll.u32 s16, $0x6;
	[bflag:$0x0] =	sbarrier.arrive $0xFFFF  }
0x127: {  	s17 =	sshrl.u32 s11, $0x3;
	s16 =	sor.u32 $0x1C05, s16;
	s18 =	rddreg [dreg:$0x8]  }
0x128: {  	[hbm:s18], [sflag:s16] =	dma.local [spmem:s17], $0x1400  }
0x129: {  	_ =	swait.ge [sflag:s24], $0x1400  }
0x12a: {  	[sflag:s24] =	ssyncset.done $0x0  }
0x12b: {  	s17 =	sshrl.u32 s13, $0x3;
	s18 =	rddreg [dreg:$0x9];
	[sflag:s24] =	ssyncadd.s32 $0xFFFFEC00  }
0x12c: {  	[hbm:s18], [sflag:s16] =	dma.local [spmem:s17], $0x1400  }
0x12d: {  	_ =	swait.ge [sflag:s24], $0x1400  }
0x12e: {  	s4 =	sadd.s32 $0x1, s4;
	s18 =	rddreg [dreg:$0xa]  }
0x12f: {  	p0 =	sne.s32 s4, s18  }
.Ltmp3:
0x130: {  	_ = 	snop;
	(pc) =	sbr.rel @p0 .LBB2_1-.Ltmp3, $3  }
0x131: {  	_ =	sdelay $0x1  }
0x132: {  	[sflag:s24] =	ssyncset.done $0x0  }
0x133: {  	[sflag:s24] =	ssyncadd.s32 $0xFFFFEC00  }
0x134: {  	_ =	sfence.sel $0x180000  }
0x135: {  	[bflag:$0x0] =	sbarrier.arrive $0xFFFF  }
0x136: {  	_ =	strace $0x9000004D  }
0x137: {  	s0 =	stileid.u32;
	[bflag:$0x2] =	sbarrier.arrive $0xFFFF  }
0x138: {  	p0 =	sne.s32 s0, $0x0;
	s0 =	rddreg [dreg:$0x3]  }
0x139: {  	s0 =	sadd.s32 @!p0 $0x100000, s0  }
0x13a: {  	[sflag:s0] =	ssyncadd.tile.s32 @!p0 $0x1;
	_ =	shalt  }
.Lfunc_end2:
_tile_overlayer_lowered:
.L_overlay_start_2:
0x13b: {  	(tag) =	ssettag $0x2  }
0x13c: {  	s0 =	rddreg [dreg:$0x0];
	s2 =	stileid.u32  }
0x13d: {  	s1 =	rddreg [dreg:$0x1];
	p0 =	sne.s32 s2, $0x0  }
0x13e: {  	s3 =	rddreg [dreg:$0x2];
	[bflag:$0x3] =	sbarrier.arrive $0xFFFF;
	s2 =	simm.s32 @!p0 $0x1C05  }
0x13f: {  	[timem:s3], [sflag:s2] =	dma.local @!p0 [hbm:s0], s1  }
0x140: {  	s0 =	simm.s32 @!p0 $0x5  }
0x141: {  	_ =	swait.ge @!p0 [sflag:s0], s1  }
0x142: {  	s1 =	ssub.s32 @!p0 $0x0, s1;
	[sflag:s0] =	ssyncset.done @!p0 $0x0  }
0x143: {  	[sflag:s0] =	ssyncadd.s32 @!p0 s1  }
0x144: {  	[bflag:$0x3] =	sbarrier.arrive $0xFFFF  }
0x145: {  	_ =	shalt  }

// kernel: kernel.8.cloned.1.call-start
scs
__scs_entry_jumppad:
0x0: {  	(pc) =	sbr.rel $0x88, $3  }
0x1: {  	(tag) =	ssettag $0x0;
	lr =	simm.s32 $0x1  }
0x2: {  	[smem:$0x3F99] =	sst lr;
	_ =	strace $0xD0000000  }
0x3: {  	_ = 	snop  }
0x4: {  	_ = 	snop  }
0x5: {  	_ = 	snop  }
0x6: {  	_ = 	snop  }
0x7: {  	_ = 	snop  }
__scs_overlays_trampoline_lowered:
0x8: {  	[smem:$0x3FA8] =	sst s0  }
0x9: {  	[smem:$0x3FA9] =	sst s1  }
0xa: {  	[smem:$0x3FAA] =	sst s2  }
0xb: {  	[smem:$0x3FAB] =	sst s3  }
0xc: {  	[smem:$0x3FAC] =	sst s4  }
0xd: {  	[smem:$0x3FAD] =	sst s5  }
0xe: {  	[smem:$0x3FAE] =	sst s6  }
0xf: {  	[smem:$0x3FAF] =	sst s7  }
0x10: {  	[smem:$0x3FB0] =	sst s8  }
0x11: {  	[smem:$0x3FB1] =	sst s9;
	s0 =	simm.s32 @!p0 $0x0  }
0x12: {  	s1 =	sld [smem:$0x3F97];
	s0 =	simm.s32 @p0 $0x1  }
0x13: {  	[smem:$0x3FB2] =	sst s0;
	s0 =	simm.s32 @!p1 $0x0  }
0x14: {  	s2 =	sld [smem:$0x3F96];
	s0 =	simm.s32 @p1 $0x1  }
0x15: {  	[smem:$0x3FB3] =	sst s0;
	s0 =	simm.s32 @!p2 $0x0  }
0x16: {  	s3 =	sld [smem:$0x3FDB];
	s0 =	simm.s32 @p2 $0x1  }
0x17: {  	s4 =	simm.s32 $0x1BF5;
	[smem:$0x3FB5] =	sst s0  }
0x18: {  	s0 =	sld [smem:$0x3F98];
	_ =	swait.ge [sflag:s4], $0x0  }
0x19: {  	s7 =	sld [smem:$0x3F99]  }
0x1a: {  	s8 =	sadd.s32 $0xFFFFE003, lr  }
0x1b: {  	s9 =	sadd.s32 $0xFFFFFEF7, lr;
	s5 =	simm.s32 $0xFFFFFFFF;
	p2 =	slt.u32 s8, $0xFFFFF086  }
0x1c: {  	p1 =	slt.u32 s9, $0xF7A;
	s5 =	simm.s32 @!p2 $0x0  }
0x1d: {  	s5 =	simm.s32 @p1 $0x1;
	p0 =	seq.s32 s7, s2  }
0x1e: {  	s7 =	smul.u32 @!p0 $0xF7A, s2;
	p2 =	seq.s32 @!p0 s5, $0x0  }
0x1f: {  	s9 =	smul.u32 $0xF7A, s1;
	s8 =	simm.s32 @!p0 $0x1BF5;
	p2 =	por !p2, p0  }
0x20: {  	[sflag:s8] =	ssyncset.s32 @!p0 $0xFFFFF086;
	s6 =	sadd.s32 @!p0 s3, s7;
	s7 =	simm.s32 @!p0 $0x108  }
0x21: {  	s3 =	sadd.s32 s3, s9;
	s6 =	sadd.s32 @!p0 $0x88, s6;
	s7 =	simm.s32 @p2 $0x1082  }
0x22: {  	[simem:s7], [sflag:s8] =	dma.local @!p0 [hbm:s6], $0xF7A  }
0x23: {  	s9 =	sor.u32 $0xD0000000, s2;
	s6 =	simm.s32 $0x108;
	_ =	swait.ge @!p0 [sflag:s8], $0x0  }
0x24: {  	s3 =	sadd.s32 $0x88, s3;
	s6 =	simm.s32 @!p1 $0x1082;
	[sflag:s4] =	ssyncset.s32 $0xFFFFF086  }
0x25: {  	[simem:s6], [sflag:s4] =	dma.local [hbm:s3], $0xF7A  }
0x26: {  	[smem:$0x3F99] =	sst s1;
	(tag) =	ssettag s2;
	_ =	strace s9  }
0x27: {  	s1 =	sld [smem:$0x3FA9]  }
0x28: {  	s2 =	sld [smem:$0x3FAA]  }
0x29: {  	s4 =	sld [smem:$0x3FAC]  }
0x2a: {  	p0 =	seq.s32 s5, $0x0;
	s5 =	sld [smem:$0x3FAD]  }
0x2b: {  	s6 =	sld [smem:$0x3FAE]  }
0x2c: {  	s7 =	sld [smem:$0x3FAF]  }
0x2d: {  	s3 =	simm.s32 $0x108;
	s8 =	sld [smem:$0x3FB0]  }
0x2e: {  	s3 =	simm.s32 @!p0 $0x1082;
	s9 =	sld [smem:$0x3FB1]  }
0x2f: {  	lr =	sadd.s32 s0, s3;
	s0 =	sld [smem:$0x3FA8]  }
0x30: {  	s3 =	sld [smem:$0x3FAB]  }
0x31: {  	[smem:$0x3FB4] =	sst s10  }
0x32: {  	s10 =	sld [smem:$0x3FB2];
	_ =	sdelay $0x3  }
0x33: {  	p0 =	seq.s32 s10, $0x1;
	s10 =	sld [smem:$0x3FB4];
	_ =	sdelay $0x3  }
0x34: {  	[smem:$0x3FB4] =	sst s10  }
0x35: {  	s10 =	sld [smem:$0x3FB3];
	_ =	sdelay $0x3  }
0x36: {  	p1 =	seq.s32 s10, $0x1;
	s10 =	sld [smem:$0x3FB4];
	_ =	sdelay $0x3  }
0x37: {  	[smem:$0x3FB4] =	sst s10  }
0x38: {  	s10 =	sld [smem:$0x3FB5]  }
0x39: {  	_ = 	snop;
	(pc) =	sbr.ind lr, $3  }
0x3a: {  	_ = 	snop  }
0x3b: {  	_ = 	snop  }
0x3c: {  	p2 =	seq.s32 s10, $0x1;
	s10 =	sld [smem:$0x3FB4]  }
0x3d: {  	_ =	shalt  }
0x3e: {  	_ =	shalt  }
0x3f: {  	_ =	shalt  }
0x40: {  	_ =	shalt  }
0x41: {  	_ =	shalt  }
0x42: {  	_ =	shalt  }
0x43: {  	_ =	shalt  }
0x44: {  	_ =	shalt  }
0x45: {  	_ =	shalt  }
0x46: {  	_ =	shalt  }
0x47: {  	_ =	shalt  }
0x48: {  	_ =	shalt  }
0x49: {  	_ =	shalt  }
0x4a: {  	_ =	shalt  }
0x4b: {  	_ =	shalt  }
0x4c: {  	_ =	shalt  }
0x4d: {  	_ =	shalt  }
0x4e: {  	_ =	shalt  }
0x4f: {  	_ =	shalt  }
0x50: {  	_ =	shalt  }
0x51: {  	_ =	shalt  }
0x52: {  	_ =	shalt  }
0x53: {  	_ =	shalt  }
0x54: {  	_ =	shalt  }
0x55: {  	_ =	shalt  }
0x56: {  	_ =	shalt  }
0x57: {  	_ =	shalt  }
0x58: {  	_ =	shalt  }
0x59: {  	_ =	shalt  }
0x5a: {  	_ =	shalt  }
0x5b: {  	_ =	shalt  }
0x5c: {  	_ =	shalt  }
0x5d: {  	_ =	shalt  }
0x5e: {  	_ =	shalt  }
0x5f: {  	_ =	shalt  }
0x60: {  	_ =	shalt  }
0x61: {  	_ =	shalt  }
0x62: {  	_ =	shalt  }
0x63: {  	_ =	shalt  }
0x64: {  	_ =	shalt  }
0x65: {  	_ =	shalt  }
0x66: {  	_ =	shalt  }
0x67: {  	_ =	shalt  }
0x68: {  	_ =	shalt  }
0x69: {  	_ =	shalt  }
0x6a: {  	_ =	shalt  }
0x6b: {  	_ =	shalt  }
0x6c: {  	_ =	shalt  }
0x6d: {  	_ =	shalt  }
0x6e: {  	_ =	shalt  }
0x6f: {  	_ =	shalt  }
0x70: {  	_ =	shalt  }
0x71: {  	_ =	shalt  }
0x72: {  	_ =	shalt  }
0x73: {  	_ =	shalt  }
0x74: {  	_ =	shalt  }
0x75: {  	_ =	shalt  }
0x76: {  	_ =	shalt  }
0x77: {  	_ =	shalt  }
0x78: {  	_ =	shalt  }
0x79: {  	_ =	shalt  }
0x7a: {  	_ =	shalt  }
0x7b: {  	_ =	shalt  }
0x7c: {  	_ =	shalt  }
0x7d: {  	_ =	shalt  }
0x7e: {  	_ =	shalt  }
0x7f: {  	_ =	shalt  }
0x80: {  	_ =	shalt  }
0x81: {  	_ =	shalt  }
0x82: {  	_ =	shalt  }
0x83: {  	_ =	shalt  }
0x84: {  	_ =	shalt  }
0x85: {  	_ =	shalt  }
0x86: {  	_ =	shalt  }
0x87: {  	_ =	shalt  }
.Lfunc_end0:
.L_simem_size_0:
called_computation_lowered:
.L_overlay_start_0:
0x88: {  	s2 =	sld [smem:$0x3FD9]  }
0x89: {  	s3 =	sld [smem:$0x3FFE];
	_ =	sdelay $0x1  }
0x8a: {  	s1 =	srdreg.scid  }
0x8b: {  	s0 =	sand.u32 $0x1, s1  }
0x8c: {  	s17 =	sshll.u32 s0, $0xA;
	s2 =	sadd.s32 s3, s2  }
0x8d: {  	s2 =	sadd.s32 s2, s17  }
0x8e: {  	[smem:$0x3FC0] =	sst s2  }
0x8f: {  	_ = 	snop  }
0x90: {  	s2 =	sld [smem:$0x3FD0];
	(tm) =	ssettm $0x1  }
0x91: {  	s18 =	sld [smem:$0x3FFB];
	_ =	sdelay $0x3  }
0x92: {  	_ =	strace s18  }
0x93: {  	s3 =	sld [smem:$0x3FFC];
	_ =	sdelay $0x3  }
0x94: {  	_ =	strace s3  }
0x95: {  	s3 =	sld [smem:$0x3FFD];
	_ =	sdelay $0x3  }
0x96: {  	_ =	strace s3  }
0x97: {  	_ =	strace $0x8FFFFFFF  }
0x98: {  	s19 =	sld [smem:$0x3FDB];
	_ =	sdelay $0x1  }
0x99: {  	s4 =	simm.s32 $_scs_section_size  }
0x9a: {  	s5 =	simm.s32 $_size__tile_overlayer_lowered;
	s6 =	simm.s32 $_tile_overlayer_lowered  }
0x9b: {  	s22 =	simm.s32 $0x1BFF;
	s21 =	sshll.u32 s6, $0x1;
	s3 =	sadd.s32 s4, s19  }
0x9c: {  	s7 =	simm.s32 $0x0;
	s20 =	sshll.u32 s5, $0x1;
	s5 =	sadd.s32 s21, s3  }
0x9d: {  	[timem:s7], [sflag:s22] =	dma.local [hbm:s5], s20  }
0x9e: {  	_ =	swait.ge [sflag:s22], s20  }
0x9f: {  	s4 =	ssub.s32 $0x0, s20;
	[sflag:s22] =	ssyncset.done $0x0  }
0xa0: {  	[sflag:s22] =	ssyncadd.s32 s4;
	_ =	sdelay $0x1  }
0xa1: {  	s23 =	simm.s32 $0x1B8B  }
0xa2: {  	_ =	swait.ge [sflag:s23], $0x1  }
0xa3: {  	[sflag:s23] =	ssyncset.done $0x0  }
0xa4: {  	s25 =	simm.s32 $0x1B8E;
	s24 =	sld [smem:$0x3FFE];
	[sflag:s23] =	ssyncadd.s32 $0xFFFFFFFF  }
0xa5: {  	s26 =	simm.s32 $execute0_lowered;
	[smem:$0x3FD2] =	sst s25  }
0xa6: {  	s5 =	sshll.u32 s26, $0x1;
	_ =	strace $0x80000046;
	[dreg:$0x1] =	wrdreg $0xFFFFFFFF  }
0xa7: {  	s28 =	simm.s32 $_size_execute0_lowered;
	s3 =	sadd.s32 s3, s5;
	[dreg:$0x0] =	wrdreg $0x0  }
0xa8: {  	s5 =	sshll.u32 s28, $0x1;
	[dreg:$0x2] =	wrdreg s3  }
0xa9: {  	[dreg:$0x3] =	wrdreg s5  }
0xaa: {  	[dreg:$0x4] =	wrdreg $0xC0  }
0xab: {  	_ =	task [dreg:s7], $0x5FFFF  }
0xac: {  	[dreg:$0x1] =	wrdreg $0xFFFFFFFF  }
0xad: {  	[dreg:$0x0] =	wrdreg $0x60  }
0xae: {  	[dreg:$0x2] =	wrdreg s24  }
0xaf: {  	[dreg:$0x3] =	wrdreg s2  }
0xb0: {  	[dreg:$0x4] =	wrdreg $0x30800  }
0xb1: {  	[dreg:$0x5] =	wrdreg $0x9  }
0xb2: {  	_ =	task.clear_ibuf [dreg:s7], $0x6FFFF;
	_ =	strace $0x90000046  }
0xb3: {  	s29 =	simm.s32 $0x9;
	_ =	strace $0x80000048  }
0xb4: {  	_ =	swait.ge [sflag:s29], $0x1  }
0xb5: {  	[sflag:s29] =	ssyncadd.s32 $0xFFFFFFFF  }
0xb6: {  	_ =	strace $0x90000048  }
0xb7: {  	_ =	sfence  }
0xb8: {  	s30 =	sld [smem:$0x0];
	_ =	sdelay $0x2  }
0xb9: {  	s31 =	sshll.u32 s1, $0xD;
	s1 =	sshrl.u32 s1, $0x2  }
0xba: {  	s3 =	sand.u32 $0x4000, s31;
	s1 =	sadd.s32 s1, s30  }
0xbb: {  	s0 =	sor.u32 s3, s0;
	s1 =	sshll.u32 s1, $0x11  }
0xbc: {  	s0 =	sor.u32 s1, s0  }
0xbd: {  	s0 =	sadd.s32 $0x8F2B, s0  }
0xbe: {  	[sflag:s0] =	ssyncadd.remote.s32 $0x1  }
0xbf: {  	_ =	sfence.sel $0xFFFF  }
0xc0: {  	[dreg:$0x0] =	wrdreg $0xFFFFFFFF;
	(pc) =	sbr.abs _section_cstart, $3  }
0xc1: {  	[dreg:$0x1] =	wrdreg $0xFFFFFFFF  }
0xc2: {  	_ =	task.clear_ibuf [dreg:s7], $0x2FFFF;
	_ =	strace $0x9FFFFFFF  }
0xc3: {  	(tm) =	ssettm $0x7FFFFFFF  }
tec
execute0_lowered:
.L_overlay_start_1:
0x0: {  	(tag) =	ssettag $0x1  }
0x1: {  	s3 =	rddreg [dreg:$0x0]  }
0x2: {  	s4 =	rddreg [dreg:$0x1];
	s0 =	srdreg.scid  }
0x3: {  	s12 =	stileid.u32;
	s1 =	rddreg [dreg:$0x2]  }
0x4: {  	s2 =	simm.s32 $0x0;
	s10 =	simm.s32 $0x2880;
	s11 =	simm.s32 $0x1  }
0x5: {  	s13 =	simm.s32 $0x2800;
	s5 =	sand.u32 $0x1, s0;
	s0 =	rddreg [dreg:$0x3]  }
0x6: {  	s6 =	sshll.u32 s12, $0x1;
	[smem:$0x7FF] =	sst s2;
	s8 =	sadd.s32 $0x1770, s1  }
0x7: {  	s9 =	sadd.s32 $0x1F40, s1;
	p1 =	seq.s32 s12, $0x0;
	p0 =	sne.s32 s12, $0x0  }
0x8: {  	s12 =	simm.s32 $0x7D;
	s6 =	sor.u32 s5, s6;
	_ =	strace $0x80000047  }
0x9: {  	s7 =	ssub.s32 $0x2, s5;
	s5 =	sshll.u32 s5, $0x4;
	s6 =	smul.u32 $0x500, s6  }
0xa: {  	s14 =	sshrl.u32 @!p0 s1, $0x3;
	s31 =	sshrl.u32 s7, $0x1;
	s4 =	sadd.s32 s4, s5  }
0xb: {  	s3 =	sadd.s32 s6, s3;
	s6 =	ssub.s32 s7, s31;
	s7 =	sadd.s32 $0xFA0, s1  }
0xc: {  	v0 =	vimm.f32 $1.000000000e+00;
	v1 =	vimm.f32 $0.0e+00;
	s3 =	sadd.s32 $0x1A00, s3;
	s5 =	smax.u32 s6, $0x1;
	s6 =	sadd.s32 $0x7D0, s1  }
.LBB2_1:
0xd: {  	[tilespmem:$0x2800] =	vst v0  }
0xe: {  	[tilespmem:$0x2810] =	vst v0  }
0xf: {  	[tilespmem:$0x2820] =	vst v0  }
.Ltmp0:
0x10: {  	[tilespmem:$0x2830] =	vst v0;
	(pc) =	sbr.rel @!p1 .LBB2_5-.Ltmp0, $4  }
0x11: {  	[tilespmem:$0x2840] =	vst v0  }
0x12: {  	[tilespmem:$0x2850] =	vst v0  }
0x13: {  	[tilespmem:$0x2860] =	vst v0  }
0x14: {  	[tilespmem:$0x2870] =	vst v0  }
0x15: {  	s15 =	simm.s32 $0x40;
	s16 =	simm.s32 $0x0  }
.LBB2_3:
0x16: {  	p2 =	seq.s32 s15, $0x1FC0;
	[tilespmem:s16+$0x2880] =	vst v1;
	s16 =	smov.u32 s15;
	s15 =	sadd.s32 $0x40, s15  }
.Ltmp1:
0x17: {  	(pc) =	sbr.rel @!p2 .LBB2_3-.Ltmp1, $2  }
0x18: {  	_ =	sdelay $0x2  }
0x19: {  	s16 =	sshra.s32 s16, $0x2  }
0x1a: {  	[tilespmem:s16+$0x2880] =	vst v1  }
0x1b: {  	[spmem:s1] =	stream.linear.scatter [tilespmem:s10], [sflag:$0x1], $0x7D0, $0x38;
	[tilespmem:$0x32F8] =	vst v63  }
0x1c: {  	_ =	swait.ge [sflag:s11], $0x7D0  }
0x1d: {  	[sflag:s11] =	ssyncset.done $0x0  }
0x1e: {  	[sflag:s11] =	ssyncadd.s32 $0xFFFFF830  }
0x1f: {  	[spmem:s6] =	stream.linear.scatter [tilespmem:s10], [sflag:$0x1], $0x7D0, $0x38;
	[tilespmem:$0x32F8] =	vst v63  }
0x20: {  	_ =	swait.ge [sflag:s11], $0x7D0  }
0x21: {  	[sflag:s11] =	ssyncset.done $0x0  }
0x22: {  	[sflag:s11] =	ssyncadd.s32 $0xFFFFF830  }
0x23: {  	[spmem:s7] =	stream.linear.scatter [tilespmem:s10], [sflag:$0x1], $0x7D0, $0x38;
	[tilespmem:$0x32F8] =	vst v63  }
0x24: {  	_ =	swait.ge [sflag:s11], $0x7D0  }
0x25: {  	[sflag:s11] =	ssyncset.done $0x0  }
0x26: {  	[sflag:s11] =	ssyncadd.s32 $0xFFFFF830  }
0x27: {  	[spmem:s8] =	stream.linear.scatter [tilespmem:s10], [sflag:$0x1], $0x7D0, $0x38;
	[tilespmem:$0x32F8] =	vst v63  }
0x28: {  	_ =	swait.ge [sflag:s11], $0x7D0  }
0x29: {  	[sflag:s11] =	ssyncset.done $0x0  }
0x2a: {  	[sflag:s11] =	ssyncadd.s32 $0xFFFFF830  }
0x2b: {  	[spmem:s9] =	stream.linear.scatter [tilespmem:s10], [sflag:$0x1], $0x7D0, $0x38;
	[tilespmem:$0x32F8] =	vst v63  }
0x2c: {  	_ =	swait.ge [sflag:s11], $0x7D0  }
0x2d: {  	[sflag:s11] =	ssyncset.done $0x0  }
0x2e: {  	[sflag:s11] =	ssyncadd.s32 $0xFFFFF830  }
.LBB2_5:
0x2f: {  	s15 =	simm.s32 $0x0  }
0x30: {  	[tilespmem:s15], [sflag:$0x1] =	stream.linear.gather [hbm4b:s3+s15], $0x2800, $0x38;
	[tilespmem:$0x32F8] =	vst v63  }
0x31: {  	_ =	swait.ge [sflag:s11], $0x2800  }
0x32: {  	[sflag:s11] =	ssyncset.done $0x0  }
0x33: {  	[sflag:s11] =	ssyncadd.s32 $0xFFFFD800  }
0x34: {  	s31 =	simm.s32 $0x0;
	[bflag:$0x0] =	sbarrier.arrive $0xFFFF  }
0x35: {  	[spmem:s1] =	stream.indirect.scatter.add.f32 [tilespmem:s13], [sflag:$0x1], $0x1, s31, s12, $0xb8;
	[tilespmem:$0x32F8] =	vst v63  }
0x36: {  	_ =	swait.ge [sflag:s11], $0x7D  }
0x37: {  	s15 =	simm.s32 $0x200;
	[sflag:s11] =	ssyncset.done $0x0  }
.LBB2_6:
0x38: {  	s16 =	sshra.s32 s15, $0x2;
	[sflag:s11] =	ssyncadd.s32 $0xFFFFFF83;
	p2 =	sne.s32 s15, $0x9E00  }
0x39: {  	[spmem:s1] =	stream.indirect.scatter.add.f32 [tilespmem:s13], [sflag:$0x1], $0x1, s16, s12, $0xb8;
	[tilespmem:$0x32F8] =	vst v63  }
.Ltmp2:
0x3a: {  	_ = 	snop;
	(pc) =	sbr.rel @p2 .LBB2_6-.Ltmp2, $4  }
0x3b: {  	_ = 	snop  }
0x3c: {  	s15 =	sadd.s32 $0x200, s15  }
0x3d: {  	_ =	swait.ge [sflag:s11], $0x7D  }
0x3e: {  	[sflag:s11] =	ssyncset.done $0x0  }
0x3f: {  	[sflag:s11] =	ssyncadd.s32 $0xFFFFFF83;
	s15 =	simm.s32 @!p0 $0x1;
	s2 =	sadd.s32 $0x1, s2  }
0x40: {  	s16 =	simm.s32 @!p0 $0x20;
	s17 =	simm.s32 @!p0 $0x10;
	p2 =	sne.s32 s2, s5  }
.Ltmp3:
0x41: {  	s18 =	simm.s32 @!p0 $0x1C01;
	[bflag:$0x0] =	sbarrier.arrive $0xFFFF;
	(pc) =	sbr.rel @p2 .LBB2_1-.Ltmp3, $4  }
0x42: {  	[hbm:s4@s16], [sflag:s18] =	dma.strided @!p0 [spmem:s14@s17], $0x4F0, s15, $0x10   }
0x43: {  	_ =	swait.ge @!p0 [sflag:s15], $0x4F0  }
0x44: {  	[sflag:s15] =	ssyncset.done @!p0 $0x0  }
0x45: {  	[sflag:s15] =	ssyncadd.s32 @!p0 $0xFFFFFB10  }
0x46: {  	_ =	sfence.sel $0x180000  }
0x47: {  	[bflag:$0x0] =	sbarrier.arrive $0xFFFF  }
0x48: {  	_ =	strace $0x90000047  }
0x49: {  	s0 =	sadd.s32 @!p0 $0x100000, s0;
	[bflag:$0x2] =	sbarrier.arrive $0xFFFF  }
0x4a: {  	[sflag:s0] =	ssyncadd.tile.s32 @!p0 $0x1;
	_ =	shalt  }
.Lfunc_end2:
_tile_overlayer_lowered:
.L_overlay_start_2:
0x4b: {  	(tag) =	ssettag $0x2  }
0x4c: {  	s0 =	rddreg [dreg:$0x0];
	s2 =	stileid.u32  }
0x4d: {  	s1 =	rddreg [dreg:$0x1];
	p0 =	sne.s32 s2, $0x0  }
0x4e: {  	s3 =	rddreg [dreg:$0x2];
	[bflag:$0x3] =	sbarrier.arrive $0xFFFF;
	s2 =	simm.s32 @!p0 $0x1C01  }
0x4f: {  	[timem:s3], [sflag:s2] =	dma.local @!p0 [hbm:s0], s1  }
0x50: {  	s0 =	simm.s32 @!p0 $0x1  }
0x51: {  	_ =	swait.ge @!p0 [sflag:s0], s1  }
0x52: {  	s1 =	ssub.s32 @!p0 $0x0, s1;
	[sflag:s0] =	ssyncset.done @!p0 $0x0  }
0x53: {  	[sflag:s0] =	ssyncadd.s32 @!p0 s1  }
0x54: {  	[bflag:$0x3] =	sbarrier.arrive $0xFFFF  }
0x55: {  	_ =	shalt  }

</sc_bundles>
